<compile_context>
chip_gen: v7x
topology: tpu7x:2x2x1
jax: 0.10.2.dev20260603
libtpu: 0.0.44.dev20260713+nightly
codegen_flags: <defaults>
</compile_context>

<pallas_src>
import functools

import jax
import jax.numpy as jnp
from jax import lax
from jax.experimental import pallas as pl
from jax.experimental.pallas import tpu as pltpu
from jax.experimental.pallas import tpu_sc as plsc

INV_QUAN = 50.0
NHEAD = 16
LANES = 16
NC, NS = 2, 16
NW = NC * NS


@functools.lru_cache(maxsize=None)
def _rpe_sc_kernel(max_len, n_points):
    ppw = n_points // NW
    SLAB = 128
    n_slabs = ppw // SLAB
    g_per_slab = SLAB // LANES

    mesh = plsc.VectorSubcoreMesh(core_axis_name="c", subcore_axis_name="s")

    @functools.partial(
        pl.kernel,
        mesh=mesh,
        out_type=jax.ShapeDtypeStruct((NW, ppw, NHEAD), jnp.float32),
        compiler_params=pltpu.CompilerParams(needs_layout_passes=False),
        scratch_types=[
            pltpu.VMEM((max_len * NHEAD,), jnp.float32),
            pltpu.VMEM((ppw,), jnp.float32),
            pltpu.VMEM((ppw,), jnp.float32),
            pltpu.VMEM((ppw,), jnp.float32),
            pltpu.VMEM((SLAB, NHEAD), jnp.float32),
            pltpu.VMEM((SLAB, NHEAD), jnp.float32),
            pltpu.SemaphoreType.DMA,
            pltpu.SemaphoreType.DMA,
        ],
    )
    def k(x_hbm, y_hbm, z_hbm, table_hbm, out_hbm,
          tbl_v, x_v, y_v, z_v, ob0_v, ob1_v, sem0, sem1):
        wid = lax.axis_index("s") * NC + lax.axis_index("c")
        base = wid * ppw
        tbl_cp = pltpu.async_copy(table_hbm, tbl_v, sem0)
        pltpu.sync_copy(x_hbm.at[pl.ds(base, ppw)], x_v)
        pltpu.sync_copy(y_hbm.at[pl.ds(base, ppw)], y_v)
        pltpu.sync_copy(z_hbm.at[pl.ds(base, ppw)], z_v)

        lanes = lax.iota(jnp.int32, LANES)
        zero = lanes * 0
        bmax = (max_len - 1) * NHEAD

        @plsc.parallel_loop(0, ppw // LANES, unroll=2)
        def _(g):
            off = g * LANES
            x = x_v[pl.ds(off, LANES)]
            y = y_v[pl.ds(off, LANES)]
            z = z_v[pl.ds(off, LANES)]
            s = jnp.maximum(x * x + y * y + z * z, 1e-30)
            bits = lax.bitcast_convert_type(s, jnp.int32)
            r = lax.bitcast_convert_type(0x5F3759DF - (bits >> 1), jnp.float32)
            hs = 0.5 * s
            r = r * (1.5 - hs * r * r)
            r = r * (1.5 - hs * r * r)
            r = r * (1.5 - hs * r * r)
            d = s * r * INV_QUAN
            i1 = d.astype(jnp.int32)
            w1 = (i1 + 1).astype(jnp.float32) - d
            b1 = jnp.minimum(i1, max_len - 1) * NHEAD
            x_v[pl.ds(off, LANES)] = lax.bitcast_convert_type(b1, jnp.float32)
            y_v[pl.ds(off, LANES)] = w1

        tbl_cp.wait()

        def group(out_v, slab, g):
            off = slab * SLAB + g * LANES
            b1 = lax.bitcast_convert_type(x_v[pl.ds(off, LANES)], jnp.int32)
            w1 = y_v[pl.ds(off, LANES)]
            b2 = jnp.minimum(b1 + NHEAD, bmax)
            w2 = 1.0 - w1
            orow = g * LANES + lanes
            for c in range(NHEAD):
                e1 = plsc.load_gather(tbl_v, [b1 + c])
                e2 = plsc.load_gather(tbl_v, [b2 + c])
                plsc.store_scatter(out_v, [orow, zero + c], e1 * w1 + e2 * w2)

        bufs = (ob0_v, ob1_v)
        sems = (sem0, sem1)

        def slab_pair(j, _):
            for b in range(2):
                slab = j * 2 + b

                @pl.when(j > 0)
                def _():
                    pltpu.make_async_copy(
                        bufs[b], out_hbm.at[wid, pl.ds(0, SLAB), :], sems[b]
                    ).wait()

                plsc.parallel_loop(0, g_per_slab, unroll=1)(
                    functools.partial(group, bufs[b], slab)
                )
                pltpu.make_async_copy(
                    bufs[b], out_hbm.at[wid, pl.ds(slab * SLAB, SLAB), :], sems[b]
                ).start()
            return 0

        lax.fori_loop(0, n_slabs // 2, slab_pair, 0)
        for b in range(2):
            pltpu.make_async_copy(
                bufs[b], out_hbm.at[wid, pl.ds(0, SLAB), :], sems[b]
            ).wait()

    return k


def kernel(batch_rel_coords, pos_embed):
    nb, np_, _ = batch_rel_coords.shape
    n = nb * np_
    max_len = pos_embed.shape[0]
    out = _rpe_sc_kernel(max_len, n)(
        batch_rel_coords[:, :, 0].reshape(-1),
        batch_rel_coords[:, :, 1].reshape(-1),
        batch_rel_coords[:, :, 2].reshape(-1),
        pos_embed.reshape(-1),
    )
    return out.reshape(nb, np_, NHEAD)

# --- scband reference (transcript-rebuilt; emitter-appended) ---
"""Pipeline reference for scband-rpe-45775761440806 (READ-ONLY COPY).

The authoritative reference and input builder live on the scoring server;
editing this copy changes nothing except your own understanding.
"""

import jax, jax.numpy as jnp
import numpy as np

NHEAD = 16
QUAN_SIZE = 0.02
PC_RANGE = np.array([0.0, -40.0, -3.0, 70.4, 40.0, 1.0])
_diag = PC_RANGE[3:6] - PC_RANGE[0:3]
MAX_LEN = int(((_diag ** 2).sum() ** 0.5) // QUAN_SIZE + 1)


def setup_inputs(seed: int = 0) -> dict:
    key = jax.random.key(seed)
    k1, k2 = jax.random.split(key)
    batch_rel_coords = jax.random.normal(k1, (8, 16384, 3), dtype=jnp.float32)
    # nn.Embedding weight, initialized with nn.init.uniform_ -> U[0, 1)
    pos_embed = jax.random.uniform(k2, (MAX_LEN, NHEAD), dtype=jnp.float32)
    return {"batch_rel_coords": batch_rel_coords, "pos_embed": pos_embed}


def reference(batch_rel_coords, pos_embed):
    max_len = pos_embed.shape[0]
    dist = jnp.linalg.norm(batch_rel_coords, axis=-1)
    dist = dist / QUAN_SIZE
    idx1 = dist.astype(jnp.int32)  # dist >= 0, truncation == floor, matches torch .long()
    idx2 = idx1 + 1
    w1 = idx2.astype(dist.dtype) - dist
    w2 = dist - idx1.astype(dist.dtype)
    idx1 = jnp.where(idx1 >= max_len, max_len - 1, idx1)
    idx2 = jnp.where(idx2 >= max_len, max_len - 1, idx2)
    embed1 = jnp.take(pos_embed, idx1, axis=0)
    embed2 = jnp.take(pos_embed, idx2, axis=0)
    embed = embed1 * w1[..., None] + embed2 * w2[..., None]
    return embed

if __name__ == "__main__":
    import jax
    _d = setup_inputs()
    print(jax.jit(kernel)(*tuple(_d.values())))

</pallas_src>

<mosaic_0001>
#map = affine_map<(d0, d1) -> (0)>
#map1 = affine_map<(d0, d1) -> (0, 0, 0)>
module attributes {stable_mosaic.version = 14 : i64} {
  func.func @k(%arg0: i32, %arg1: i32, %arg2: memref<131072xf32, #tpu.memory_space<hbm>>, %arg3: memref<131072xf32, #tpu.memory_space<hbm>>, %arg4: memref<131072xf32, #tpu.memory_space<hbm>>, %arg5: memref<85328xf32, #tpu.memory_space<hbm>>, %arg6: memref<32x4096x16xf32, #tpu.memory_space<hbm>>, %arg7: memref<85328xf32, #tpu.memory_space<vmem>>, %arg8: memref<4096xf32, #tpu.memory_space<vmem>>, %arg9: memref<4096xf32, #tpu.memory_space<vmem>>, %arg10: memref<4096xf32, #tpu.memory_space<vmem>>, %arg11: memref<128x16xf32, #tpu.memory_space<vmem>>, %arg12: memref<128x16xf32, #tpu.memory_space<vmem>>, %arg13: memref<!tpu.dma_semaphore, #tpu.memory_space<semaphore_mem>>, %arg14: memref<!tpu.dma_semaphore, #tpu.memory_space<semaphore_mem>>) attributes {dimension_semantics = [#tpu.dimension_semantics<core_parallel>, #tpu.dimension_semantics<subcore_parallel>], iteration_bounds = array<i64: 2, 16>, scalar_prefetch = 0 : i64, scratch_operands = 8 : i64, tpu.core_type = #tpu.core_type<sc_vector_subcore>, window_params = [{transform_indices = #map}, {transform_indices = #map}, {transform_indices = #map}, {transform_indices = #map}, {transform_indices = #map1}]} {
    %mul3A = arith.constant 2 : i32
    %mul3A_0 = arith.muli %arg1, %mul3A : i32
    %add3A = arith.addi %mul3A_0, %arg0 : i32
    %mul3A_1 = arith.constant 4096 : i32
    %mul3A_2 = arith.muli %add3A, %mul3A_1 : i32
    tpu.enqueue_dma source(%arg5 : memref<85328xf32, #tpu.memory_space<hbm>>) target(%arg7 : memref<85328xf32, #tpu.memory_space<vmem>>) target_semaphore(%arg13 : memref<!tpu.dma_semaphore, #tpu.memory_space<semaphore_mem>>)
    "tpu.region"() ({
      %run_scoped3A = tpu.sem_alloc : memref<!tpu.dma_semaphore, #tpu.memory_space<semaphore_mem>>
      %dma_start3A = tpu.memref_slice %arg2[%mul3A_2] : memref<131072xf32, #tpu.memory_space<hbm>> -> memref<4096xf32, #tpu.memory_space<hbm>>
      %dma_start3A_29 = tpu.memref_slice %arg2[%mul3A_2] : memref<131072xf32, #tpu.memory_space<hbm>> -> memref<4096xf32, #tpu.memory_space<hbm>>
      tpu.enqueue_dma source(%dma_start3A_29 : memref<4096xf32, #tpu.memory_space<hbm>>) target(%arg8 : memref<4096xf32, #tpu.memory_space<vmem>>) target_semaphore(%run_scoped3A : memref<!tpu.dma_semaphore, #tpu.memory_space<semaphore_mem>>)
      %dma_wait3A_30 = tpu.memref_slice %arg2[%mul3A_2] : memref<131072xf32, #tpu.memory_space<hbm>> -> memref<4096xf32, #tpu.memory_space<hbm>>
      %dma_wait3A_31 = tpu.memref_slice %arg2[%mul3A_2] : memref<131072xf32, #tpu.memory_space<hbm>> -> memref<4096xf32, #tpu.memory_space<hbm>>
      tpu.wait_dma2 semaphore(%run_scoped3A : memref<!tpu.dma_semaphore, #tpu.memory_space<semaphore_mem>>) src(%dma_wait3A_31 : memref<4096xf32, #tpu.memory_space<hbm>>) dst(%arg8 : memref<4096xf32, #tpu.memory_space<vmem>>)
      tpu.yield
    }) : () -> ()
    "tpu.region"() ({
      %run_scoped3A = tpu.sem_alloc : memref<!tpu.dma_semaphore, #tpu.memory_space<semaphore_mem>>
      %dma_start3A = tpu.memref_slice %arg3[%mul3A_2] : memref<131072xf32, #tpu.memory_space<hbm>> -> memref<4096xf32, #tpu.memory_space<hbm>>
      %dma_start3A_29 = tpu.memref_slice %arg3[%mul3A_2] : memref<131072xf32, #tpu.memory_space<hbm>> -> memref<4096xf32, #tpu.memory_space<hbm>>
      tpu.enqueue_dma source(%dma_start3A_29 : memref<4096xf32, #tpu.memory_space<hbm>>) target(%arg9 : memref<4096xf32, #tpu.memory_space<vmem>>) target_semaphore(%run_scoped3A : memref<!tpu.dma_semaphore, #tpu.memory_space<semaphore_mem>>)
      %dma_wait3A_30 = tpu.memref_slice %arg3[%mul3A_2] : memref<131072xf32, #tpu.memory_space<hbm>> -> memref<4096xf32, #tpu.memory_space<hbm>>
      %dma_wait3A_31 = tpu.memref_slice %arg3[%mul3A_2] : memref<131072xf32, #tpu.memory_space<hbm>> -> memref<4096xf32, #tpu.memory_space<hbm>>
      tpu.wait_dma2 semaphore(%run_scoped3A : memref<!tpu.dma_semaphore, #tpu.memory_space<semaphore_mem>>) src(%dma_wait3A_31 : memref<4096xf32, #tpu.memory_space<hbm>>) dst(%arg9 : memref<4096xf32, #tpu.memory_space<vmem>>)
      tpu.yield
    }) : () -> ()
    "tpu.region"() ({
      %run_scoped3A = tpu.sem_alloc : memref<!tpu.dma_semaphore, #tpu.memory_space<semaphore_mem>>
      %dma_start3A = tpu.memref_slice %arg4[%mul3A_2] : memref<131072xf32, #tpu.memory_space<hbm>> -> memref<4096xf32, #tpu.memory_space<hbm>>
      %dma_start3A_29 = tpu.memref_slice %arg4[%mul3A_2] : memref<131072xf32, #tpu.memory_space<hbm>> -> memref<4096xf32, #tpu.memory_space<hbm>>
      tpu.enqueue_dma source(%dma_start3A_29 : memref<4096xf32, #tpu.memory_space<hbm>>) target(%arg10 : memref<4096xf32, #tpu.memory_space<vmem>>) target_semaphore(%run_scoped3A : memref<!tpu.dma_semaphore, #tpu.memory_space<semaphore_mem>>)
      %dma_wait3A_30 = tpu.memref_slice %arg4[%mul3A_2] : memref<131072xf32, #tpu.memory_space<hbm>> -> memref<4096xf32, #tpu.memory_space<hbm>>
      %dma_wait3A_31 = tpu.memref_slice %arg4[%mul3A_2] : memref<131072xf32, #tpu.memory_space<hbm>> -> memref<4096xf32, #tpu.memory_space<hbm>>
      tpu.wait_dma2 semaphore(%run_scoped3A : memref<!tpu.dma_semaphore, #tpu.memory_space<semaphore_mem>>) src(%dma_wait3A_31 : memref<4096xf32, #tpu.memory_space<hbm>>) dst(%arg10 : memref<4096xf32, #tpu.memory_space<vmem>>)
      tpu.yield
    }) : () -> ()
    %iota3A = tpu.iota {dimensions = array<i32: 0>} : vector<16xi32>
    %mul3A_3 = arith.constant 0 : i32
    %mul3A_4 = vector.broadcast %mul3A_3 : i32 to vector<16xi32>
    %mul3A_5 = arith.muli %iota3A, %mul3A_4 : vector<16xi32>
    %parallel_loop3A = arith.constant 0 : i32
    %parallel_loop3A_6 = arith.constant 256 : i32
    %parallel_loop3A_7 = arith.constant 1 : i32
    scf.for %parallel_loop3A_29 = %parallel_loop3A to %parallel_loop3A_6 step %parallel_loop3A_7  : i32 {
      %parallel_loop3A_30 = arith.constant 16 : i32
      %parallel_loop3A_31 = arith.muli %parallel_loop3A_29, %parallel_loop3A_30 : i32
      %parallel_loop3A_32 = arith.index_cast %parallel_loop3A_31 : i32 to index
      %parallel_loop3A_33 = tpu.vector_load %arg8[%parallel_loop3A_32] {strides = array<i32>} : memref<4096xf32, #tpu.memory_space<vmem>>, vector<16xf32>,
      %parallel_loop3A_34 = arith.index_cast %parallel_loop3A_31 : i32 to index
      %parallel_loop3A_35 = tpu.vector_load %arg9[%parallel_loop3A_34] {strides = array<i32>} : memref<4096xf32, #tpu.memory_space<vmem>>, vector<16xf32>,
      %parallel_loop3A_36 = arith.index_cast %parallel_loop3A_31 : i32 to index
      %parallel_loop3A_37 = tpu.vector_load %arg10[%parallel_loop3A_36] {strides = array<i32>} : memref<4096xf32, #tpu.memory_space<vmem>>, vector<16xf32>,
      %parallel_loop3A_38 = arith.mulf %parallel_loop3A_33, %parallel_loop3A_33 : vector<16xf32>
      %parallel_loop3A_39 = arith.mulf %parallel_loop3A_35, %parallel_loop3A_35 : vector<16xf32>
      %parallel_loop3A_40 = arith.addf %parallel_loop3A_38, %parallel_loop3A_39 : vector<16xf32>
      %parallel_loop3A_41 = arith.mulf %parallel_loop3A_37, %parallel_loop3A_37 : vector<16xf32>
      %parallel_loop3A_42 = arith.addf %parallel_loop3A_40, %parallel_loop3A_41 : vector<16xf32>
      %parallel_loop3A_43 = arith.constant 1.000000e-30 : f32
      %parallel_loop3A_44 = vector.broadcast %parallel_loop3A_43 : f32 to vector<16xf32>
      %parallel_loop3A_45 = arith.maximumf %parallel_loop3A_42, %parallel_loop3A_44 : vector<16xf32>
      %parallel_loop3A_46 = tpu.bitcast %parallel_loop3A_45 : vector<16xf32> -> vector<16xi32>
      %parallel_loop3A_47 = arith.constant 1 : i32
      %parallel_loop3A_48 = vector.broadcast %parallel_loop3A_47 : i32 to vector<16xi32>
      %parallel_loop3A_49 = arith.shrsi %parallel_loop3A_46, %parallel_loop3A_48 : vector<16xi32>
      %parallel_loop3A_50 = arith.constant 1597463007 : i32
      %parallel_loop3A_51 = vector.broadcast %parallel_loop3A_50 : i32 to vector<16xi32>
      %parallel_loop3A_52 = arith.subi %parallel_loop3A_51, %parallel_loop3A_49 : vector<16xi32>
      %parallel_loop3A_53 = tpu.bitcast %parallel_loop3A_52 : vector<16xi32> -> vector<16xf32>
      %parallel_loop3A_54 = arith.constant 5.000000e-01 : f32
      %parallel_loop3A_55 = vector.broadcast %parallel_loop3A_54 : f32 to vector<16xf32>
      %parallel_loop3A_56 = arith.mulf %parallel_loop3A_55, %parallel_loop3A_45 : vector<16xf32>
      %parallel_loop3A_57 = arith.mulf %parallel_loop3A_56, %parallel_loop3A_53 : vector<16xf32>
      %parallel_loop3A_58 = arith.mulf %parallel_loop3A_57, %parallel_loop3A_53 : vector<16xf32>
      %parallel_loop3A_59 = arith.constant 1.500000e+00 : f32
      %parallel_loop3A_60 = vector.broadcast %parallel_loop3A_59 : f32 to vector<16xf32>
      %parallel_loop3A_61 = arith.subf %parallel_loop3A_60, %parallel_loop3A_58 : vector<16xf32>
      %parallel_loop3A_62 = arith.mulf %parallel_loop3A_53, %parallel_loop3A_61 : vector<16xf32>
      %parallel_loop3A_63 = arith.mulf %parallel_loop3A_56, %parallel_loop3A_62 : vector<16xf32>
      %parallel_loop3A_64 = arith.mulf %parallel_loop3A_63, %parallel_loop3A_62 : vector<16xf32>
      %parallel_loop3A_65 = arith.constant 1.500000e+00 : f32
      %parallel_loop3A_66 = vector.broadcast %parallel_loop3A_65 : f32 to vector<16xf32>
      %parallel_loop3A_67 = arith.subf %parallel_loop3A_66, %parallel_loop3A_64 : vector<16xf32>
      %parallel_loop3A_68 = arith.mulf %parallel_loop3A_62, %parallel_loop3A_67 : vector<16xf32>
      %parallel_loop3A_69 = arith.mulf %parallel_loop3A_56, %parallel_loop3A_68 : vector<16xf32>
      %parallel_loop3A_70 = arith.mulf %parallel_loop3A_69, %parallel_loop3A_68 : vector<16xf32>
      %parallel_loop3A_71 = arith.constant 1.500000e+00 : f32
      %parallel_loop3A_72 = vector.broadcast %parallel_loop3A_71 : f32 to vector<16xf32>
      %parallel_loop3A_73 = arith.subf %parallel_loop3A_72, %parallel_loop3A_70 : vector<16xf32>
      %parallel_loop3A_74 = arith.mulf %parallel_loop3A_68, %parallel_loop3A_73 : vector<16xf32>
      %parallel_loop3A_75 = arith.mulf %parallel_loop3A_45, %parallel_loop3A_74 : vector<16xf32>
      %parallel_loop3A_76 = arith.constant 5.000000e+01 : f32
      %parallel_loop3A_77 = vector.broadcast %parallel_loop3A_76 : f32 to vector<16xf32>
      %parallel_loop3A_78 = arith.mulf %parallel_loop3A_75, %parallel_loop3A_77 : vector<16xf32>
      %parallel_loop3A_79 = arith.fptosi %parallel_loop3A_78 : vector<16xf32> to vector<16xi32>
      %parallel_loop3A_80 = arith.constant 1 : i32
      %parallel_loop3A_81 = vector.broadcast %parallel_loop3A_80 : i32 to vector<16xi32>
      %parallel_loop3A_82 = arith.addi %parallel_loop3A_79, %parallel_loop3A_81 : vector<16xi32>
      %parallel_loop3A_83 = arith.sitofp %parallel_loop3A_82 : vector<16xi32> to vector<16xf32>
      %parallel_loop3A_84 = arith.subf %parallel_loop3A_83, %parallel_loop3A_78 : vector<16xf32>
      %parallel_loop3A_85 = arith.constant 5332 : i32
      %parallel_loop3A_86 = vector.broadcast %parallel_loop3A_85 : i32 to vector<16xi32>
      %parallel_loop3A_87 = arith.minsi %parallel_loop3A_79, %parallel_loop3A_86 : vector<16xi32>
      %parallel_loop3A_88 = arith.constant 16 : i32
      %parallel_loop3A_89 = vector.broadcast %parallel_loop3A_88 : i32 to vector<16xi32>
      %parallel_loop3A_90 = arith.muli %parallel_loop3A_87, %parallel_loop3A_89 : vector<16xi32>
      %parallel_loop3A_91 = tpu.bitcast %parallel_loop3A_90 : vector<16xi32> -> vector<16xf32>
      %parallel_loop3A_92 = arith.index_cast %parallel_loop3A_31 : i32 to index
      %parallel_loop3A_93 = tpu.vector_load %arg8[%parallel_loop3A_92] {strides = array<i32>} : memref<4096xf32, #tpu.memory_space<vmem>>, vector<16xf32>,
      tpu.vector_store %arg8[%parallel_loop3A_92], %parallel_loop3A_91 {strides = array<i32>} : memref<4096xf32, #tpu.memory_space<vmem>>, vector<16xf32>,
      %parallel_loop3A_94 = arith.index_cast %parallel_loop3A_31 : i32 to index
      %parallel_loop3A_95 = tpu.vector_load %arg9[%parallel_loop3A_94] {strides = array<i32>} : memref<4096xf32, #tpu.memory_space<vmem>>, vector<16xf32>,
      tpu.vector_store %arg9[%parallel_loop3A_94], %parallel_loop3A_84 {strides = array<i32>} : memref<4096xf32, #tpu.memory_space<vmem>>, vector<16xf32>,
    } {sc.loop_unroll_factor = 2 : i64, sc.parallel_access}
    tpu.wait_dma2 semaphore(%arg13 : memref<!tpu.dma_semaphore, #tpu.memory_space<semaphore_mem>>) src(%arg5 : memref<85328xf32, #tpu.memory_space<hbm>>) dst(%arg7 : memref<85328xf32, #tpu.memory_space<vmem>>)
    %scan3A = arith.constant 0 : i32
    %scan3A_8 = arith.constant 0 : i32
    %scan3A_9 = arith.constant 16 : i32
    %scan3A_10 = arith.addi %scan3A_8, %scan3A_9 : i32
    %scan3A_11 = arith.constant 1 : i32
    %scan3A_12 = scf.for %scan3A_29 = %scan3A_8 to %scan3A_10 step %scan3A_11 iter_args(%scan3A_30 = %scan3A) -> (i32)  : i32 {
      %mul3A_31 = arith.constant 2 : i32
      %mul3A_32 = arith.muli %scan3A_29, %mul3A_31 : i32
      %add3A_33 = arith.constant 0 : i32
      %add3A_34 = arith.addi %mul3A_32, %add3A_33 : i32
      %gt3A = arith.constant 0 : i32
      %gt3A_35 = arith.cmpi sgt, %scan3A_29, %gt3A : i32
      %convert_element_type3A = arith.extui %gt3A_35 : i1 to i32
      %cond3A = arith.constant 0 : i32
      %cond3A_36 = arith.cmpi ne, %convert_element_type3A, %cond3A : i32
      scf.if %cond3A_36 {
        %dma_wait3A_68 = arith.constant 0 : i32
        %dma_wait3A_69 = arith.constant 0 : i32
        %dma_wait3A_70 = tpu.memref_slice %arg6[%add3A, %dma_wait3A_68, %dma_wait3A_69] : memref<32x4096x16xf32, #tpu.memory_space<hbm>> -> memref<1x128x16xf32, #tpu.memory_space<hbm>>
        %dma_wait3A_71 = tpu.memref_squeeze %dma_wait3A_70 : memref<1x128x16xf32, #tpu.memory_space<hbm>> -> memref<128x16xf32, #tpu.memory_space<hbm>>
        %dma_wait3A_72 = arith.constant 0 : i32
        %dma_wait3A_73 = arith.constant 0 : i32
        %dma_wait3A_74 = tpu.memref_slice %arg6[%add3A, %dma_wait3A_72, %dma_wait3A_73] : memref<32x4096x16xf32, #tpu.memory_space<hbm>> -> memref<1x128x16xf32, #tpu.memory_space<hbm>>
        %dma_wait3A_75 = tpu.memref_squeeze %dma_wait3A_74 : memref<1x128x16xf32, #tpu.memory_space<hbm>> -> memref<128x16xf32, #tpu.memory_space<hbm>>
        tpu.wait_dma2 semaphore(%arg13 : memref<!tpu.dma_semaphore, #tpu.memory_space<semaphore_mem>>) src(%arg11 : memref<128x16xf32, #tpu.memory_space<vmem>>) dst(%dma_wait3A_75 : memref<128x16xf32, #tpu.memory_space<hbm>>)
      } else {
      }
      %parallel_loop3A_37 = arith.constant 0 : i32
      %parallel_loop3A_38 = arith.constant 8 : i32
      %parallel_loop3A_39 = arith.constant 1 : i32
      scf.for %parallel_loop3A_68 = %parallel_loop3A_37 to %parallel_loop3A_38 step %parallel_loop3A_39  : i32 {
        %parallel_loop3A_69 = arith.constant 128 : i32
        %parallel_loop3A_70 = arith.muli %add3A_34, %parallel_loop3A_69 : i32
        %parallel_loop3A_71 = arith.constant 16 : i32
        %parallel_loop3A_72 = arith.muli %parallel_loop3A_68, %parallel_loop3A_71 : i32
        %parallel_loop3A_73 = arith.addi %parallel_loop3A_70, %parallel_loop3A_72 : i32
        %parallel_loop3A_74 = arith.index_cast %parallel_loop3A_73 : i32 to index
        %parallel_loop3A_75 = tpu.vector_load %arg8[%parallel_loop3A_74] {strides = array<i32>} : memref<4096xf32, #tpu.memory_space<vmem>>, vector<16xf32>,
        %parallel_loop3A_76 = tpu.bitcast %parallel_loop3A_75 : vector<16xf32> -> vector<16xi32>
        %parallel_loop3A_77 = arith.index_cast %parallel_loop3A_73 : i32 to index
        %parallel_loop3A_78 = tpu.vector_load %arg9[%parallel_loop3A_77] {strides = array<i32>} : memref<4096xf32, #tpu.memory_space<vmem>>, vector<16xf32>,
        %parallel_loop3A_79 = arith.constant 16 : i32
        %parallel_loop3A_80 = vector.broadcast %parallel_loop3A_79 : i32 to vector<16xi32>
        %parallel_loop3A_81 = arith.addi %parallel_loop3A_76, %parallel_loop3A_80 : vector<16xi32>
        %parallel_loop3A_82 = arith.constant 85312 : i32
        %parallel_loop3A_83 = vector.broadcast %parallel_loop3A_82 : i32 to vector<16xi32>
        %parallel_loop3A_84 = arith.minsi %parallel_loop3A_81, %parallel_loop3A_83 : vector<16xi32>
        %parallel_loop3A_85 = arith.constant 1.000000e+00 : f32
        %parallel_loop3A_86 = vector.broadcast %parallel_loop3A_85 : f32 to vector<16xf32>
        %parallel_loop3A_87 = arith.subf %parallel_loop3A_86, %parallel_loop3A_78 : vector<16xf32>
        %parallel_loop3A_88 = arith.constant 16 : i32
        %parallel_loop3A_89 = arith.muli %parallel_loop3A_68, %parallel_loop3A_88 : i32
        %parallel_loop3A_90 = vector.broadcast %parallel_loop3A_89 : i32 to vector<16xi32>
        %parallel_loop3A_91 = arith.addi %parallel_loop3A_90, %iota3A : vector<16xi32>
        %parallel_loop3A_92 = arith.constant 0 : i32
        %parallel_loop3A_93 = vector.broadcast %parallel_loop3A_92 : i32 to vector<16xi32>
        %parallel_loop3A_94 = arith.addi %parallel_loop3A_76, %parallel_loop3A_93 : vector<16xi32>
        %parallel_loop3A_95 = tpu.vector_load_idx %arg7[%parallel_loop3A_94] : memref<85328xf32, #tpu.memory_space<vmem>>[vector<16xi32>], vector<16xf32>,
        %parallel_loop3A_96 = arith.constant 0 : i32
        %parallel_loop3A_97 = vector.broadcast %parallel_loop3A_96 : i32 to vector<16xi32>
        %parallel_loop3A_98 = arith.addi %parallel_loop3A_84, %parallel_loop3A_97 : vector<16xi32>
        %parallel_loop3A_99 = tpu.vector_load_idx %arg7[%parallel_loop3A_98] : memref<85328xf32, #tpu.memory_space<vmem>>[vector<16xi32>], vector<16xf32>,
        %parallel_loop3A_100 = arith.constant 0 : i32
        %parallel_loop3A_101 = vector.broadcast %parallel_loop3A_100 : i32 to vector<16xi32>
        %parallel_loop3A_102 = arith.addi %mul3A_5, %parallel_loop3A_101 : vector<16xi32>
        %parallel_loop3A_103 = arith.mulf %parallel_loop3A_95, %parallel_loop3A_78 : vector<16xf32>
        %parallel_loop3A_104 = arith.mulf %parallel_loop3A_99, %parallel_loop3A_87 : vector<16xf32>
        %parallel_loop3A_105 = arith.addf %parallel_loop3A_103, %parallel_loop3A_104 : vector<16xf32>
        tpu.vector_store_idx %arg11[%parallel_loop3A_91, %parallel_loop3A_102], %parallel_loop3A_105 : memref<128x16xf32, #tpu.memory_space<vmem>>[vector<16xi32>, vector<16xi32>], vector<16xf32>,
        %parallel_loop3A_106 = arith.constant 1 : i32
        %parallel_loop3A_107 = vector.broadcast %parallel_loop3A_106 : i32 to vector<16xi32>
        %parallel_loop3A_108 = arith.addi %parallel_loop3A_76, %parallel_loop3A_107 : vector<16xi32>
        %parallel_loop3A_109 = tpu.vector_load_idx %arg7[%parallel_loop3A_108] : memref<85328xf32, #tpu.memory_space<vmem>>[vector<16xi32>], vector<16xf32>,
        %parallel_loop3A_110 = arith.constant 1 : i32
        %parallel_loop3A_111 = vector.broadcast %parallel_loop3A_110 : i32 to vector<16xi32>
        %parallel_loop3A_112 = arith.addi %parallel_loop3A_84, %parallel_loop3A_111 : vector<16xi32>
        %parallel_loop3A_113 = tpu.vector_load_idx %arg7[%parallel_loop3A_112] : memref<85328xf32, #tpu.memory_space<vmem>>[vector<16xi32>], vector<16xf32>,
        %parallel_loop3A_114 = arith.constant 1 : i32
        %parallel_loop3A_115 = vector.broadcast %parallel_loop3A_114 : i32 to vector<16xi32>
        %parallel_loop3A_116 = arith.addi %mul3A_5, %parallel_loop3A_115 : vector<16xi32>
        %parallel_loop3A_117 = arith.mulf %parallel_loop3A_109, %parallel_loop3A_78 : vector<16xf32>
        %parallel_loop3A_118 = arith.mulf %parallel_loop3A_113, %parallel_loop3A_87 : vector<16xf32>
        %parallel_loop3A_119 = arith.addf %parallel_loop3A_117, %parallel_loop3A_118 : vector<16xf32>
        tpu.vector_store_idx %arg11[%parallel_loop3A_91, %parallel_loop3A_116], %parallel_loop3A_119 : memref<128x16xf32, #tpu.memory_space<vmem>>[vector<16xi32>, vector<16xi32>], vector<16xf32>,
        %parallel_loop3A_120 = arith.constant 2 : i32
        %parallel_loop3A_121 = vector.broadcast %parallel_loop3A_120 : i32 to vector<16xi32>
        %parallel_loop3A_122 = arith.addi %parallel_loop3A_76, %parallel_loop3A_121 : vector<16xi32>
        %parallel_loop3A_123 = tpu.vector_load_idx %arg7[%parallel_loop3A_122] : memref<85328xf32, #tpu.memory_space<vmem>>[vector<16xi32>], vector<16xf32>,
        %parallel_loop3A_124 = arith.constant 2 : i32
        %parallel_loop3A_125 = vector.broadcast %parallel_loop3A_124 : i32 to vector<16xi32>
        %parallel_loop3A_126 = arith.addi %parallel_loop3A_84, %parallel_loop3A_125 : vector<16xi32>
        %parallel_loop3A_127 = tpu.vector_load_idx %arg7[%parallel_loop3A_126] : memref<85328xf32, #tpu.memory_space<vmem>>[vector<16xi32>], vector<16xf32>,
        %parallel_loop3A_128 = arith.constant 2 : i32
        %parallel_loop3A_129 = vector.broadcast %parallel_loop3A_128 : i32 to vector<16xi32>
        %parallel_loop3A_130 = arith.addi %mul3A_5, %parallel_loop3A_129 : vector<16xi32>
        %parallel_loop3A_131 = arith.mulf %parallel_loop3A_123, %parallel_loop3A_78 : vector<16xf32>
        %parallel_loop3A_132 = arith.mulf %parallel_loop3A_127, %parallel_loop3A_87 : vector<16xf32>
        %parallel_loop3A_133 = arith.addf %parallel_loop3A_131, %parallel_loop3A_132 : vector<16xf32>
        tpu.vector_store_idx %arg11[%parallel_loop3A_91, %parallel_loop3A_130], %parallel_loop3A_133 : memref<128x16xf32, #tpu.memory_space<vmem>>[vector<16xi32>, vector<16xi32>], vector<16xf32>,
        %parallel_loop3A_134 = arith.constant 3 : i32
        %parallel_loop3A_135 = vector.broadcast %parallel_loop3A_134 : i32 to vector<16xi32>
        %parallel_loop3A_136 = arith.addi %parallel_loop3A_76, %parallel_loop3A_135 : vector<16xi32>
        %parallel_loop3A_137 = tpu.vector_load_idx %arg7[%parallel_loop3A_136] : memref<85328xf32, #tpu.memory_space<vmem>>[vector<16xi32>], vector<16xf32>,
        %parallel_loop3A_138 = arith.constant 3 : i32
        %parallel_loop3A_139 = vector.broadcast %parallel_loop3A_138 : i32 to vector<16xi32>
        %parallel_loop3A_140 = arith.addi %parallel_loop3A_84, %parallel_loop3A_139 : vector<16xi32>
        %parallel_loop3A_141 = tpu.vector_load_idx %arg7[%parallel_loop3A_140] : memref<85328xf32, #tpu.memory_space<vmem>>[vector<16xi32>], vector<16xf32>,
        %parallel_loop3A_142 = arith.constant 3 : i32
        %parallel_loop3A_143 = vector.broadcast %parallel_loop3A_142 : i32 to vector<16xi32>
        %parallel_loop3A_144 = arith.addi %mul3A_5, %parallel_loop3A_143 : vector<16xi32>
        %parallel_loop3A_145 = arith.mulf %parallel_loop3A_137, %parallel_loop3A_78 : vector<16xf32>
        %parallel_loop3A_146 = arith.mulf %parallel_loop3A_141, %parallel_loop3A_87 : vector<16xf32>
        %parallel_loop3A_147 = arith.addf %parallel_loop3A_145, %parallel_loop3A_146 : vector<16xf32>
        tpu.vector_store_idx %arg11[%parallel_loop3A_91, %parallel_loop3A_144], %parallel_loop3A_147 : memref<128x16xf32, #tpu.memory_space<vmem>>[vector<16xi32>, vector<16xi32>], vector<16xf32>,
        %parallel_loop3A_148 = arith.constant 4 : i32
        %parallel_loop3A_149 = vector.broadcast %parallel_loop3A_148 : i32 to vector<16xi32>
        %parallel_loop3A_150 = arith.addi %parallel_loop3A_76, %parallel_loop3A_149 : vector<16xi32>
        %parallel_loop3A_151 = tpu.vector_load_idx %arg7[%parallel_loop3A_150] : memref<85328xf32, #tpu.memory_space<vmem>>[vector<16xi32>], vector<16xf32>,
        %parallel_loop3A_152 = arith.constant 4 : i32
        %parallel_loop3A_153 = vector.broadcast %parallel_loop3A_152 : i32 to vector<16xi32>
        %parallel_loop3A_154 = arith.addi %parallel_loop3A_84, %parallel_loop3A_153 : vector<16xi32>
        %parallel_loop3A_155 = tpu.vector_load_idx %arg7[%parallel_loop3A_154] : memref<85328xf32, #tpu.memory_space<vmem>>[vector<16xi32>], vector<16xf32>,
        %parallel_loop3A_156 = arith.constant 4 : i32
        %parallel_loop3A_157 = vector.broadcast %parallel_loop3A_156 : i32 to vector<16xi32>
        %parallel_loop3A_158 = arith.addi %mul3A_5, %parallel_loop3A_157 : vector<16xi32>
        %parallel_loop3A_159 = arith.mulf %parallel_loop3A_151, %parallel_loop3A_78 : vector<16xf32>
        %parallel_loop3A_160 = arith.mulf %parallel_loop3A_155, %parallel_loop3A_87 : vector<16xf32>
        %parallel_loop3A_161 = arith.addf %parallel_loop3A_159, %parallel_loop3A_160 : vector<16xf32>
        tpu.vector_store_idx %arg11[%parallel_loop3A_91, %parallel_loop3A_158], %parallel_loop3A_161 : memref<128x16xf32, #tpu.memory_space<vmem>>[vector<16xi32>, vector<16xi32>], vector<16xf32>,
        %parallel_loop3A_162 = arith.constant 5 : i32
        %parallel_loop3A_163 = vector.broadcast %parallel_loop3A_162 : i32 to vector<16xi32>
        %parallel_loop3A_164 = arith.addi %parallel_loop3A_76, %parallel_loop3A_163 : vector<16xi32>
        %parallel_loop3A_165 = tpu.vector_load_idx %arg7[%parallel_loop3A_164] : memref<85328xf32, #tpu.memory_space<vmem>>[vector<16xi32>], vector<16xf32>,
        %parallel_loop3A_166 = arith.constant 5 : i32
        %parallel_loop3A_167 = vector.broadcast %parallel_loop3A_166 : i32 to vector<16xi32>
        %parallel_loop3A_168 = arith.addi %parallel_loop3A_84, %parallel_loop3A_167 : vector<16xi32>
        %parallel_loop3A_169 = tpu.vector_load_idx %arg7[%parallel_loop3A_168] : memref<85328xf32, #tpu.memory_space<vmem>>[vector<16xi32>], vector<16xf32>,
        %parallel_loop3A_170 = arith.constant 5 : i32
        %parallel_loop3A_171 = vector.broadcast %parallel_loop3A_170 : i32 to vector<16xi32>
        %parallel_loop3A_172 = arith.addi %mul3A_5, %parallel_loop3A_171 : vector<16xi32>
        %parallel_loop3A_173 = arith.mulf %parallel_loop3A_165, %parallel_loop3A_78 : vector<16xf32>
        %parallel_loop3A_174 = arith.mulf %parallel_loop3A_169, %parallel_loop3A_87 : vector<16xf32>
        %parallel_loop3A_175 = arith.addf %parallel_loop3A_173, %parallel_loop3A_174 : vector<16xf32>
        tpu.vector_store_idx %arg11[%parallel_loop3A_91, %parallel_loop3A_172], %parallel_loop3A_175 : memref<128x16xf32, #tpu.memory_space<vmem>>[vector<16xi32>, vector<16xi32>], vector<16xf32>,
        %parallel_loop3A_176 = arith.constant 6 : i32
        %parallel_loop3A_177 = vector.broadcast %parallel_loop3A_176 : i32 to vector<16xi32>
        %parallel_loop3A_178 = arith.addi %parallel_loop3A_76, %parallel_loop3A_177 : vector<16xi32>
        %parallel_loop3A_179 = tpu.vector_load_idx %arg7[%parallel_loop3A_178] : memref<85328xf32, #tpu.memory_space<vmem>>[vector<16xi32>], vector<16xf32>,
        %parallel_loop3A_180 = arith.constant 6 : i32
        %parallel_loop3A_181 = vector.broadcast %parallel_loop3A_180 : i32 to vector<16xi32>
        %parallel_loop3A_182 = arith.addi %parallel_loop3A_84, %parallel_loop3A_181 : vector<16xi32>
        %parallel_loop3A_183 = tpu.vector_load_idx %arg7[%parallel_loop3A_182] : memref<85328xf32, #tpu.memory_space<vmem>>[vector<16xi32>], vector<16xf32>,
        %parallel_loop3A_184 = arith.constant 6 : i32
        %parallel_loop3A_185 = vector.broadcast %parallel_loop3A_184 : i32 to vector<16xi32>
        %parallel_loop3A_186 = arith.addi %mul3A_5, %parallel_loop3A_185 : vector<16xi32>
        %parallel_loop3A_187 = arith.mulf %parallel_loop3A_179, %parallel_loop3A_78 : vector<16xf32>
        %parallel_loop3A_188 = arith.mulf %parallel_loop3A_183, %parallel_loop3A_87 : vector<16xf32>
        %parallel_loop3A_189 = arith.addf %parallel_loop3A_187, %parallel_loop3A_188 : vector<16xf32>
        tpu.vector_store_idx %arg11[%parallel_loop3A_91, %parallel_loop3A_186], %parallel_loop3A_189 : memref<128x16xf32, #tpu.memory_space<vmem>>[vector<16xi32>, vector<16xi32>], vector<16xf32>,
        %parallel_loop3A_190 = arith.constant 7 : i32
        %parallel_loop3A_191 = vector.broadcast %parallel_loop3A_190 : i32 to vector<16xi32>
        %parallel_loop3A_192 = arith.addi %parallel_loop3A_76, %parallel_loop3A_191 : vector<16xi32>
        %parallel_loop3A_193 = tpu.vector_load_idx %arg7[%parallel_loop3A_192] : memref<85328xf32, #tpu.memory_space<vmem>>[vector<16xi32>], vector<16xf32>,
        %parallel_loop3A_194 = arith.constant 7 : i32
        %parallel_loop3A_195 = vector.broadcast %parallel_loop3A_194 : i32 to vector<16xi32>
        %parallel_loop3A_196 = arith.addi %parallel_loop3A_84, %parallel_loop3A_195 : vector<16xi32>
        %parallel_loop3A_197 = tpu.vector_load_idx %arg7[%parallel_loop3A_196] : memref<85328xf32, #tpu.memory_space<vmem>>[vector<16xi32>], vector<16xf32>,
        %parallel_loop3A_198 = arith.constant 7 : i32
        %parallel_loop3A_199 = vector.broadcast %parallel_loop3A_198 : i32 to vector<16xi32>
        %parallel_loop3A_200 = arith.addi %mul3A_5, %parallel_loop3A_199 : vector<16xi32>
        %parallel_loop3A_201 = arith.mulf %parallel_loop3A_193, %parallel_loop3A_78 : vector<16xf32>
        %parallel_loop3A_202 = arith.mulf %parallel_loop3A_197, %parallel_loop3A_87 : vector<16xf32>
        %parallel_loop3A_203 = arith.addf %parallel_loop3A_201, %parallel_loop3A_202 : vector<16xf32>
        tpu.vector_store_idx %arg11[%parallel_loop3A_91, %parallel_loop3A_200], %parallel_loop3A_203 : memref<128x16xf32, #tpu.memory_space<vmem>>[vector<16xi32>, vector<16xi32>], vector<16xf32>,
        %parallel_loop3A_204 = arith.constant 8 : i32
        %parallel_loop3A_205 = vector.broadcast %parallel_loop3A_204 : i32 to vector<16xi32>
        %parallel_loop3A_206 = arith.addi %parallel_loop3A_76, %parallel_loop3A_205 : vector<16xi32>
        %parallel_loop3A_207 = tpu.vector_load_idx %arg7[%parallel_loop3A_206] : memref<85328xf32, #tpu.memory_space<vmem>>[vector<16xi32>], vector<16xf32>,
        %parallel_loop3A_208 = arith.constant 8 : i32
        %parallel_loop3A_209 = vector.broadcast %parallel_loop3A_208 : i32 to vector<16xi32>
        %parallel_loop3A_210 = arith.addi %parallel_loop3A_84, %parallel_loop3A_209 : vector<16xi32>
        %parallel_loop3A_211 = tpu.vector_load_idx %arg7[%parallel_loop3A_210] : memref<85328xf32, #tpu.memory_space<vmem>>[vector<16xi32>], vector<16xf32>,
        %parallel_loop3A_212 = arith.constant 8 : i32
        %parallel_loop3A_213 = vector.broadcast %parallel_loop3A_212 : i32 to vector<16xi32>
        %parallel_loop3A_214 = arith.addi %mul3A_5, %parallel_loop3A_213 : vector<16xi32>
        %parallel_loop3A_215 = arith.mulf %parallel_loop3A_207, %parallel_loop3A_78 : vector<16xf32>
        %parallel_loop3A_216 = arith.mulf %parallel_loop3A_211, %parallel_loop3A_87 : vector<16xf32>
        %parallel_loop3A_217 = arith.addf %parallel_loop3A_215, %parallel_loop3A_216 : vector<16xf32>
        tpu.vector_store_idx %arg11[%parallel_loop3A_91, %parallel_loop3A_214], %parallel_loop3A_217 : memref<128x16xf32, #tpu.memory_space<vmem>>[vector<16xi32>, vector<16xi32>], vector<16xf32>,
        %parallel_loop3A_218 = arith.constant 9 : i32
        %parallel_loop3A_219 = vector.broadcast %parallel_loop3A_218 : i32 to vector<16xi32>
        %parallel_loop3A_220 = arith.addi %parallel_loop3A_76, %parallel_loop3A_219 : vector<16xi32>
        %parallel_loop3A_221 = tpu.vector_load_idx %arg7[%parallel_loop3A_220] : memref<85328xf32, #tpu.memory_space<vmem>>[vector<16xi32>], vector<16xf32>,
        %parallel_loop3A_222 = arith.constant 9 : i32
        %parallel_loop3A_223 = vector.broadcast %parallel_loop3A_222 : i32 to vector<16xi32>
        %parallel_loop3A_224 = arith.addi %parallel_loop3A_84, %parallel_loop3A_223 : vector<16xi32>
        %parallel_loop3A_225 = tpu.vector_load_idx %arg7[%parallel_loop3A_224] : memref<85328xf32, #tpu.memory_space<vmem>>[vector<16xi32>], vector<16xf32>,
        %parallel_loop3A_226 = arith.constant 9 : i32
        %parallel_loop3A_227 = vector.broadcast %parallel_loop3A_226 : i32 to vector<16xi32>
        %parallel_loop3A_228 = arith.addi %mul3A_5, %parallel_loop3A_227 : vector<16xi32>
        %parallel_loop3A_229 = arith.mulf %parallel_loop3A_221, %parallel_loop3A_78 : vector<16xf32>
        %parallel_loop3A_230 = arith.mulf %parallel_loop3A_225, %parallel_loop3A_87 : vector<16xf32>
        %parallel_loop3A_231 = arith.addf %parallel_loop3A_229, %parallel_loop3A_230 : vector<16xf32>
        tpu.vector_store_idx %arg11[%parallel_loop3A_91, %parallel_loop3A_228], %parallel_loop3A_231 : memref<128x16xf32, #tpu.memory_space<vmem>>[vector<16xi32>, vector<16xi32>], vector<16xf32>,
        %parallel_loop3A_232 = arith.constant 10 : i32
        %parallel_loop3A_233 = vector.broadcast %parallel_loop3A_232 : i32 to vector<16xi32>
        %parallel_loop3A_234 = arith.addi %parallel_loop3A_76, %parallel_loop3A_233 : vector<16xi32>
        %parallel_loop3A_235 = tpu.vector_load_idx %arg7[%parallel_loop3A_234] : memref<85328xf32, #tpu.memory_space<vmem>>[vector<16xi32>], vector<16xf32>,
        %parallel_loop3A_236 = arith.constant 10 : i32
        %parallel_loop3A_237 = vector.broadcast %parallel_loop3A_236 : i32 to vector<16xi32>
        %parallel_loop3A_238 = arith.addi %parallel_loop3A_84, %parallel_loop3A_237 : vector<16xi32>
        %parallel_loop3A_239 = tpu.vector_load_idx %arg7[%parallel_loop3A_238] : memref<85328xf32, #tpu.memory_space<vmem>>[vector<16xi32>], vector<16xf32>,
        %parallel_loop3A_240 = arith.constant 10 : i32
        %parallel_loop3A_241 = vector.broadcast %parallel_loop3A_240 : i32 to vector<16xi32>
        %parallel_loop3A_242 = arith.addi %mul3A_5, %parallel_loop3A_241 : vector<16xi32>
        %parallel_loop3A_243 = arith.mulf %parallel_loop3A_235, %parallel_loop3A_78 : vector<16xf32>
        %parallel_loop3A_244 = arith.mulf %parallel_loop3A_239, %parallel_loop3A_87 : vector<16xf32>
        %parallel_loop3A_245 = arith.addf %parallel_loop3A_243, %parallel_loop3A_244 : vector<16xf32>
        tpu.vector_store_idx %arg11[%parallel_loop3A_91, %parallel_loop3A_242], %parallel_loop3A_245 : memref<128x16xf32, #tpu.memory_space<vmem>>[vector<16xi32>, vector<16xi32>], vector<16xf32>,
        %parallel_loop3A_246 = arith.constant 11 : i32
        %parallel_loop3A_247 = vector.broadcast %parallel_loop3A_246 : i32 to vector<16xi32>
        %parallel_loop3A_248 = arith.addi %parallel_loop3A_76, %parallel_loop3A_247 : vector<16xi32>
        %parallel_loop3A_249 = tpu.vector_load_idx %arg7[%parallel_loop3A_248] : memref<85328xf32, #tpu.memory_space<vmem>>[vector<16xi32>], vector<16xf32>,
        %parallel_loop3A_250 = arith.constant 11 : i32
        %parallel_loop3A_251 = vector.broadcast %parallel_loop3A_250 : i32 to vector<16xi32>
        %parallel_loop3A_252 = arith.addi %parallel_loop3A_84, %parallel_loop3A_251 : vector<16xi32>
        %parallel_loop3A_253 = tpu.vector_load_idx %arg7[%parallel_loop3A_252] : memref<85328xf32, #tpu.memory_space<vmem>>[vector<16xi32>], vector<16xf32>,
        %parallel_loop3A_254 = arith.constant 11 : i32
        %parallel_loop3A_255 = vector.broadcast %parallel_loop3A_254 : i32 to vector<16xi32>
        %parallel_loop3A_256 = arith.addi %mul3A_5, %parallel_loop3A_255 : vector<16xi32>
        %parallel_loop3A_257 = arith.mulf %parallel_loop3A_249, %parallel_loop3A_78 : vector<16xf32>
        %parallel_loop3A_258 = arith.mulf %parallel_loop3A_253, %parallel_loop3A_87 : vector<16xf32>
        %parallel_loop3A_259 = arith.addf %parallel_loop3A_257, %parallel_loop3A_258 : vector<16xf32>
        tpu.vector_store_idx %arg11[%parallel_loop3A_91, %parallel_loop3A_256], %parallel_loop3A_259 : memref<128x16xf32, #tpu.memory_space<vmem>>[vector<16xi32>, vector<16xi32>], vector<16xf32>,
        %parallel_loop3A_260 = arith.constant 12 : i32
        %parallel_loop3A_261 = vector.broadcast %parallel_loop3A_260 : i32 to vector<16xi32>
        %parallel_loop3A_262 = arith.addi %parallel_loop3A_76, %parallel_loop3A_261 : vector<16xi32>
        %parallel_loop3A_263 = tpu.vector_load_idx %arg7[%parallel_loop3A_262] : memref<85328xf32, #tpu.memory_space<vmem>>[vector<16xi32>], vector<16xf32>,
        %parallel_loop3A_264 = arith.constant 12 : i32
        %parallel_loop3A_265 = vector.broadcast %parallel_loop3A_264 : i32 to vector<16xi32>
        %parallel_loop3A_266 = arith.addi %parallel_loop3A_84, %parallel_loop3A_265 : vector<16xi32>
        %parallel_loop3A_267 = tpu.vector_load_idx %arg7[%parallel_loop3A_266] : memref<85328xf32, #tpu.memory_space<vmem>>[vector<16xi32>], vector<16xf32>,
        %parallel_loop3A_268 = arith.constant 12 : i32
        %parallel_loop3A_269 = vector.broadcast %parallel_loop3A_268 : i32 to vector<16xi32>
        %parallel_loop3A_270 = arith.addi %mul3A_5, %parallel_loop3A_269 : vector<16xi32>
        %parallel_loop3A_271 = arith.mulf %parallel_loop3A_263, %parallel_loop3A_78 : vector<16xf32>
        %parallel_loop3A_272 = arith.mulf %parallel_loop3A_267, %parallel_loop3A_87 : vector<16xf32>
        %parallel_loop3A_273 = arith.addf %parallel_loop3A_271, %parallel_loop3A_272 : vector<16xf32>
        tpu.vector_store_idx %arg11[%parallel_loop3A_91, %parallel_loop3A_270], %parallel_loop3A_273 : memref<128x16xf32, #tpu.memory_space<vmem>>[vector<16xi32>, vector<16xi32>], vector<16xf32>,
        %parallel_loop3A_274 = arith.constant 13 : i32
        %parallel_loop3A_275 = vector.broadcast %parallel_loop3A_274 : i32 to vector<16xi32>
        %parallel_loop3A_276 = arith.addi %parallel_loop3A_76, %parallel_loop3A_275 : vector<16xi32>
        %parallel_loop3A_277 = tpu.vector_load_idx %arg7[%parallel_loop3A_276] : memref<85328xf32, #tpu.memory_space<vmem>>[vector<16xi32>], vector<16xf32>,
        %parallel_loop3A_278 = arith.constant 13 : i32
        %parallel_loop3A_279 = vector.broadcast %parallel_loop3A_278 : i32 to vector<16xi32>
        %parallel_loop3A_280 = arith.addi %parallel_loop3A_84, %parallel_loop3A_279 : vector<16xi32>
        %parallel_loop3A_281 = tpu.vector_load_idx %arg7[%parallel_loop3A_280] : memref<85328xf32, #tpu.memory_space<vmem>>[vector<16xi32>], vector<16xf32>,
        %parallel_loop3A_282 = arith.constant 13 : i32
        %parallel_loop3A_283 = vector.broadcast %parallel_loop3A_282 : i32 to vector<16xi32>
        %parallel_loop3A_284 = arith.addi %mul3A_5, %parallel_loop3A_283 : vector<16xi32>
        %parallel_loop3A_285 = arith.mulf %parallel_loop3A_277, %parallel_loop3A_78 : vector<16xf32>
        %parallel_loop3A_286 = arith.mulf %parallel_loop3A_281, %parallel_loop3A_87 : vector<16xf32>
        %parallel_loop3A_287 = arith.addf %parallel_loop3A_285, %parallel_loop3A_286 : vector<16xf32>
        tpu.vector_store_idx %arg11[%parallel_loop3A_91, %parallel_loop3A_284], %parallel_loop3A_287 : memref<128x16xf32, #tpu.memory_space<vmem>>[vector<16xi32>, vector<16xi32>], vector<16xf32>,
        %parallel_loop3A_288 = arith.constant 14 : i32
        %parallel_loop3A_289 = vector.broadcast %parallel_loop3A_288 : i32 to vector<16xi32>
        %parallel_loop3A_290 = arith.addi %parallel_loop3A_76, %parallel_loop3A_289 : vector<16xi32>
        %parallel_loop3A_291 = tpu.vector_load_idx %arg7[%parallel_loop3A_290] : memref<85328xf32, #tpu.memory_space<vmem>>[vector<16xi32>], vector<16xf32>,
        %parallel_loop3A_292 = arith.constant 14 : i32
        %parallel_loop3A_293 = vector.broadcast %parallel_loop3A_292 : i32 to vector<16xi32>
        %parallel_loop3A_294 = arith.addi %parallel_loop3A_84, %parallel_loop3A_293 : vector<16xi32>
        %parallel_loop3A_295 = tpu.vector_load_idx %arg7[%parallel_loop3A_294] : memref<85328xf32, #tpu.memory_space<vmem>>[vector<16xi32>], vector<16xf32>,
        %parallel_loop3A_296 = arith.constant 14 : i32
        %parallel_loop3A_297 = vector.broadcast %parallel_loop3A_296 : i32 to vector<16xi32>
        %parallel_loop3A_298 = arith.addi %mul3A_5, %parallel_loop3A_297 : vector<16xi32>
        %parallel_loop3A_299 = arith.mulf %parallel_loop3A_291, %parallel_loop3A_78 : vector<16xf32>
        %parallel_loop3A_300 = arith.mulf %parallel_loop3A_295, %parallel_loop3A_87 : vector<16xf32>
        %parallel_loop3A_301 = arith.addf %parallel_loop3A_299, %parallel_loop3A_300 : vector<16xf32>
        tpu.vector_store_idx %arg11[%parallel_loop3A_91, %parallel_loop3A_298], %parallel_loop3A_301 : memref<128x16xf32, #tpu.memory_space<vmem>>[vector<16xi32>, vector<16xi32>], vector<16xf32>,
        %parallel_loop3A_302 = arith.constant 15 : i32
        %parallel_loop3A_303 = vector.broadcast %parallel_loop3A_302 : i32 to vector<16xi32>
        %parallel_loop3A_304 = arith.addi %parallel_loop3A_76, %parallel_loop3A_303 : vector<16xi32>
        %parallel_loop3A_305 = tpu.vector_load_idx %arg7[%parallel_loop3A_304] : memref<85328xf32, #tpu.memory_space<vmem>>[vector<16xi32>], vector<16xf32>,
        %parallel_loop3A_306 = arith.constant 15 : i32
        %parallel_loop3A_307 = vector.broadcast %parallel_loop3A_306 : i32 to vector<16xi32>
        %parallel_loop3A_308 = arith.addi %parallel_loop3A_84, %parallel_loop3A_307 : vector<16xi32>
        %parallel_loop3A_309 = tpu.vector_load_idx %arg7[%parallel_loop3A_308] : memref<85328xf32, #tpu.memory_space<vmem>>[vector<16xi32>], vector<16xf32>,
        %parallel_loop3A_310 = arith.constant 15 : i32
        %parallel_loop3A_311 = vector.broadcast %parallel_loop3A_310 : i32 to vector<16xi32>
        %parallel_loop3A_312 = arith.addi %mul3A_5, %parallel_loop3A_311 : vector<16xi32>
        %parallel_loop3A_313 = arith.mulf %parallel_loop3A_305, %parallel_loop3A_78 : vector<16xf32>
        %parallel_loop3A_314 = arith.mulf %parallel_loop3A_309, %parallel_loop3A_87 : vector<16xf32>
        %parallel_loop3A_315 = arith.addf %parallel_loop3A_313, %parallel_loop3A_314 : vector<16xf32>
        tpu.vector_store_idx %arg11[%parallel_loop3A_91, %parallel_loop3A_312], %parallel_loop3A_315 : memref<128x16xf32, #tpu.memory_space<vmem>>[vector<16xi32>, vector<16xi32>], vector<16xf32>,
      } {sc.loop_unroll_factor = 1 : i64, sc.parallel_access}
      %mul3A_40 = arith.constant 128 : i32
      %mul3A_41 = arith.muli %add3A_34, %mul3A_40 : i32
      %dma_start3A = arith.constant 0 : i32
      %dma_start3A_42 = tpu.memref_slice %arg6[%add3A, %mul3A_41, %dma_start3A] : memref<32x4096x16xf32, #tpu.memory_space<hbm>> -> memref<1x128x16xf32, #tpu.memory_space<hbm>>
      %dma_start3A_43 = tpu.memref_squeeze %dma_start3A_42 : memref<1x128x16xf32, #tpu.memory_space<hbm>> -> memref<128x16xf32, #tpu.memory_space<hbm>>
      %dma_start3A_44 = arith.constant 0 : i32
      %dma_start3A_45 = tpu.memref_slice %arg6[%add3A, %mul3A_41, %dma_start3A_44] : memref<32x4096x16xf32, #tpu.memory_space<hbm>> -> memref<1x128x16xf32, #tpu.memory_space<hbm>>
      %dma_start3A_46 = tpu.memref_squeeze %dma_start3A_45 : memref<1x128x16xf32, #tpu.memory_space<hbm>> -> memref<128x16xf32, #tpu.memory_space<hbm>>
      tpu.enqueue_dma source(%arg11 : memref<128x16xf32, #tpu.memory_space<vmem>>) target(%dma_start3A_46 : memref<128x16xf32, #tpu.memory_space<hbm>>) target_semaphore(%arg13 : memref<!tpu.dma_semaphore, #tpu.memory_space<semaphore_mem>>)
      %mul3A_47 = arith.constant 2 : i32
      %mul3A_48 = arith.muli %scan3A_29, %mul3A_47 : i32
      %add3A_49 = arith.constant 1 : i32
      %add3A_50 = arith.addi %mul3A_48, %add3A_49 : i32
      %gt3A_51 = arith.constant 0 : i32
      %gt3A_52 = arith.cmpi sgt, %scan3A_29, %gt3A_51 : i32
      %convert_element_type3A_53 = arith.extui %gt3A_52 : i1 to i32
      %cond3A_54 = arith.constant 0 : i32
      %cond3A_55 = arith.cmpi ne, %convert_element_type3A_53, %cond3A_54 : i32
      scf.if %cond3A_55 {
        %dma_wait3A_68 = arith.constant 0 : i32
        %dma_wait3A_69 = arith.constant 0 : i32
        %dma_wait3A_70 = tpu.memref_slice %arg6[%add3A, %dma_wait3A_68, %dma_wait3A_69] : memref<32x4096x16xf32, #tpu.memory_space<hbm>> -> memref<1x128x16xf32, #tpu.memory_space<hbm>>
        %dma_wait3A_71 = tpu.memref_squeeze %dma_wait3A_70 : memref<1x128x16xf32, #tpu.memory_space<hbm>> -> memref<128x16xf32, #tpu.memory_space<hbm>>
        %dma_wait3A_72 = arith.constant 0 : i32
        %dma_wait3A_73 = arith.constant 0 : i32
        %dma_wait3A_74 = tpu.memref_slice %arg6[%add3A, %dma_wait3A_72, %dma_wait3A_73] : memref<32x4096x16xf32, #tpu.memory_space<hbm>> -> memref<1x128x16xf32, #tpu.memory_space<hbm>>
        %dma_wait3A_75 = tpu.memref_squeeze %dma_wait3A_74 : memref<1x128x16xf32, #tpu.memory_space<hbm>> -> memref<128x16xf32, #tpu.memory_space<hbm>>
        tpu.wait_dma2 semaphore(%arg14 : memref<!tpu.dma_semaphore, #tpu.memory_space<semaphore_mem>>) src(%arg12 : memref<128x16xf32, #tpu.memory_space<vmem>>) dst(%dma_wait3A_75 : memref<128x16xf32, #tpu.memory_space<hbm>>)
      } else {
      }
      %parallel_loop3A_56 = arith.constant 0 : i32
      %parallel_loop3A_57 = arith.constant 8 : i32
      %parallel_loop3A_58 = arith.constant 1 : i32
      scf.for %parallel_loop3A_68 = %parallel_loop3A_56 to %parallel_loop3A_57 step %parallel_loop3A_58  : i32 {
        %parallel_loop3A_69 = arith.constant 128 : i32
        %parallel_loop3A_70 = arith.muli %add3A_50, %parallel_loop3A_69 : i32
        %parallel_loop3A_71 = arith.constant 16 : i32
        %parallel_loop3A_72 = arith.muli %parallel_loop3A_68, %parallel_loop3A_71 : i32
        %parallel_loop3A_73 = arith.addi %parallel_loop3A_70, %parallel_loop3A_72 : i32
        %parallel_loop3A_74 = arith.index_cast %parallel_loop3A_73 : i32 to index
        %parallel_loop3A_75 = tpu.vector_load %arg8[%parallel_loop3A_74] {strides = array<i32>} : memref<4096xf32, #tpu.memory_space<vmem>>, vector<16xf32>,
        %parallel_loop3A_76 = tpu.bitcast %parallel_loop3A_75 : vector<16xf32> -> vector<16xi32>
        %parallel_loop3A_77 = arith.index_cast %parallel_loop3A_73 : i32 to index
        %parallel_loop3A_78 = tpu.vector_load %arg9[%parallel_loop3A_77] {strides = array<i32>} : memref<4096xf32, #tpu.memory_space<vmem>>, vector<16xf32>,
        %parallel_loop3A_79 = arith.constant 16 : i32
        %parallel_loop3A_80 = vector.broadcast %parallel_loop3A_79 : i32 to vector<16xi32>
        %parallel_loop3A_81 = arith.addi %parallel_loop3A_76, %parallel_loop3A_80 : vector<16xi32>
        %parallel_loop3A_82 = arith.constant 85312 : i32
        %parallel_loop3A_83 = vector.broadcast %parallel_loop3A_82 : i32 to vector<16xi32>
        %parallel_loop3A_84 = arith.minsi %parallel_loop3A_81, %parallel_loop3A_83 : vector<16xi32>
        %parallel_loop3A_85 = arith.constant 1.000000e+00 : f32
        %parallel_loop3A_86 = vector.broadcast %parallel_loop3A_85 : f32 to vector<16xf32>
        %parallel_loop3A_87 = arith.subf %parallel_loop3A_86, %parallel_loop3A_78 : vector<16xf32>
        %parallel_loop3A_88 = arith.constant 16 : i32
        %parallel_loop3A_89 = arith.muli %parallel_loop3A_68, %parallel_loop3A_88 : i32
        %parallel_loop3A_90 = vector.broadcast %parallel_loop3A_89 : i32 to vector<16xi32>
        %parallel_loop3A_91 = arith.addi %parallel_loop3A_90, %iota3A : vector<16xi32>
        %parallel_loop3A_92 = arith.constant 0 : i32
        %parallel_loop3A_93 = vector.broadcast %parallel_loop3A_92 : i32 to vector<16xi32>
        %parallel_loop3A_94 = arith.addi %parallel_loop3A_76, %parallel_loop3A_93 : vector<16xi32>
        %parallel_loop3A_95 = tpu.vector_load_idx %arg7[%parallel_loop3A_94] : memref<85328xf32, #tpu.memory_space<vmem>>[vector<16xi32>], vector<16xf32>,
        %parallel_loop3A_96 = arith.constant 0 : i32
        %parallel_loop3A_97 = vector.broadcast %parallel_loop3A_96 : i32 to vector<16xi32>
        %parallel_loop3A_98 = arith.addi %parallel_loop3A_84, %parallel_loop3A_97 : vector<16xi32>
        %parallel_loop3A_99 = tpu.vector_load_idx %arg7[%parallel_loop3A_98] : memref<85328xf32, #tpu.memory_space<vmem>>[vector<16xi32>], vector<16xf32>,
        %parallel_loop3A_100 = arith.constant 0 : i32
        %parallel_loop3A_101 = vector.broadcast %parallel_loop3A_100 : i32 to vector<16xi32>
        %parallel_loop3A_102 = arith.addi %mul3A_5, %parallel_loop3A_101 : vector<16xi32>
        %parallel_loop3A_103 = arith.mulf %parallel_loop3A_95, %parallel_loop3A_78 : vector<16xf32>
        %parallel_loop3A_104 = arith.mulf %parallel_loop3A_99, %parallel_loop3A_87 : vector<16xf32>
        %parallel_loop3A_105 = arith.addf %parallel_loop3A_103, %parallel_loop3A_104 : vector<16xf32>
        tpu.vector_store_idx %arg12[%parallel_loop3A_91, %parallel_loop3A_102], %parallel_loop3A_105 : memref<128x16xf32, #tpu.memory_space<vmem>>[vector<16xi32>, vector<16xi32>], vector<16xf32>,
        %parallel_loop3A_106 = arith.constant 1 : i32
        %parallel_loop3A_107 = vector.broadcast %parallel_loop3A_106 : i32 to vector<16xi32>
        %parallel_loop3A_108 = arith.addi %parallel_loop3A_76, %parallel_loop3A_107 : vector<16xi32>
        %parallel_loop3A_109 = tpu.vector_load_idx %arg7[%parallel_loop3A_108] : memref<85328xf32, #tpu.memory_space<vmem>>[vector<16xi32>], vector<16xf32>,
        %parallel_loop3A_110 = arith.constant 1 : i32
        %parallel_loop3A_111 = vector.broadcast %parallel_loop3A_110 : i32 to vector<16xi32>
        %parallel_loop3A_112 = arith.addi %parallel_loop3A_84, %parallel_loop3A_111 : vector<16xi32>
        %parallel_loop3A_113 = tpu.vector_load_idx %arg7[%parallel_loop3A_112] : memref<85328xf32, #tpu.memory_space<vmem>>[vector<16xi32>], vector<16xf32>,
        %parallel_loop3A_114 = arith.constant 1 : i32
        %parallel_loop3A_115 = vector.broadcast %parallel_loop3A_114 : i32 to vector<16xi32>
        %parallel_loop3A_116 = arith.addi %mul3A_5, %parallel_loop3A_115 : vector<16xi32>
        %parallel_loop3A_117 = arith.mulf %parallel_loop3A_109, %parallel_loop3A_78 : vector<16xf32>
        %parallel_loop3A_118 = arith.mulf %parallel_loop3A_113, %parallel_loop3A_87 : vector<16xf32>
        %parallel_loop3A_119 = arith.addf %parallel_loop3A_117, %parallel_loop3A_118 : vector<16xf32>
        tpu.vector_store_idx %arg12[%parallel_loop3A_91, %parallel_loop3A_116], %parallel_loop3A_119 : memref<128x16xf32, #tpu.memory_space<vmem>>[vector<16xi32>, vector<16xi32>], vector<16xf32>,
        %parallel_loop3A_120 = arith.constant 2 : i32
        %parallel_loop3A_121 = vector.broadcast %parallel_loop3A_120 : i32 to vector<16xi32>
        %parallel_loop3A_122 = arith.addi %parallel_loop3A_76, %parallel_loop3A_121 : vector<16xi32>
        %parallel_loop3A_123 = tpu.vector_load_idx %arg7[%parallel_loop3A_122] : memref<85328xf32, #tpu.memory_space<vmem>>[vector<16xi32>], vector<16xf32>,
        %parallel_loop3A_124 = arith.constant 2 : i32
        %parallel_loop3A_125 = vector.broadcast %parallel_loop3A_124 : i32 to vector<16xi32>
        %parallel_loop3A_126 = arith.addi %parallel_loop3A_84, %parallel_loop3A_125 : vector<16xi32>
        %parallel_loop3A_127 = tpu.vector_load_idx %arg7[%parallel_loop3A_126] : memref<85328xf32, #tpu.memory_space<vmem>>[vector<16xi32>], vector<16xf32>,
        %parallel_loop3A_128 = arith.constant 2 : i32
        %parallel_loop3A_129 = vector.broadcast %parallel_loop3A_128 : i32 to vector<16xi32>
        %parallel_loop3A_130 = arith.addi %mul3A_5, %parallel_loop3A_129 : vector<16xi32>
        %parallel_loop3A_131 = arith.mulf %parallel_loop3A_123, %parallel_loop3A_78 : vector<16xf32>
        %parallel_loop3A_132 = arith.mulf %parallel_loop3A_127, %parallel_loop3A_87 : vector<16xf32>
        %parallel_loop3A_133 = arith.addf %parallel_loop3A_131, %parallel_loop3A_132 : vector<16xf32>
        tpu.vector_store_idx %arg12[%parallel_loop3A_91, %parallel_loop3A_130], %parallel_loop3A_133 : memref<128x16xf32, #tpu.memory_space<vmem>>[vector<16xi32>, vector<16xi32>], vector<16xf32>,
        %parallel_loop3A_134 = arith.constant 3 : i32
        %parallel_loop3A_135 = vector.broadcast %parallel_loop3A_134 : i32 to vector<16xi32>
        %parallel_loop3A_136 = arith.addi %parallel_loop3A_76, %parallel_loop3A_135 : vector<16xi32>
        %parallel_loop3A_137 = tpu.vector_load_idx %arg7[%parallel_loop3A_136] : memref<85328xf32, #tpu.memory_space<vmem>>[vector<16xi32>], vector<16xf32>,
        %parallel_loop3A_138 = arith.constant 3 : i32
        %parallel_loop3A_139 = vector.broadcast %parallel_loop3A_138 : i32 to vector<16xi32>
        %parallel_loop3A_140 = arith.addi %parallel_loop3A_84, %parallel_loop3A_139 : vector<16xi32>
        %parallel_loop3A_141 = tpu.vector_load_idx %arg7[%parallel_loop3A_140] : memref<85328xf32, #tpu.memory_space<vmem>>[vector<16xi32>], vector<16xf32>,
        %parallel_loop3A_142 = arith.constant 3 : i32
        %parallel_loop3A_143 = vector.broadcast %parallel_loop3A_142 : i32 to vector<16xi32>
        %parallel_loop3A_144 = arith.addi %mul3A_5, %parallel_loop3A_143 : vector<16xi32>
        %parallel_loop3A_145 = arith.mulf %parallel_loop3A_137, %parallel_loop3A_78 : vector<16xf32>
        %parallel_loop3A_146 = arith.mulf %parallel_loop3A_141, %parallel_loop3A_87 : vector<16xf32>
        %parallel_loop3A_147 = arith.addf %parallel_loop3A_145, %parallel_loop3A_146 : vector<16xf32>
        tpu.vector_store_idx %arg12[%parallel_loop3A_91, %parallel_loop3A_144], %parallel_loop3A_147 : memref<128x16xf32, #tpu.memory_space<vmem>>[vector<16xi32>, vector<16xi32>], vector<16xf32>,
        %parallel_loop3A_148 = arith.constant 4 : i32
        %parallel_loop3A_149 = vector.broadcast %parallel_loop3A_148 : i32 to vector<16xi32>
        %parallel_loop3A_150 = arith.addi %parallel_loop3A_76, %parallel_loop3A_149 : vector<16xi32>
        %parallel_loop3A_151 = tpu.vector_load_idx %arg7[%parallel_loop3A_150] : memref<85328xf32, #tpu.memory_space<vmem>>[vector<16xi32>], vector<16xf32>,
        %parallel_loop3A_152 = arith.constant 4 : i32
        %parallel_loop3A_153 = vector.broadcast %parallel_loop3A_152 : i32 to vector<16xi32>
        %parallel_loop3A_154 = arith.addi %parallel_loop3A_84, %parallel_loop3A_153 : vector<16xi32>
        %parallel_loop3A_155 = tpu.vector_load_idx %arg7[%parallel_loop3A_154] : memref<85328xf32, #tpu.memory_space<vmem>>[vector<16xi32>], vector<16xf32>,
        %parallel_loop3A_156 = arith.constant 4 : i32
        %parallel_loop3A_157 = vector.broadcast %parallel_loop3A_156 : i32 to vector<16xi32>
        %parallel_loop3A_158 = arith.addi %mul3A_5, %parallel_loop3A_157 : vector<16xi32>
        %parallel_loop3A_159 = arith.mulf %parallel_loop3A_151, %parallel_loop3A_78 : vector<16xf32>
        %parallel_loop3A_160 = arith.mulf %parallel_loop3A_155, %parallel_loop3A_87 : vector<16xf32>
        %parallel_loop3A_161 = arith.addf %parallel_loop3A_159, %parallel_loop3A_160 : vector<16xf32>
        tpu.vector_store_idx %arg12[%parallel_loop3A_91, %parallel_loop3A_158], %parallel_loop3A_161 : memref<128x16xf32, #tpu.memory_space<vmem>>[vector<16xi32>, vector<16xi32>], vector<16xf32>,
        %parallel_loop3A_162 = arith.constant 5 : i32
        %parallel_loop3A_163 = vector.broadcast %parallel_loop3A_162 : i32 to vector<16xi32>
        %parallel_loop3A_164 = arith.addi %parallel_loop3A_76, %parallel_loop3A_163 : vector<16xi32>
        %parallel_loop3A_165 = tpu.vector_load_idx %arg7[%parallel_loop3A_164] : memref<85328xf32, #tpu.memory_space<vmem>>[vector<16xi32>], vector<16xf32>,
        %parallel_loop3A_166 = arith.constant 5 : i32
        %parallel_loop3A_167 = vector.broadcast %parallel_loop3A_166 : i32 to vector<16xi32>
        %parallel_loop3A_168 = arith.addi %parallel_loop3A_84, %parallel_loop3A_167 : vector<16xi32>
        %parallel_loop3A_169 = tpu.vector_load_idx %arg7[%parallel_loop3A_168] : memref<85328xf32, #tpu.memory_space<vmem>>[vector<16xi32>], vector<16xf32>,
        %parallel_loop3A_170 = arith.constant 5 : i32
        %parallel_loop3A_171 = vector.broadcast %parallel_loop3A_170 : i32 to vector<16xi32>
        %parallel_loop3A_172 = arith.addi %mul3A_5, %parallel_loop3A_171 : vector<16xi32>
        %parallel_loop3A_173 = arith.mulf %parallel_loop3A_165, %parallel_loop3A_78 : vector<16xf32>
        %parallel_loop3A_174 = arith.mulf %parallel_loop3A_169, %parallel_loop3A_87 : vector<16xf32>
        %parallel_loop3A_175 = arith.addf %parallel_loop3A_173, %parallel_loop3A_174 : vector<16xf32>
        tpu.vector_store_idx %arg12[%parallel_loop3A_91, %parallel_loop3A_172], %parallel_loop3A_175 : memref<128x16xf32, #tpu.memory_space<vmem>>[vector<16xi32>, vector<16xi32>], vector<16xf32>,
        %parallel_loop3A_176 = arith.constant 6 : i32
        %parallel_loop3A_177 = vector.broadcast %parallel_loop3A_176 : i32 to vector<16xi32>
        %parallel_loop3A_178 = arith.addi %parallel_loop3A_76, %parallel_loop3A_177 : vector<16xi32>
        %parallel_loop3A_179 = tpu.vector_load_idx %arg7[%parallel_loop3A_178] : memref<85328xf32, #tpu.memory_space<vmem>>[vector<16xi32>], vector<16xf32>,
        %parallel_loop3A_180 = arith.constant 6 : i32
        %parallel_loop3A_181 = vector.broadcast %parallel_loop3A_180 : i32 to vector<16xi32>
        %parallel_loop3A_182 = arith.addi %parallel_loop3A_84, %parallel_loop3A_181 : vector<16xi32>
        %parallel_loop3A_183 = tpu.vector_load_idx %arg7[%parallel_loop3A_182] : memref<85328xf32, #tpu.memory_space<vmem>>[vector<16xi32>], vector<16xf32>,
        %parallel_loop3A_184 = arith.constant 6 : i32
        %parallel_loop3A_185 = vector.broadcast %parallel_loop3A_184 : i32 to vector<16xi32>
        %parallel_loop3A_186 = arith.addi %mul3A_5, %parallel_loop3A_185 : vector<16xi32>
        %parallel_loop3A_187 = arith.mulf %parallel_loop3A_179, %parallel_loop3A_78 : vector<16xf32>
        %parallel_loop3A_188 = arith.mulf %parallel_loop3A_183, %parallel_loop3A_87 : vector<16xf32>
        %parallel_loop3A_189 = arith.addf %parallel_loop3A_187, %parallel_loop3A_188 : vector<16xf32>
        tpu.vector_store_idx %arg12[%parallel_loop3A_91, %parallel_loop3A_186], %parallel_loop3A_189 : memref<128x16xf32, #tpu.memory_space<vmem>>[vector<16xi32>, vector<16xi32>], vector<16xf32>,
        %parallel_loop3A_190 = arith.constant 7 : i32
        %parallel_loop3A_191 = vector.broadcast %parallel_loop3A_190 : i32 to vector<16xi32>
        %parallel_loop3A_192 = arith.addi %parallel_loop3A_76, %parallel_loop3A_191 : vector<16xi32>
        %parallel_loop3A_193 = tpu.vector_load_idx %arg7[%parallel_loop3A_192] : memref<85328xf32, #tpu.memory_space<vmem>>[vector<16xi32>], vector<16xf32>,
        %parallel_loop3A_194 = arith.constant 7 : i32
        %parallel_loop3A_195 = vector.broadcast %parallel_loop3A_194 : i32 to vector<16xi32>
        %parallel_loop3A_196 = arith.addi %parallel_loop3A_84, %parallel_loop3A_195 : vector<16xi32>
        %parallel_loop3A_197 = tpu.vector_load_idx %arg7[%parallel_loop3A_196] : memref<85328xf32, #tpu.memory_space<vmem>>[vector<16xi32>], vector<16xf32>,
        %parallel_loop3A_198 = arith.constant 7 : i32
        %parallel_loop3A_199 = vector.broadcast %parallel_loop3A_198 : i32 to vector<16xi32>
        %parallel_loop3A_200 = arith.addi %mul3A_5, %parallel_loop3A_199 : vector<16xi32>
        %parallel_loop3A_201 = arith.mulf %parallel_loop3A_193, %parallel_loop3A_78 : vector<16xf32>
        %parallel_loop3A_202 = arith.mulf %parallel_loop3A_197, %parallel_loop3A_87 : vector<16xf32>
        %parallel_loop3A_203 = arith.addf %parallel_loop3A_201, %parallel_loop3A_202 : vector<16xf32>
        tpu.vector_store_idx %arg12[%parallel_loop3A_91, %parallel_loop3A_200], %parallel_loop3A_203 : memref<128x16xf32, #tpu.memory_space<vmem>>[vector<16xi32>, vector<16xi32>], vector<16xf32>,
        %parallel_loop3A_204 = arith.constant 8 : i32
        %parallel_loop3A_205 = vector.broadcast %parallel_loop3A_204 : i32 to vector<16xi32>
        %parallel_loop3A_206 = arith.addi %parallel_loop3A_76, %parallel_loop3A_205 : vector<16xi32>
        %parallel_loop3A_207 = tpu.vector_load_idx %arg7[%parallel_loop3A_206] : memref<85328xf32, #tpu.memory_space<vmem>>[vector<16xi32>], vector<16xf32>,
        %parallel_loop3A_208 = arith.constant 8 : i32
        %parallel_loop3A_209 = vector.broadcast %parallel_loop3A_208 : i32 to vector<16xi32>
        %parallel_loop3A_210 = arith.addi %parallel_loop3A_84, %parallel_loop3A_209 : vector<16xi32>
        %parallel_loop3A_211 = tpu.vector_load_idx %arg7[%parallel_loop3A_210] : memref<85328xf32, #tpu.memory_space<vmem>>[vector<16xi32>], vector<16xf32>,
        %parallel_loop3A_212 = arith.constant 8 : i32
        %parallel_loop3A_213 = vector.broadcast %parallel_loop3A_212 : i32 to vector<16xi32>
        %parallel_loop3A_214 = arith.addi %mul3A_5, %parallel_loop3A_213 : vector<16xi32>
        %parallel_loop3A_215 = arith.mulf %parallel_loop3A_207, %parallel_loop3A_78 : vector<16xf32>
        %parallel_loop3A_216 = arith.mulf %parallel_loop3A_211, %parallel_loop3A_87 : vector<16xf32>
        %parallel_loop3A_217 = arith.addf %parallel_loop3A_215, %parallel_loop3A_216 : vector<16xf32>
        tpu.vector_store_idx %arg12[%parallel_loop3A_91, %parallel_loop3A_214], %parallel_loop3A_217 : memref<128x16xf32, #tpu.memory_space<vmem>>[vector<16xi32>, vector<16xi32>], vector<16xf32>,
        %parallel_loop3A_218 = arith.constant 9 : i32
        %parallel_loop3A_219 = vector.broadcast %parallel_loop3A_218 : i32 to vector<16xi32>
        %parallel_loop3A_220 = arith.addi %parallel_loop3A_76, %parallel_loop3A_219 : vector<16xi32>
        %parallel_loop3A_221 = tpu.vector_load_idx %arg7[%parallel_loop3A_220] : memref<85328xf32, #tpu.memory_space<vmem>>[vector<16xi32>], vector<16xf32>,
        %parallel_loop3A_222 = arith.constant 9 : i32
        %parallel_loop3A_223 = vector.broadcast %parallel_loop3A_222 : i32 to vector<16xi32>
        %parallel_loop3A_224 = arith.addi %parallel_loop3A_84, %parallel_loop3A_223 : vector<16xi32>
        %parallel_loop3A_225 = tpu.vector_load_idx %arg7[%parallel_loop3A_224] : memref<85328xf32, #tpu.memory_space<vmem>>[vector<16xi32>], vector<16xf32>,
        %parallel_loop3A_226 = arith.constant 9 : i32
        %parallel_loop3A_227 = vector.broadcast %parallel_loop3A_226 : i32 to vector<16xi32>
        %parallel_loop3A_228 = arith.addi %mul3A_5, %parallel_loop3A_227 : vector<16xi32>
        %parallel_loop3A_229 = arith.mulf %parallel_loop3A_221, %parallel_loop3A_78 : vector<16xf32>
        %parallel_loop3A_230 = arith.mulf %parallel_loop3A_225, %parallel_loop3A_87 : vector<16xf32>
        %parallel_loop3A_231 = arith.addf %parallel_loop3A_229, %parallel_loop3A_230 : vector<16xf32>
        tpu.vector_store_idx %arg12[%parallel_loop3A_91, %parallel_loop3A_228], %parallel_loop3A_231 : memref<128x16xf32, #tpu.memory_space<vmem>>[vector<16xi32>, vector<16xi32>], vector<16xf32>,
        %parallel_loop3A_232 = arith.constant 10 : i32
        %parallel_loop3A_233 = vector.broadcast %parallel_loop3A_232 : i32 to vector<16xi32>
        %parallel_loop3A_234 = arith.addi %parallel_loop3A_76, %parallel_loop3A_233 : vector<16xi32>
        %parallel_loop3A_235 = tpu.vector_load_idx %arg7[%parallel_loop3A_234] : memref<85328xf32, #tpu.memory_space<vmem>>[vector<16xi32>], vector<16xf32>,
        %parallel_loop3A_236 = arith.constant 10 : i32
        %parallel_loop3A_237 = vector.broadcast %parallel_loop3A_236 : i32 to vector<16xi32>
        %parallel_loop3A_238 = arith.addi %parallel_loop3A_84, %parallel_loop3A_237 : vector<16xi32>
        %parallel_loop3A_239 = tpu.vector_load_idx %arg7[%parallel_loop3A_238] : memref<85328xf32, #tpu.memory_space<vmem>>[vector<16xi32>], vector<16xf32>,
        %parallel_loop3A_240 = arith.constant 10 : i32
        %parallel_loop3A_241 = vector.broadcast %parallel_loop3A_240 : i32 to vector<16xi32>
        %parallel_loop3A_242 = arith.addi %mul3A_5, %parallel_loop3A_241 : vector<16xi32>
        %parallel_loop3A_243 = arith.mulf %parallel_loop3A_235, %parallel_loop3A_78 : vector<16xf32>
        %parallel_loop3A_244 = arith.mulf %parallel_loop3A_239, %parallel_loop3A_87 : vector<16xf32>
        %parallel_loop3A_245 = arith.addf %parallel_loop3A_243, %parallel_loop3A_244 : vector<16xf32>
        tpu.vector_store_idx %arg12[%parallel_loop3A_91, %parallel_loop3A_242], %parallel_loop3A_245 : memref<128x16xf32, #tpu.memory_space<vmem>>[vector<16xi32>, vector<16xi32>], vector<16xf32>,
        %parallel_loop3A_246 = arith.constant 11 : i32
        %parallel_loop3A_247 = vector.broadcast %parallel_loop3A_246 : i32 to vector<16xi32>
        %parallel_loop3A_248 = arith.addi %parallel_loop3A_76, %parallel_loop3A_247 : vector<16xi32>
        %parallel_loop3A_249 = tpu.vector_load_idx %arg7[%parallel_loop3A_248] : memref<85328xf32, #tpu.memory_space<vmem>>[vector<16xi32>], vector<16xf32>,
        %parallel_loop3A_250 = arith.constant 11 : i32
        %parallel_loop3A_251 = vector.broadcast %parallel_loop3A_250 : i32 to vector<16xi32>
        %parallel_loop3A_252 = arith.addi %parallel_loop3A_84, %parallel_loop3A_251 : vector<16xi32>
        %parallel_loop3A_253 = tpu.vector_load_idx %arg7[%parallel_loop3A_252] : memref<85328xf32, #tpu.memory_space<vmem>>[vector<16xi32>], vector<16xf32>,
        %parallel_loop3A_254 = arith.constant 11 : i32
        %parallel_loop3A_255 = vector.broadcast %parallel_loop3A_254 : i32 to vector<16xi32>
        %parallel_loop3A_256 = arith.addi %mul3A_5, %parallel_loop3A_255 : vector<16xi32>
        %parallel_loop3A_257 = arith.mulf %parallel_loop3A_249, %parallel_loop3A_78 : vector<16xf32>
        %parallel_loop3A_258 = arith.mulf %parallel_loop3A_253, %parallel_loop3A_87 : vector<16xf32>
        %parallel_loop3A_259 = arith.addf %parallel_loop3A_257, %parallel_loop3A_258 : vector<16xf32>
        tpu.vector_store_idx %arg12[%parallel_loop3A_91, %parallel_loop3A_256], %parallel_loop3A_259 : memref<128x16xf32, #tpu.memory_space<vmem>>[vector<16xi32>, vector<16xi32>], vector<16xf32>,
        %parallel_loop3A_260 = arith.constant 12 : i32
        %parallel_loop3A_261 = vector.broadcast %parallel_loop3A_260 : i32 to vector<16xi32>
        %parallel_loop3A_262 = arith.addi %parallel_loop3A_76, %parallel_loop3A_261 : vector<16xi32>
        %parallel_loop3A_263 = tpu.vector_load_idx %arg7[%parallel_loop3A_262] : memref<85328xf32, #tpu.memory_space<vmem>>[vector<16xi32>], vector<16xf32>,
        %parallel_loop3A_264 = arith.constant 12 : i32
        %parallel_loop3A_265 = vector.broadcast %parallel_loop3A_264 : i32 to vector<16xi32>
        %parallel_loop3A_266 = arith.addi %parallel_loop3A_84, %parallel_loop3A_265 : vector<16xi32>
        %parallel_loop3A_267 = tpu.vector_load_idx %arg7[%parallel_loop3A_266] : memref<85328xf32, #tpu.memory_space<vmem>>[vector<16xi32>], vector<16xf32>,
        %parallel_loop3A_268 = arith.constant 12 : i32
        %parallel_loop3A_269 = vector.broadcast %parallel_loop3A_268 : i32 to vector<16xi32>
        %parallel_loop3A_270 = arith.addi %mul3A_5, %parallel_loop3A_269 : vector<16xi32>
        %parallel_loop3A_271 = arith.mulf %parallel_loop3A_263, %parallel_loop3A_78 : vector<16xf32>
        %parallel_loop3A_272 = arith.mulf %parallel_loop3A_267, %parallel_loop3A_87 : vector<16xf32>
        %parallel_loop3A_273 = arith.addf %parallel_loop3A_271, %parallel_loop3A_272 : vector<16xf32>
        tpu.vector_store_idx %arg12[%parallel_loop3A_91, %parallel_loop3A_270], %parallel_loop3A_273 : memref<128x16xf32, #tpu.memory_space<vmem>>[vector<16xi32>, vector<16xi32>], vector<16xf32>,
        %parallel_loop3A_274 = arith.constant 13 : i32
        %parallel_loop3A_275 = vector.broadcast %parallel_loop3A_274 : i32 to vector<16xi32>
        %parallel_loop3A_276 = arith.addi %parallel_loop3A_76, %parallel_loop3A_275 : vector<16xi32>
        %parallel_loop3A_277 = tpu.vector_load_idx %arg7[%parallel_loop3A_276] : memref<85328xf32, #tpu.memory_space<vmem>>[vector<16xi32>], vector<16xf32>,
        %parallel_loop3A_278 = arith.constant 13 : i32
        %parallel_loop3A_279 = vector.broadcast %parallel_loop3A_278 : i32 to vector<16xi32>
        %parallel_loop3A_280 = arith.addi %parallel_loop3A_84, %parallel_loop3A_279 : vector<16xi32>
        %parallel_loop3A_281 = tpu.vector_load_idx %arg7[%parallel_loop3A_280] : memref<85328xf32, #tpu.memory_space<vmem>>[vector<16xi32>], vector<16xf32>,
        %parallel_loop3A_282 = arith.constant 13 : i32
        %parallel_loop3A_283 = vector.broadcast %parallel_loop3A_282 : i32 to vector<16xi32>
        %parallel_loop3A_284 = arith.addi %mul3A_5, %parallel_loop3A_283 : vector<16xi32>
        %parallel_loop3A_285 = arith.mulf %parallel_loop3A_277, %parallel_loop3A_78 : vector<16xf32>
        %parallel_loop3A_286 = arith.mulf %parallel_loop3A_281, %parallel_loop3A_87 : vector<16xf32>
        %parallel_loop3A_287 = arith.addf %parallel_loop3A_285, %parallel_loop3A_286 : vector<16xf32>
        tpu.vector_store_idx %arg12[%parallel_loop3A_91, %parallel_loop3A_284], %parallel_loop3A_287 : memref<128x16xf32, #tpu.memory_space<vmem>>[vector<16xi32>, vector<16xi32>], vector<16xf32>,
        %parallel_loop3A_288 = arith.constant 14 : i32
        %parallel_loop3A_289 = vector.broadcast %parallel_loop3A_288 : i32 to vector<16xi32>
        %parallel_loop3A_290 = arith.addi %parallel_loop3A_76, %parallel_loop3A_289 : vector<16xi32>
        %parallel_loop3A_291 = tpu.vector_load_idx %arg7[%parallel_loop3A_290] : memref<85328xf32, #tpu.memory_space<vmem>>[vector<16xi32>], vector<16xf32>,
        %parallel_loop3A_292 = arith.constant 14 : i32
        %parallel_loop3A_293 = vector.broadcast %parallel_loop3A_292 : i32 to vector<16xi32>
        %parallel_loop3A_294 = arith.addi %parallel_loop3A_84, %parallel_loop3A_293 : vector<16xi32>
        %parallel_loop3A_295 = tpu.vector_load_idx %arg7[%parallel_loop3A_294] : memref<85328xf32, #tpu.memory_space<vmem>>[vector<16xi32>], vector<16xf32>,
        %parallel_loop3A_296 = arith.constant 14 : i32
        %parallel_loop3A_297 = vector.broadcast %parallel_loop3A_296 : i32 to vector<16xi32>
        %parallel_loop3A_298 = arith.addi %mul3A_5, %parallel_loop3A_297 : vector<16xi32>
        %parallel_loop3A_299 = arith.mulf %parallel_loop3A_291, %parallel_loop3A_78 : vector<16xf32>
        %parallel_loop3A_300 = arith.mulf %parallel_loop3A_295, %parallel_loop3A_87 : vector<16xf32>
        %parallel_loop3A_301 = arith.addf %parallel_loop3A_299, %parallel_loop3A_300 : vector<16xf32>
        tpu.vector_store_idx %arg12[%parallel_loop3A_91, %parallel_loop3A_298], %parallel_loop3A_301 : memref<128x16xf32, #tpu.memory_space<vmem>>[vector<16xi32>, vector<16xi32>], vector<16xf32>,
        %parallel_loop3A_302 = arith.constant 15 : i32
        %parallel_loop3A_303 = vector.broadcast %parallel_loop3A_302 : i32 to vector<16xi32>
        %parallel_loop3A_304 = arith.addi %parallel_loop3A_76, %parallel_loop3A_303 : vector<16xi32>
        %parallel_loop3A_305 = tpu.vector_load_idx %arg7[%parallel_loop3A_304] : memref<85328xf32, #tpu.memory_space<vmem>>[vector<16xi32>], vector<16xf32>,
        %parallel_loop3A_306 = arith.constant 15 : i32
        %parallel_loop3A_307 = vector.broadcast %parallel_loop3A_306 : i32 to vector<16xi32>
        %parallel_loop3A_308 = arith.addi %parallel_loop3A_84, %parallel_loop3A_307 : vector<16xi32>
        %parallel_loop3A_309 = tpu.vector_load_idx %arg7[%parallel_loop3A_308] : memref<85328xf32, #tpu.memory_space<vmem>>[vector<16xi32>], vector<16xf32>,
        %parallel_loop3A_310 = arith.constant 15 : i32
        %parallel_loop3A_311 = vector.broadcast %parallel_loop3A_310 : i32 to vector<16xi32>
        %parallel_loop3A_312 = arith.addi %mul3A_5, %parallel_loop3A_311 : vector<16xi32>
        %parallel_loop3A_313 = arith.mulf %parallel_loop3A_305, %parallel_loop3A_78 : vector<16xf32>
        %parallel_loop3A_314 = arith.mulf %parallel_loop3A_309, %parallel_loop3A_87 : vector<16xf32>
        %parallel_loop3A_315 = arith.addf %parallel_loop3A_313, %parallel_loop3A_314 : vector<16xf32>
        tpu.vector_store_idx %arg12[%parallel_loop3A_91, %parallel_loop3A_312], %parallel_loop3A_315 : memref<128x16xf32, #tpu.memory_space<vmem>>[vector<16xi32>, vector<16xi32>], vector<16xf32>,
      } {sc.loop_unroll_factor = 1 : i64, sc.parallel_access}
      %mul3A_59 = arith.constant 128 : i32
      %mul3A_60 = arith.muli %add3A_50, %mul3A_59 : i32
      %dma_start3A_61 = arith.constant 0 : i32
      %dma_start3A_62 = tpu.memref_slice %arg6[%add3A, %mul3A_60, %dma_start3A_61] : memref<32x4096x16xf32, #tpu.memory_space<hbm>> -> memref<1x128x16xf32, #tpu.memory_space<hbm>>
      %dma_start3A_63 = tpu.memref_squeeze %dma_start3A_62 : memref<1x128x16xf32, #tpu.memory_space<hbm>> -> memref<128x16xf32, #tpu.memory_space<hbm>>
      %dma_start3A_64 = arith.constant 0 : i32
      %dma_start3A_65 = tpu.memref_slice %arg6[%add3A, %mul3A_60, %dma_start3A_64] : memref<32x4096x16xf32, #tpu.memory_space<hbm>> -> memref<1x128x16xf32, #tpu.memory_space<hbm>>
      %dma_start3A_66 = tpu.memref_squeeze %dma_start3A_65 : memref<1x128x16xf32, #tpu.memory_space<hbm>> -> memref<128x16xf32, #tpu.memory_space<hbm>>
      tpu.enqueue_dma source(%arg12 : memref<128x16xf32, #tpu.memory_space<vmem>>) target(%dma_start3A_66 : memref<128x16xf32, #tpu.memory_space<hbm>>) target_semaphore(%arg14 : memref<!tpu.dma_semaphore, #tpu.memory_space<semaphore_mem>>)
      %scan3A_67 = arith.constant 0 : i32
      scf.yield %scan3A_67 : i32
    }
    %scan3A_13 = arith.constant 16 : i32
    %dma_wait3A = arith.constant 0 : i32
    %dma_wait3A_14 = arith.constant 0 : i32
    %dma_wait3A_15 = tpu.memref_slice %arg6[%add3A, %dma_wait3A, %dma_wait3A_14] : memref<32x4096x16xf32, #tpu.memory_space<hbm>> -> memref<1x128x16xf32, #tpu.memory_space<hbm>>
    %dma_wait3A_16 = tpu.memref_squeeze %dma_wait3A_15 : memref<1x128x16xf32, #tpu.memory_space<hbm>> -> memref<128x16xf32, #tpu.memory_space<hbm>>
    %dma_wait3A_17 = arith.constant 0 : i32
    %dma_wait3A_18 = arith.constant 0 : i32
    %dma_wait3A_19 = tpu.memref_slice %arg6[%add3A, %dma_wait3A_17, %dma_wait3A_18] : memref<32x4096x16xf32, #tpu.memory_space<hbm>> -> memref<1x128x16xf32, #tpu.memory_space<hbm>>
    %dma_wait3A_20 = tpu.memref_squeeze %dma_wait3A_19 : memref<1x128x16xf32, #tpu.memory_space<hbm>> -> memref<128x16xf32, #tpu.memory_space<hbm>>
    tpu.wait_dma2 semaphore(%arg13 : memref<!tpu.dma_semaphore, #tpu.memory_space<semaphore_mem>>) src(%arg11 : memref<128x16xf32, #tpu.memory_space<vmem>>) dst(%dma_wait3A_20 : memref<128x16xf32, #tpu.memory_space<hbm>>)
    %dma_wait3A_21 = arith.constant 0 : i32
    %dma_wait3A_22 = arith.constant 0 : i32
    %dma_wait3A_23 = tpu.memref_slice %arg6[%add3A, %dma_wait3A_21, %dma_wait3A_22] : memref<32x4096x16xf32, #tpu.memory_space<hbm>> -> memref<1x128x16xf32, #tpu.memory_space<hbm>>
    %dma_wait3A_24 = tpu.memref_squeeze %dma_wait3A_23 : memref<1x128x16xf32, #tpu.memory_space<hbm>> -> memref<128x16xf32, #tpu.memory_space<hbm>>
    %dma_wait3A_25 = arith.constant 0 : i32
    %dma_wait3A_26 = arith.constant 0 : i32
    %dma_wait3A_27 = tpu.memref_slice %arg6[%add3A, %dma_wait3A_25, %dma_wait3A_26] : memref<32x4096x16xf32, #tpu.memory_space<hbm>> -> memref<1x128x16xf32, #tpu.memory_space<hbm>>
    %dma_wait3A_28 = tpu.memref_squeeze %dma_wait3A_27 : memref<1x128x16xf32, #tpu.memory_space<hbm>> -> memref<128x16xf32, #tpu.memory_space<hbm>>
    tpu.wait_dma2 semaphore(%arg14 : memref<!tpu.dma_semaphore, #tpu.memory_space<semaphore_mem>>) src(%arg12 : memref<128x16xf32, #tpu.memory_space<vmem>>) dst(%dma_wait3A_28 : memref<128x16xf32, #tpu.memory_space<hbm>>)
    return
  }
}

</mosaic_0001>

<sc_bundles>
// kernel: kernel.3.cloned.1.call-start
scs
__scs_entry_jumppad:
0x0: {  	(pc) =	sbr.rel $0x88, $3  }
0x1: {  	(tag) =	ssettag $0x0;
	lr =	simm.s32 $0x1  }
0x2: {  	[smem:$0x3F9F] =	sst lr;
	_ =	strace $0xD0000000  }
0x3: {  	_ = 	snop  }
0x4: {  	_ = 	snop  }
0x5: {  	_ = 	snop  }
0x6: {  	_ = 	snop  }
0x7: {  	_ = 	snop  }
__scs_overlays_trampoline_lowered:
0x8: {  	[smem:$0x3FAE] =	sst s0  }
0x9: {  	[smem:$0x3FAF] =	sst s1  }
0xa: {  	[smem:$0x3FB0] =	sst s2  }
0xb: {  	[smem:$0x3FB1] =	sst s3  }
0xc: {  	[smem:$0x3FB2] =	sst s4  }
0xd: {  	[smem:$0x3FB3] =	sst s5  }
0xe: {  	[smem:$0x3FB4] =	sst s6  }
0xf: {  	[smem:$0x3FB5] =	sst s7  }
0x10: {  	[smem:$0x3FB6] =	sst s8  }
0x11: {  	[smem:$0x3FB7] =	sst s9;
	s0 =	simm.s32 @!p0 $0x0  }
0x12: {  	s1 =	sld [smem:$0x3F9D];
	s0 =	simm.s32 @p0 $0x1  }
0x13: {  	[smem:$0x3FB8] =	sst s0;
	s0 =	simm.s32 @!p1 $0x0  }
0x14: {  	s2 =	sld [smem:$0x3F9C];
	s0 =	simm.s32 @p1 $0x1  }
0x15: {  	[smem:$0x3FB9] =	sst s0;
	s0 =	simm.s32 @!p2 $0x0  }
0x16: {  	s3 =	sld [smem:$0x3FDB];
	s0 =	simm.s32 @p2 $0x1  }
0x17: {  	s4 =	simm.s32 $0x1BF5;
	[smem:$0x3FBB] =	sst s0  }
0x18: {  	s0 =	sld [smem:$0x3F9E];
	_ =	swait.ge [sflag:s4], $0x0  }
0x19: {  	s7 =	sld [smem:$0x3F9F]  }
0x1a: {  	s8 =	sadd.s32 $0xFFFFE003, lr  }
0x1b: {  	s9 =	sadd.s32 $0xFFFFFEF7, lr;
	s5 =	simm.s32 $0xFFFFFFFF;
	p2 =	slt.u32 s8, $0xFFFFF086  }
0x1c: {  	p1 =	slt.u32 s9, $0xF7A;
	s5 =	simm.s32 @!p2 $0x0  }
0x1d: {  	s5 =	simm.s32 @p1 $0x1;
	p0 =	seq.s32 s7, s2  }
0x1e: {  	s7 =	smul.u32 @!p0 $0xF7A, s2;
	p2 =	seq.s32 @!p0 s5, $0x0  }
0x1f: {  	s9 =	smul.u32 $0xF7A, s1;
	s8 =	simm.s32 @!p0 $0x1BF5;
	p2 =	por !p2, p0  }
0x20: {  	[sflag:s8] =	ssyncset.s32 @!p0 $0xFFFFF086;
	s6 =	sadd.s32 @!p0 s3, s7;
	s7 =	simm.s32 @!p0 $0x108  }
0x21: {  	s3 =	sadd.s32 s3, s9;
	s6 =	sadd.s32 @!p0 $0x88, s6;
	s7 =	simm.s32 @p2 $0x1082  }
0x22: {  	[simem:s7], [sflag:s8] =	dma.local @!p0 [hbm:s6], $0xF7A  }
0x23: {  	s9 =	sor.u32 $0xD0000000, s2;
	s6 =	simm.s32 $0x108;
	_ =	swait.ge @!p0 [sflag:s8], $0x0  }
0x24: {  	s3 =	sadd.s32 $0x88, s3;
	s6 =	simm.s32 @!p1 $0x1082;
	[sflag:s4] =	ssyncset.s32 $0xFFFFF086  }
0x25: {  	[simem:s6], [sflag:s4] =	dma.local [hbm:s3], $0xF7A  }
0x26: {  	[smem:$0x3F9F] =	sst s1;
	(tag) =	ssettag s2;
	_ =	strace s9  }
0x27: {  	s1 =	sld [smem:$0x3FAF]  }
0x28: {  	s2 =	sld [smem:$0x3FB0]  }
0x29: {  	s4 =	sld [smem:$0x3FB2]  }
0x2a: {  	p0 =	seq.s32 s5, $0x0;
	s5 =	sld [smem:$0x3FB3]  }
0x2b: {  	s6 =	sld [smem:$0x3FB4]  }
0x2c: {  	s7 =	sld [smem:$0x3FB5]  }
0x2d: {  	s3 =	simm.s32 $0x108;
	s8 =	sld [smem:$0x3FB6]  }
0x2e: {  	s3 =	simm.s32 @!p0 $0x1082;
	s9 =	sld [smem:$0x3FB7]  }
0x2f: {  	lr =	sadd.s32 s0, s3;
	s0 =	sld [smem:$0x3FAE]  }
0x30: {  	s3 =	sld [smem:$0x3FB1]  }
0x31: {  	[smem:$0x3FBA] =	sst s10  }
0x32: {  	s10 =	sld [smem:$0x3FB8];
	_ =	sdelay $0x3  }
0x33: {  	p0 =	seq.s32 s10, $0x1;
	s10 =	sld [smem:$0x3FBA];
	_ =	sdelay $0x3  }
0x34: {  	[smem:$0x3FBA] =	sst s10  }
0x35: {  	s10 =	sld [smem:$0x3FB9];
	_ =	sdelay $0x3  }
0x36: {  	p1 =	seq.s32 s10, $0x1;
	s10 =	sld [smem:$0x3FBA];
	_ =	sdelay $0x3  }
0x37: {  	[smem:$0x3FBA] =	sst s10  }
0x38: {  	s10 =	sld [smem:$0x3FBB]  }
0x39: {  	_ = 	snop;
	(pc) =	sbr.ind lr, $3  }
0x3a: {  	_ = 	snop  }
0x3b: {  	_ = 	snop  }
0x3c: {  	p2 =	seq.s32 s10, $0x1;
	s10 =	sld [smem:$0x3FBA]  }
0x3d: {  	_ =	shalt  }
0x3e: {  	_ =	shalt  }
0x3f: {  	_ =	shalt  }
0x40: {  	_ =	shalt  }
0x41: {  	_ =	shalt  }
0x42: {  	_ =	shalt  }
0x43: {  	_ =	shalt  }
0x44: {  	_ =	shalt  }
0x45: {  	_ =	shalt  }
0x46: {  	_ =	shalt  }
0x47: {  	_ =	shalt  }
0x48: {  	_ =	shalt  }
0x49: {  	_ =	shalt  }
0x4a: {  	_ =	shalt  }
0x4b: {  	_ =	shalt  }
0x4c: {  	_ =	shalt  }
0x4d: {  	_ =	shalt  }
0x4e: {  	_ =	shalt  }
0x4f: {  	_ =	shalt  }
0x50: {  	_ =	shalt  }
0x51: {  	_ =	shalt  }
0x52: {  	_ =	shalt  }
0x53: {  	_ =	shalt  }
0x54: {  	_ =	shalt  }
0x55: {  	_ =	shalt  }
0x56: {  	_ =	shalt  }
0x57: {  	_ =	shalt  }
0x58: {  	_ =	shalt  }
0x59: {  	_ =	shalt  }
0x5a: {  	_ =	shalt  }
0x5b: {  	_ =	shalt  }
0x5c: {  	_ =	shalt  }
0x5d: {  	_ =	shalt  }
0x5e: {  	_ =	shalt  }
0x5f: {  	_ =	shalt  }
0x60: {  	_ =	shalt  }
0x61: {  	_ =	shalt  }
0x62: {  	_ =	shalt  }
0x63: {  	_ =	shalt  }
0x64: {  	_ =	shalt  }
0x65: {  	_ =	shalt  }
0x66: {  	_ =	shalt  }
0x67: {  	_ =	shalt  }
0x68: {  	_ =	shalt  }
0x69: {  	_ =	shalt  }
0x6a: {  	_ =	shalt  }
0x6b: {  	_ =	shalt  }
0x6c: {  	_ =	shalt  }
0x6d: {  	_ =	shalt  }
0x6e: {  	_ =	shalt  }
0x6f: {  	_ =	shalt  }
0x70: {  	_ =	shalt  }
0x71: {  	_ =	shalt  }
0x72: {  	_ =	shalt  }
0x73: {  	_ =	shalt  }
0x74: {  	_ =	shalt  }
0x75: {  	_ =	shalt  }
0x76: {  	_ =	shalt  }
0x77: {  	_ =	shalt  }
0x78: {  	_ =	shalt  }
0x79: {  	_ =	shalt  }
0x7a: {  	_ =	shalt  }
0x7b: {  	_ =	shalt  }
0x7c: {  	_ =	shalt  }
0x7d: {  	_ =	shalt  }
0x7e: {  	_ =	shalt  }
0x7f: {  	_ =	shalt  }
0x80: {  	_ =	shalt  }
0x81: {  	_ =	shalt  }
0x82: {  	_ =	shalt  }
0x83: {  	_ =	shalt  }
0x84: {  	_ =	shalt  }
0x85: {  	_ =	shalt  }
0x86: {  	_ =	shalt  }
0x87: {  	_ =	shalt  }
.Lfunc_end0:
.L_simem_size_0:
called_computation_lowered:
.L_overlay_start_0:
0x88: {  	s2 =	sld [smem:$0x3FD9]  }
0x89: {  	s3 =	sld [smem:$0x3FFE];
	_ =	sdelay $0x1  }
0x8a: {  	s1 =	srdreg.scid  }
0x8b: {  	s0 =	sand.u32 $0x1, s1  }
0x8c: {  	s17 =	sshll.u32 s0, $0xA;
	s2 =	sadd.s32 s3, s2  }
0x8d: {  	s2 =	sadd.s32 s2, s17  }
0x8e: {  	[smem:$0x3FC6] =	sst s2  }
0x8f: {  	_ = 	snop  }
0x90: {  	s2 =	sld [smem:$0x3FD0];
	(tm) =	ssettm $0x1  }
0x91: {  	s18 =	sld [smem:$0x3FFB];
	_ =	sdelay $0x3  }
0x92: {  	_ =	strace s18  }
0x93: {  	s3 =	sld [smem:$0x3FFC];
	_ =	sdelay $0x3  }
0x94: {  	_ =	strace s3  }
0x95: {  	s3 =	sld [smem:$0x3FFD];
	_ =	sdelay $0x3  }
0x96: {  	_ =	strace s3  }
0x97: {  	_ =	strace $0x8FFFFFFF  }
0x98: {  	s19 =	sld [smem:$0x3FDB];
	_ =	sdelay $0x1  }
0x99: {  	s4 =	simm.s32 $_scs_section_size  }
0x9a: {  	s5 =	simm.s32 $_size__tile_overlayer_lowered;
	s6 =	simm.s32 $_tile_overlayer_lowered  }
0x9b: {  	s22 =	simm.s32 $0x1BFF;
	s21 =	sshll.u32 s6, $0x1;
	s3 =	sadd.s32 s4, s19  }
0x9c: {  	s7 =	simm.s32 $0x0;
	s20 =	sshll.u32 s5, $0x1;
	s5 =	sadd.s32 s21, s3  }
0x9d: {  	[timem:s7], [sflag:s22] =	dma.local [hbm:s5], s20  }
0x9e: {  	_ =	swait.ge [sflag:s22], s20  }
0x9f: {  	s4 =	ssub.s32 $0x0, s20;
	[sflag:s22] =	ssyncset.done $0x0  }
0xa0: {  	[sflag:s22] =	ssyncadd.s32 s4;
	_ =	sdelay $0x1  }
0xa1: {  	s23 =	simm.s32 $0x1B8B  }
0xa2: {  	_ =	swait.ge [sflag:s23], $0x1  }
0xa3: {  	[sflag:s23] =	ssyncset.done $0x0  }
0xa4: {  	s25 =	simm.s32 $0x1B8E;
	s24 =	sld [smem:$0x3FFE];
	[sflag:s23] =	ssyncadd.s32 $0xFFFFFFFF  }
0xa5: {  	s26 =	simm.s32 $execute0_lowered;
	[smem:$0x3FD2] =	sst s25  }
0xa6: {  	s5 =	sshll.u32 s26, $0x1;
	_ =	strace $0x80000046;
	[dreg:$0x1] =	wrdreg $0xFFFFFFFF  }
0xa7: {  	s28 =	simm.s32 $_size_execute0_lowered;
	s3 =	sadd.s32 s3, s5;
	[dreg:$0x0] =	wrdreg $0x0  }
0xa8: {  	s5 =	sshll.u32 s28, $0x1;
	[dreg:$0x2] =	wrdreg s3  }
0xa9: {  	[dreg:$0x3] =	wrdreg s5  }
0xaa: {  	[dreg:$0x4] =	wrdreg $0xC0  }
0xab: {  	_ =	task [dreg:s7], $0x5FFFF  }
0xac: {  	[dreg:$0x1] =	wrdreg $0xFFFFFFFF  }
0xad: {  	[dreg:$0x0] =	wrdreg $0x60  }
0xae: {  	[dreg:$0x2] =	wrdreg s2  }
0xaf: {  	[dreg:$0x3] =	wrdreg s24  }
0xb0: {  	[dreg:$0x4] =	wrdreg $0x9  }
0xb1: {  	_ =	task.clear_ibuf [dreg:s7], $0x5FFFF;
	_ =	strace $0x90000046  }
0xb2: {  	s29 =	simm.s32 $0x9;
	_ =	strace $0x80000048  }
0xb3: {  	_ =	swait.ge [sflag:s29], $0x1  }
0xb4: {  	[sflag:s29] =	ssyncadd.s32 $0xFFFFFFFF  }
0xb5: {  	_ =	strace $0x90000048  }
0xb6: {  	_ =	sfence  }
0xb7: {  	s30 =	sld [smem:$0x0];
	_ =	sdelay $0x2  }
0xb8: {  	s31 =	sshll.u32 s1, $0xD;
	s1 =	sshrl.u32 s1, $0x2  }
0xb9: {  	s3 =	sand.u32 $0x4000, s31;
	s1 =	sadd.s32 s1, s30  }
0xba: {  	s0 =	sor.u32 s3, s0;
	s1 =	sshll.u32 s1, $0x11  }
0xbb: {  	s0 =	sor.u32 s1, s0  }
0xbc: {  	s0 =	sadd.s32 $0x8F2B, s0  }
0xbd: {  	[sflag:s0] =	ssyncadd.remote.s32 $0x1  }
0xbe: {  	_ =	sfence.sel $0xFFFF  }
0xbf: {  	[dreg:$0x0] =	wrdreg $0xFFFFFFFF;
	(pc) =	sbr.abs _section_cstart, $3  }
0xc0: {  	[dreg:$0x1] =	wrdreg $0xFFFFFFFF  }
0xc1: {  	_ =	task.clear_ibuf [dreg:s7], $0x2FFFF;
	_ =	strace $0x9FFFFFFF  }
0xc2: {  	(tm) =	ssettm $0x7FFFFFFF  }
0xc3: {  	_ =	shalt  }
tec
execute0_lowered:
.L_overlay_start_1:
0x0: {  	(tag) =	ssettag $0x1  }
0x1: {  	s5 =	rddreg [dreg:$0x0];
	s1 =	srdreg.scid  }
0x2: {  	s0 =	stileid.u32;
	s4 =	rddreg [dreg:$0x1];
	s2 =	simm.s32 $0x0  }
0x3: {  	s11 =	simm.s32 $0x3;
	s12 =	simm.s32 $0x15D80;
	s13 =	simm.s32 $0x16D80  }
0x4: {  	s14 =	simm.s32 $0x1;
	s15 =	simm.s32 $0x17D80;
	s16 =	simm.s32 $0x1BD80  }
0x5: {  	s17 =	simm.s32 $0x2;
	s3 =	sand.u32 $0x1, s1;
	s1 =	rddreg [dreg:$0x2]  }
0x6: {  	s18 =	simm.s32 $0x0;
	s6 =	sshll.u32 s0, $0x1;
	[smem:$0x7FF] =	sst s2  }
0x7: {  	s8 =	sor.u32 s3, s6;
	_ =	strace $0x80000047;
	s9 =	ssub.s32 $0x2, s3  }
0x8: {  	s3 =	sadd.s32 $0x8800, s4;
	s6 =	sshll.u32 s8, $0x9;
	s10 =	sshrl.u32 s9, $0x1  }
0x9: {  	s8 =	sshll.u32 s8, $0x13;
	s7 =	sadd.s32 s6, s4;
	s4 =	sadd.s32 $0xB200, s4  }
0xa: {  	v0 =	vlaneseq.u32;
	s9 =	ssub.s32 s9, s10;
	s5 =	sadd.s32 s5, s6;
	s10 =	simm.s32 $0x14D80  }
0xb: {  	v0 =	vmul.u32 $0x80, v0;
	s6 =	sadd.s32 $0x4800, s7;
	s7 =	sadd.s32 $0x800, s7;
	s9 =	smax.u32 s9, $0x1  }
.LBB2_1:
0xc: {  	[tilespmem:s2], [sflag:$0x1] =	stream.linear.gather [hbm4b:s3+s2], $0x14D80, $0x38;
	[tilespmem:$0x1FD80] =	vst v63  }
0xd: {  	_ = 	snop  }
0xe: {  	[tilespmem:s10], [sflag:$0x3] =	stream.linear.gather [hbm4b:s5+s2], $0x1000, $0x38;
	[tilespmem:$0x1FD80] =	vst v63  }
0xf: {  	_ =	swait.ge [sflag:s11], $0x1000  }
0x10: {  	[sflag:s11] =	ssyncset.done $0x0  }
0x11: {  	[sflag:s11] =	ssyncadd.s32 $0xFFFFF000  }
0x12: {  	[tilespmem:s12], [sflag:$0x3] =	stream.linear.gather [hbm4b:s6+s2], $0x1000, $0x38;
	[tilespmem:$0x1FD80] =	vst v63  }
0x13: {  	_ =	swait.ge [sflag:s11], $0x1000  }
0x14: {  	[sflag:s11] =	ssyncset.done $0x0  }
0x15: {  	[sflag:s11] =	ssyncadd.s32 $0xFFFFF000  }
0x16: {  	[tilespmem:s13], [sflag:$0x3] =	stream.linear.gather [hbm4b:s7+s2], $0x1000, $0x38;
	[tilespmem:$0x1FD80] =	vst v63  }
0x17: {  	_ =	swait.ge [sflag:s11], $0x1000  }
0x18: {  	[sflag:s11] =	ssyncset.done $0x0  }
0x19: {  	s20 =	simm.s32 $0x14D90;
	[sflag:s11] =	ssyncadd.s32 $0xFFFFF000  }
0x1a: {  	s19 =	simm.s32 $0x15D90;
	v1 =	vld [tilespmem:s20+$0x0]  }
0x1b: {  	v2 =	vld [tilespmem:s19+$0x0]  }
0x1c: {  	s21 =	simm.s32 $0x16D90  }
0x1d: {  	v3 =	vld [tilespmem:s21+$0x0];
	_ =	sdelay $0x2  }
0x1e: {  	v1 =	vmul.f32 v1, v1;
	v2 =	vmul.f32 v2, v2;
	_ =	sdelay $0x1  }
0x1f: {  	v4 =	vld [tilespmem:s19+$0xFFFFFFF0];
	v1 =	vadd.f32 v2, v1;
	v2 =	vmul.f32 v3, v3  }
0x20: {  	v3 =	vld [tilespmem:s20+$0xFFFFFFF0]  }
0x21: {  	v1 =	vadd.f32 v2, v1  }
0x22: {  	v2 =	vld [tilespmem:s21+$0xFFFFFFF0]  }
0x23: {  	v1 =	vmax.f32 v1, $1.000000000e-30  }
0x24: {  	v5 =	vshra.s32 v1, $0x1;
	v6 =	vmul.f32 $5.000000000e-01, v1  }
0x25: {  	v4 =	vmul.f32 v4, v4;
	v3 =	vmul.f32 v3, v3;
	v5 =	vsub.s32 $0x5F3759DF, v5  }
0x26: {  	v7 =	vmul.f32 v5, v6  }
0x27: {  	v2 =	vmul.f32 v2, v2;
	v3 =	vadd.f32 v4, v3  }
0x28: {  	s22 =	simm.s32 $0x14DB0;
	v4 =	vmul.f32 v5, v7  }
0x29: {  	s21 =	simm.s32 $0x15DB0;
	v2 =	vadd.f32 v2, v3;
	v3 =	vld [tilespmem:s22+$0x0]  }
0x2a: {  	v7 =	vld [tilespmem:s21+$0x0];
	v4 =	vsub.f32 $1.500000000e+00, v4  }
0x2b: {  	s23 =	simm.s32 $0x16DB0;
	v2 =	vmax.f32 v2, $1.000000000e-30  }
0x2c: {  	v8 =	vshra.s32 v2, $0x1;
	v9 =	vmul.f32 $5.000000000e-01, v2;
	v4 =	vmul.f32 v5, v4;
	v5 =	vld [tilespmem:s23+$0x0]  }
0x2d: {  	v8 =	vsub.s32 $0x5F3759DF, v8  }
0x2e: {  	v10 =	vmul.f32 v8, v9;
	v11 =	vmul.f32 v4, v6  }
0x2f: {  	v13 =	vld [tilespmem:s22+$0xFFFFFFF0];
	v3 =	vmul.f32 v3, v3;
	v7 =	vmul.f32 v7, v7  }
0x30: {  	v12 =	vld [tilespmem:s21+$0xFFFFFFF0];
	v10 =	vmul.f32 v8, v10;
	v11 =	vmul.f32 v11, v4  }
0x31: {  	v3 =	vadd.f32 v7, v3;
	v5 =	vmul.f32 v5, v5  }
0x32: {  	v7 =	vsub.f32 $1.500000000e+00, v10;
	v10 =	vld [tilespmem:s23+$0xFFFFFFF0];
	v11 =	vsub.f32 $1.500000000e+00, v11  }
0x33: {  	v3 =	vadd.f32 v5, v3  }
0x34: {  	v5 =	vmul.f32 v8, v7;
	v4 =	vmul.f32 v11, v4  }
0x35: {  	v7 =	vmul.f32 v12, v12;
	v8 =	vmul.f32 v13, v13;
	v3 =	vmax.f32 v3, $1.000000000e-30  }
0x36: {  	v6 =	vmul.f32 v4, v6;
	v11 =	vshra.s32 v3, $0x1;
	v12 =	vmul.f32 $5.000000000e-01, v3  }
0x37: {  	v13 =	vmul.f32 v5, v9;
	v10 =	vmul.f32 v10, v10;
	v11 =	vsub.s32 $0x5F3759DF, v11  }
0x38: {  	v7 =	vadd.f32 v7, v8;
	v6 =	vmul.f32 v6, v4;
	v8 =	vmul.f32 v11, v12  }
0x39: {  	v13 =	vmul.f32 v13, v5  }
0x3a: {  	v7 =	vadd.f32 v10, v7;
	v6 =	vsub.f32 $1.500000000e+00, v6;
	v8 =	vmul.f32 v11, v8  }
0x3b: {  	v10 =	vsub.f32 $1.500000000e+00, v13  }
0x3c: {  	v7 =	vmax.f32 v7, $1.000000000e-30;
	v4 =	vmul.f32 v6, v4;
	v6 =	vsub.f32 $1.500000000e+00, v8  }
0x3d: {  	s24 =	simm.s32 $0x14DD0;
	v13 =	vmul.f32 $5.000000000e-01, v7;
	v5 =	vmul.f32 v10, v5;
	v8 =	vshra.s32 v7, $0x1  }
0x3e: {  	s23 =	simm.s32 $0x15DD0;
	v8 =	vsub.s32 $0x5F3759DF, v8;
	v1 =	vmul.f32 v4, v1;
	v4 =	vld [tilespmem:s24+$0x0];
	v6 =	vmul.f32 v11, v6  }
0x3f: {  	s25 =	simm.s32 $0x16DD0;
	v9 =	vmul.f32 v5, v9;
	v10 =	vmul.f32 v8, v13;
	v11 =	vld [tilespmem:s23+$0x0]  }
0x40: {  	v15 =	vld [tilespmem:s25+$0x0];
	v14 =	vmul.f32 $5.000000000e+01, v1;
	v1 =	vmul.f32 v6, v12  }
0x41: {  	v18 =	vld [tilespmem:s24+$0xFFFFFFF0];
	v9 =	vmul.f32 v9, v5;
	v10 =	vmul.f32 v8, v10  }
0x42: {  	v19 =	vld [tilespmem:s25+$0xFFFFFFF0];
	v16 =	vtrunc.f32 v14;
	v1 =	vmul.f32 v1, v6  }
0x43: {  	v17 =	vld [tilespmem:s23+$0xFFFFFFF0];
	v9 =	vsub.f32 $1.500000000e+00, v9;
	v10 =	vsub.f32 $1.500000000e+00, v10;
	v16 =	vcvt.f32.s32 v16  }
0x44: {  	v4 =	vmul.f32 v4, v4;
	v11 =	vmul.f32 v11, v11;
	v1 =	vsub.f32 $1.500000000e+00, v1  }
0x45: {  	v5 =	vmul.f32 v9, v5;
	v8 =	vmul.f32 v8, v10  }
0x46: {  	v10 =	vmul.f32 v15, v15;
	v4 =	vadd.f32 v11, v4;
	v6 =	vmul.f32 v1, v6  }
0x47: {  	v15 =	vmul.f32 v19, v19;
	v11 =	vmul.f32 v18, v18  }
0x48: {  	v1 =	vmul.f32 v17, v17;
	v4 =	vadd.f32 v10, v4;
	v10 =	vmul.f32 v6, v12  }
0x49: {  	v9 =	vadd.s32 $0x1, v16;
	v2 =	vmul.f32 v5, v2;
	v12 =	vmul.f32 v8, v13  }
0x4a: {  	v1 =	vadd.f32 v1, v11;
	v17 =	vmax.f32 v4, $1.000000000e-30;
	v4 =	vmul.f32 v10, v6  }
0x4b: {  	v10 =	vmul.f32 v12, v8;
	v11 =	vshra.s32 v17, $0x1;
	v12 =	vmul.f32 $5.000000000e-01, v17  }
0x4c: {  	v1 =	vadd.f32 v15, v1;
	v11 =	vsub.s32 $0x5F3759DF, v11;
	v4 =	vsub.f32 $1.500000000e+00, v4  }
0x4d: {  	v9 =	vcvt.s32.f32 v9;
	v5 =	vmul.f32 v11, v12  }
0x4e: {  	v10 =	vsub.f32 $1.500000000e+00, v10;
	v1 =	vmax.f32 v1, $1.000000000e-30;
	v4 =	vmul.f32 v4, v6  }
0x4f: {  	v18 =	vmul.f32 $5.000000000e-01, v1;
	v6 =	vshra.s32 v1, $0x1;
	v5 =	vmul.f32 v11, v5  }
0x50: {  	v8 =	vmul.f32 v10, v8;
	v6 =	vsub.s32 $0x5F3759DF, v6;
	v3 =	vmul.f32 v4, v3  }
0x51: {  	s25 =	simm.s32 $0x14DF0;
	v15 =	vmul.f32 $5.000000000e+01, v2;
	v2 =	vmul.f32 v6, v18;
	v4 =	vsub.f32 $1.500000000e+00, v5  }
0x52: {  	v10 =	vld [tilespmem:s25+$0x0];
	v5 =	vmul.f32 v8, v13;
	v3 =	vmul.f32 $5.000000000e+01, v3  }
0x53: {  	s26 =	simm.s32 $0x15DF0;
	v2 =	vmul.f32 v6, v2;
	v4 =	vmul.f32 v11, v4  }
0x54: {  	vm0 =	vlt.s32 v16, $0x14D4;
	v11 =	vld [tilespmem:s26+$0x0];
	v5 =	vmul.f32 v5, v8;
	v13 =	vtrunc.f32 v3  }
0x55: {  	v19 =	vtrunc.f32 v15;
	v2 =	vsub.f32 $1.500000000e+00, v2;
	v13 =	vcvt.f32.s32 v13  }
0x56: {  	v19 =	vcvt.f32.s32 v19;
	v20 =	vmul.f32 v4, v12;
	v5 =	vsub.f32 $1.500000000e+00, v5  }
0x57: {  	s29 =	simm.s32 $0x16DF0;
	v21 =	vld [tilespmem:s26+$0xFFFFFFF0];
	v22 =	vmul.f32 v6, v2;
	v6 =	vmul.f32 v10, v10;
	v2 =	vadd.s32 $0x1, v13  }
0x58: {  	v9 =	vsub.f32 v9, v14;
	v10 =	vld [tilespmem:s29+$0x0];
	v5 =	vmul.f32 v5, v8;
	v2 =	vcvt.s32.f32 v2  }
0x59: {  	v14 =	vnsel vm0, $0x14D4, v16;
	v8 =	vld [tilespmem:s25+$0xFFFFFFF0];
	v16 =	vmul.f32 v20, v4;
	v11 =	vmul.f32 v11, v11  }
0x5a: {  	v14 =	vshll.u32 v14, $0x4;
	vm1 =	vlt.s32 v19, $0x14D4;
	v62 =	vsub.f32 v2, v3  }
0x5b: {  	vm15 =	vlt.s32 v13, $0x14D4;
	v2 =	vld [tilespmem:s29+$0xFFFFFFF0];
	v3 =	vadd.f32 v11, v6;
	v11 =	vsub.f32 $1.500000000e+00, v16  }
0x5c: {  	v13 =	vnsel vm15, $0x14D4, v13;
	v5 =	vmul.f32 v5, v7;
	v16 =	vmul.f32 v21, v21  }
0x5d: {  	v13 =	vshll.u32 v13, $0x4;
	v10 =	vmul.f32 v10, v10;
	v63 =	vmul.f32 v11, v4  }
0x5e: {  	v6 =	vadd.s32 $0x1, v19;
	v4 =	vmul.f32 v8, v8;
	v8 =	vmul.f32 v22, v18  }
0x5f: {  	v19 =	vnsel vm1, $0x14D4, v19;
	v3 =	vadd.f32 v10, v3;
	v10 =	vmul.f32 v63, v12  }
0x60: {  	v4 =	vadd.f32 v16, v4;
	v8 =	vmul.f32 v8, v22;
	v2 =	vmul.f32 v2, v2  }
0x61: {  	v12 =	vcvt.s32.f32 v6;
	v3 =	vmax.f32 v3, $1.000000000e-30;
	v7 =	vmul.f32 v10, v63  }
0x62: {  	v6 =	vmul.f32 $5.000000000e-01, v3;
	v2 =	vadd.f32 v2, v4;
	v4 =	vshra.s32 v3, $0x1  }
0x63: {  	v8 =	vsub.f32 $1.500000000e+00, v8;
	v11 =	vsub.s32 $0x5F3759DF, v4;
	v7 =	vsub.f32 $1.500000000e+00, v7  }
0x64: {  	v4 =	vmax.f32 v2, $1.000000000e-30;
	v16 =	vmul.f32 v11, v6;
	v2 =	vmul.f32 $5.000000000e+01, v5  }
0x65: {  	v10 =	vshra.s32 v4, $0x1;
	v7 =	vmul.f32 v7, v63;
	v5 =	vmul.f32 $5.000000000e-01, v4  }
0x66: {  	[tilespmem:s20+$0x0] =	vst v14;
	v8 =	vmul.f32 v8, v22;
	v10 =	vsub.s32 $0x5F3759DF, v10;
	v14 =	vmul.f32 v11, v16  }
0x67: {  	[tilespmem:s19+$0x0] =	vst v9;
	v9 =	vsub.f32 v12, v15;
	v16 =	vmul.f32 v10, v5;
	v7 =	vmul.f32 v7, v17  }
0x68: {  	[tilespmem:s22+$0x0] =	vst v13;
	v13 =	vtrunc.f32 v2;
	v15 =	vsub.f32 $1.500000000e+00, v14;
	v14 =	vmul.f32 v8, v18  }
0x69: {  	s30 =	simm.s32 $0x6;
	s31 =	simm.s32 $0x14E10;
	s28 =	simm.s32 $0x15DF0;
	[tilespmem:s21+$0x0] =	vst v62;
	v12 =	vshll.u32 v19, $0x4;
	v16 =	vmul.f32 v10, v16;
	v7 =	vmul.f32 $5.000000000e+01, v7  }
.LBB2_2:
0x6a: {  	v17 =	vld [tilespmem:s31+$0x0];
	v11 =	vmul.f32 v11, v15;
	s26 =	sadd.s32 $0x20, s26;
	v14 =	vmul.f32 v14, v8;
	[tilespmem:s20+$0xFFFFFFF0] =	vst v12;
	s20 =	smov.u32 s22;
	s22 =	smov.u32 s24  }
0x6b: {  	s30 =	sadd.s32 $0x2, s30;
	v13 =	vcvt.f32.s32 v13;
	v12 =	vld [tilespmem:s26+$0x0];
	v15 =	vsub.f32 $1.500000000e+00, v16;
	v16 =	vtrunc.f32 v7;
	[tilespmem:s19+$0xFFFFFFF0] =	vst v9;
	s19 =	smov.u32 s21;
	s21 =	smov.u32 s23  }
0x6c: {  	s29 =	sadd.s32 $0x20, s29;
	p0 =	slt.u32 s30, $0xFE;
	s23 =	smov.u32 s28;
	v9 =	vld [tilespmem:s26+$0xFFFFFFF0];
	v18 =	vmul.f32 v11, v6;
	v14 =	vsub.f32 $1.500000000e+00, v14;
	v16 =	vcvt.f32.s32 v16  }
0x6d: {  	s24 =	smov.u32 s25;
	s25 =	smov.u32 s31;
	s28 =	smov.u32 s26;
	vm0 =	vlt.s32 v13, $0x14D4;
	v19 =	vld [tilespmem:s29+$0x0];
	v15 =	vmul.f32 v10, v15;
	v10 =	vadd.s32 $0x1, v13  }
0x6e: {  	v20 =	vld [tilespmem:s31+$0xFFFFFFF0];
	v18 =	vmul.f32 v18, v11;
	v8 =	vmul.f32 v14, v8;
	v14 =	vadd.s32 $0x1, v16  }
0x6f: {  	vm1 =	vlt.s32 v16, $0x14D4;
	v21 =	vld [tilespmem:s29+$0xFFFFFFF0];
	v17 =	vmul.f32 v17, v17;
	v14 =	vcvt.s32.f32 v14  }
0x70: {  	v16 =	vnsel vm1, $0x14D4, v16;
	v12 =	vmul.f32 v12, v12;
	v18 =	vsub.f32 $1.500000000e+00, v18  }
0x71: {  	v9 =	vmul.f32 v9, v9;
	v7 =	vsub.f32 v14, v7;
	v14 =	vshll.u32 v16, $0x4  }
0x72: {  	v12 =	vadd.f32 v12, v17;
	v16 =	vmul.f32 v19, v19;
	v17 =	vmul.f32 v18, v11;
	[tilespmem:s22+$0x0] =	vst v14  }
0x73: {  	v14 =	vmul.f32 v15, v5;
	v18 =	vnsel vm0, $0x14D4, v13;
	v11 =	vmul.f32 v20, v20;
	[tilespmem:s21+$0x0] =	vst v7  }
0x74: {  	v7 =	vmul.f32 v21, v21;
	v12 =	vadd.f32 v16, v12;
	v6 =	vmul.f32 v17, v6  }
0x75: {  	v8 =	vmul.f32 v8, v1;
	v1 =	vmovc v4;
	v13 =	vmul.f32 v14, v15;
	v9 =	vadd.f32 v9, v11  }
0x76: {  	v14 =	vcvt.s32.f32 v10;
	v12 =	vmax.f32 v12, $1.000000000e-30;
	v4 =	vmul.f32 v6, v17  }
0x77: {  	v7 =	vadd.f32 v7, v9;
	v9 =	vshra.s32 v12, $0x1;
	v6 =	vmul.f32 $5.000000000e-01, v12  }
0x78: {  	v11 =	vsub.s32 $0x5F3759DF, v9;
	v9 =	vsub.f32 $1.500000000e+00, v13;
	v10 =	vsub.f32 $1.500000000e+00, v4  }
0x79: {  	v16 =	vmul.f32 $5.000000000e+01, v8;
	v4 =	vmax.f32 v7, $1.000000000e-30;
	v7 =	vmul.f32 v11, v6  }
.Ltmp0:
0x7a: {  	v8 =	vshra.s32 v4, $0x1;
	v19 =	vmul.f32 $5.000000000e-01, v4;
	v13 =	vmul.f32 v10, v17;
	(pc) =	sbr.rel @p0 .LBB2_2-.Ltmp0, $4  }
0x7b: {  	v10 =	vsub.s32 $0x5F3759DF, v8;
	v7 =	vmul.f32 v11, v7;
	v8 =	vmul.f32 v9, v15  }
0x7c: {  	v9 =	vsub.f32 v14, v2;
	v17 =	vmul.f32 v10, v19;
	v20 =	vmul.f32 v13, v3;
	v3 =	vmovc v12  }
0x7d: {  	v2 =	vmovc v16;
	v13 =	vtrunc.f32 v16;
	v15 =	vsub.f32 $1.500000000e+00, v7;
	v14 =	vmul.f32 v8, v5;
	v5 =	vmovc v19  }
0x7e: {  	s31 =	sadd.s32 $0x20, s31;
	v12 =	vshll.u32 v18, $0x4;
	v16 =	vmul.f32 v10, v17;
	v7 =	vmul.f32 $5.000000000e+01, v20  }
0x7f: {  	v11 =	vmul.f32 v11, v15;
	_ =	sdelay $0x1  }
0x80: {  	v36 =	vsub.f32 $1.500000000e+00, v16;
	v37 =	vmul.f32 v11, v6;
	_ =	sdelay $0x1  }
0x81: {  	v10 =	vmul.f32 v10, v36;
	v38 =	vmul.f32 v37, v11;
	_ =	sdelay $0x1  }
0x82: {  	v39 =	vmul.f32 v10, v5;
	v15 =	vsub.f32 $1.500000000e+00, v38;
	_ =	sdelay $0x1  }
0x83: {  	v40 =	vmul.f32 v39, v10;
	v11 =	vmul.f32 v15, v11  }
0x84: {  	v14 =	vmul.f32 v14, v8  }
0x85: {  	v15 =	vsub.f32 $1.500000000e+00, v40;
	v41 =	vmul.f32 v11, v6  }
0x86: {  	v14 =	vsub.f32 $1.500000000e+00, v14  }
0x87: {  	v10 =	vmul.f32 v15, v10;
	v6 =	vmul.f32 v41, v11  }
0x88: {  	v44 =	vmul.f32 v14, v8  }
0x89: {  	v43 =	vmul.f32 v10, v5;
	v6 =	vsub.f32 $1.500000000e+00, v6  }
0x8a: {  	v13 =	vcvt.f32.s32 v13;
	v1 =	vmul.f32 v44, v1  }
0x8b: {  	v5 =	vmul.f32 v43, v10;
	v6 =	vmul.f32 v6, v11  }
0x8c: {  	v42 =	vtrunc.f32 v7;
	v45 =	vadd.s32 $0x1, v13;
	v1 =	vmul.f32 $5.000000000e+01, v1  }
0x8d: {  	v15 =	vcvt.f32.s32 v42;
	v5 =	vsub.f32 $1.500000000e+00, v5;
	v3 =	vmul.f32 v6, v3  }
0x8e: {  	vm0 =	vlt.s32 v13, $0x14D4;
	v49 =	vcvt.s32.f32 v45;
	v50 =	vtrunc.f32 v1  }
0x8f: {  	v46 =	vadd.s32 $0x1, v15;
	v5 =	vmul.f32 v5, v10;
	v3 =	vmul.f32 $5.000000000e+01, v3  }
0x90: {  	v54 =	vnsel vm0, $0x14D4, v13;
	v53 =	vcvt.f32.s32 v50;
	v47 =	vcvt.s32.f32 v46  }
0x91: {  	v55 =	vshll.u32 v54, $0x4;
	v4 =	vmul.f32 v5, v4;
	v51 =	vtrunc.f32 v3  }
0x92: {  	[tilespmem:s20+$0xFFFFFFF0] =	vst v12;
	vm1 =	vlt.s32 v15, $0x14D4;
	v6 =	vsub.f32 v47, v7;
	v7 =	vcvt.f32.s32 v51  }
0x93: {  	[tilespmem:s19+$0xFFFFFFF0] =	vst v9;
	v2 =	vsub.f32 v49, v2;
	v48 =	vnsel vm1, $0x14D4, v15;
	v4 =	vmul.f32 $5.000000000e+01, v4  }
0x94: {  	[tilespmem:s22+$0xFFFFFFF0] =	vst v55;
	v56 =	vadd.s32 $0x1, v53;
	v52 =	vshll.u32 v48, $0x4;
	v57 =	vadd.s32 $0x1, v7  }
0x95: {  	[tilespmem:s21+$0xFFFFFFF0] =	vst v2;
	vm13 =	vlt.s32 v7, $0x14D4;
	v59 =	vtrunc.f32 v4;
	v58 =	vcvt.s32.f32 v57  }
0x96: {  	v61 =	vcvt.s32.f32 v56;
	[tilespmem:s24+$0x0] =	vst v52;
	v60 =	vnsel vm13, $0x14D4, v7;
	v62 =	vcvt.f32.s32 v59  }
0x97: {  	vm14 =	vlt.s32 v53, $0x14D4;
	[tilespmem:s23+$0x0] =	vst v6;
	v2 =	vsub.f32 v58, v3;
	v3 =	vshll.u32 v60, $0x4  }
0x98: {  	v1 =	vsub.f32 v61, v1;
	v63 =	vadd.s32 $0x1, v62;
	[tilespmem:s25+$0x0] =	vst v3;
	v3 =	vnsel vm14, $0x14D4, v53  }
0x99: {  	vm15 =	vlt.s32 v62, $0x14D4;
	[tilespmem:s28+$0x0] =	vst v2;
	v2 =	vshll.u32 v3, $0x4;
	v3 =	vcvt.s32.f32 v63  }
0x9a: {  	[tilespmem:s24+$0xFFFFFFF0] =	vst v2;
	v2 =	vnsel vm15, $0x14D4, v62  }
0x9b: {  	[tilespmem:s23+$0xFFFFFFF0] =	vst v1;
	v1 =	vsub.f32 v3, v4;
	v2 =	vshll.u32 v2, $0x4  }
0x9c: {  	[tilespmem:s25+$0xFFFFFFF0] =	vst v2  }
0x9d: {  	[tilespmem:s28+$0xFFFFFFF0] =	vst v1  }
0x9e: {  	s20 =	simm.s32 $0x15D80;
	s19 =	simm.s32 $0x0;
	_ =	swait.ge [sflag:s14], $0x14D80  }
0x9f: {  	s22 =	simm.s32 $0x15E00;
	s21 =	simm.s32 $0x14D80;
	[sflag:s14] =	ssyncset.done $0x0  }
0xa0: {  	s24 =	simm.s32 $0x0;
	s23 =	simm.s32 $0x14E00;
	[sflag:s14] =	ssyncadd.s32 $0xFFFEB280  }
.LBB2_4:
0xa1: {  	p0 =	seq.s32 s24, $0x0  }
0xa2: {  	s25 =	simm.s32 @!p0 $0x1  }
0xa3: {  	_ =	swait.ge @!p0 [sflag:s25], $0x4000  }
0xa4: {  	[sflag:s25] =	ssyncset.done @!p0 $0x0  }
0xa5: {  	[sflag:s25] =	ssyncadd.s32 @!p0 $0xFFFFC000  }
0xa6: {  	v30 =	vld [tilespmem:s21+$0x0];
	_ =	sdelay $0x4  }
0xa7: {  	v1 =	vadd.s32 $0x10, v30  }
0xa8: {  	vm0 =	vlt.s32 v1, $0x14D40  }
0xa9: {  	v29 =	vnsel vm0, $0x14D40, v1;
	_ =	sdelay $0x2  }
0xaa: {  	v1 =	vld [tilespmem:s20+$0x0]  }
0xab: {  	v2 =	vld.idx.msk [tilespmem:v30+s2+$0x0], $0xffff  }
0xac: {  	v3 =	vld.idx.msk [tilespmem:v29+s2+$0x0], $0xffff;
	_ =	sdelay $0x1  }
0xad: {  	v4 =	vmov s19  }
0xae: {  	v4 =	vshll.u32 v4, $0x7;
	v5 =	vsub.f32 $1.000000000e+00, v1  }
0xaf: {  	v28 =	vor.u32 v0, v4  }
0xb0: {  	v4 =	vadd.s32 $0x1, v30;
	v2 =	vmul.f32 v2, v1;
	v3 =	vmul.f32 v3, v5  }
0xb1: {  	v6 =	vadd.s32 $0x1, v29  }
0xb2: {  	v2 =	vadd.f32 v3, v2;
	_ =	sdelay $0x1  }
0xb3: {  	[tilespmem:v28+s15+$0x0] =	vst.idx.msk $0xffff, v2  }
0xb4: {  	v2 =	vld.idx.msk [tilespmem:v4+s2+$0x0], $0xffff  }
0xb5: {  	v3 =	vld.idx.msk [tilespmem:v6+s2+$0x0], $0xffff;
	_ =	sdelay $0x3  }
0xb6: {  	v4 =	vor.u32 $0x1, v28  }
0xb7: {  	s31 =	sadd.s32 $0x10, s21;
	v6 =	vadd.s32 $0x2, v30;
	v2 =	vmul.f32 v2, v1;
	v3 =	vmul.f32 v3, v5  }
0xb8: {  	v7 =	vld [tilespmem:s31+$0x0];
	v8 =	vadd.s32 $0x2, v29  }
0xb9: {  	v2 =	vadd.f32 v3, v2;
	_ =	sdelay $0x1  }
0xba: {  	[tilespmem:v4+s15+$0x0] =	vst.idx.msk $0xffff, v2  }
0xbb: {  	v2 =	vld.idx.msk [tilespmem:v6+s2+$0x0], $0xffff  }
0xbc: {  	v4 =	vadd.s32 $0x10, v7;
	v3 =	vld.idx.msk [tilespmem:v8+s2+$0x0], $0xffff  }
0xbd: {  	vm11 =	vlt.s32 v4, $0x14D40  }
0xbe: {  	v11 =	vnsel vm11, $0x14D40, v4;
	_ =	sdelay $0x1  }
0xbf: {  	v4 =	vor.u32 $0x2, v28  }
0xc0: {  	s26 =	sadd.s32 $0x10, s20;
	v6 =	vadd.s32 $0x3, v30;
	v8 =	vmul.f32 v2, v1;
	v3 =	vmul.f32 v3, v5  }
0xc1: {  	v9 =	vadd.s32 $0x3, v29;
	v2 =	vld [tilespmem:s26+$0x0]  }
0xc2: {  	v10 =	vld.idx.msk [tilespmem:v11+s2+$0x0], $0xffff;
	v3 =	vadd.f32 v3, v8  }
0xc3: {  	v8 =	vld.idx.msk [tilespmem:v7+s2+$0x0], $0xffff  }
0xc4: {  	s28 =	simm.s32 $0x10;
	[tilespmem:v4+s15+$0x0] =	vst.idx.msk $0xffff, v3  }
0xc5: {  	v3 =	vmov s28;
	v6 =	vld.idx.msk [tilespmem:v6+s2+$0x0], $0xffff  }
0xc6: {  	v4 =	vshll.u32 v3, $0x7;
	v9 =	vld.idx.msk [tilespmem:v9+s2+$0x0], $0xffff;
	v3 =	vsub.f32 $1.000000000e+00, v2  }
0xc7: {  	v4 =	vor.u32 v0, v4  }
0xc8: {  	v12 =	vadd.s32 $0x1, v7;
	v8 =	vmul.f32 v8, v2;
	v10 =	vmul.f32 v10, v3  }
0xc9: {  	v13 =	vadd.s32 $0x1, v11  }
0xca: {  	v8 =	vadd.f32 v10, v8;
	v10 =	vor.u32 $0x3, v28  }
0xcb: {  	v14 =	vadd.s32 $0x4, v30;
	v6 =	vmul.f32 v6, v1;
	v9 =	vmul.f32 v9, v5  }
0xcc: {  	[tilespmem:v4+s15+$0x0] =	vst.idx.msk $0xffff, v8;
	v8 =	vadd.s32 $0x4, v29  }
0xcd: {  	v12 =	vld.idx.msk [tilespmem:v12+s2+$0x0], $0xffff;
	v6 =	vadd.f32 v9, v6  }
0xce: {  	v9 =	vld.idx.msk [tilespmem:v13+s2+$0x0], $0xffff  }
0xcf: {  	[tilespmem:v10+s15+$0x0] =	vst.idx.msk $0xffff, v6  }
0xd0: {  	v6 =	vld.idx.msk [tilespmem:v14+s2+$0x0], $0xffff  }
0xd1: {  	v8 =	vld.idx.msk [tilespmem:v8+s2+$0x0], $0xffff  }
0xd2: {  	v13 =	vor.u32 $0x1, v4  }
0xd3: {  	v10 =	vmul.f32 v12, v2;
	v9 =	vmul.f32 v9, v3;
	v12 =	vadd.s32 $0x2, v7  }
0xd4: {  	s25 =	sadd.s32 $0x10, s31;
	v14 =	vadd.s32 $0x2, v11  }
0xd5: {  	v15 =	vor.u32 $0x4, v28;
	v9 =	vadd.f32 v9, v10;
	v10 =	vld [tilespmem:s25+$0x0]  }
0xd6: {  	v16 =	vadd.s32 $0x5, v30;
	v6 =	vmul.f32 v6, v1;
	v8 =	vmul.f32 v8, v5  }
0xd7: {  	[tilespmem:v13+s15+$0x0] =	vst.idx.msk $0xffff, v9;
	v9 =	vadd.s32 $0x5, v29  }
0xd8: {  	v6 =	vadd.f32 v8, v6;
	v8 =	vld.idx.msk [tilespmem:v12+s2+$0x0], $0xffff  }
0xd9: {  	v12 =	vld.idx.msk [tilespmem:v14+s2+$0x0], $0xffff  }
0xda: {  	[tilespmem:v15+s15+$0x0] =	vst.idx.msk $0xffff, v6;
	v6 =	vadd.s32 $0x10, v10  }
0xdb: {  	v14 =	vld.idx.msk [tilespmem:v16+s2+$0x0], $0xffff;
	vm12 =	vlt.s32 v6, $0x14D40  }
0xdc: {  	v9 =	vld.idx.msk [tilespmem:v9+s2+$0x0], $0xffff;
	v13 =	vnsel vm12, $0x14D40, v6  }
0xdd: {  	v15 =	vor.u32 $0x2, v4  }
0xde: {  	s26 =	sadd.s32 $0x10, s26;
	v16 =	vadd.s32 $0x3, v7;
	v8 =	vmul.f32 v8, v2;
	v12 =	vmul.f32 v12, v3  }
0xdf: {  	v17 =	vadd.s32 $0x3, v11;
	v6 =	vld [tilespmem:s26+$0x0]  }
0xe0: {  	v18 =	vor.u32 $0x5, v28;
	v8 =	vadd.f32 v12, v8;
	v12 =	vld.idx.msk [tilespmem:v10+s2+$0x0], $0xffff  }
0xe1: {  	v19 =	vadd.s32 $0x6, v30;
	v14 =	vmul.f32 v14, v1;
	v9 =	vmul.f32 v9, v5;
	v20 =	vld.idx.msk [tilespmem:v13+s2+$0x0], $0xffff  }
0xe2: {  	v21 =	vadd.s32 $0x6, v29;
	s28 =	simm.s32 $0x20;
	[tilespmem:v15+s15+$0x0] =	vst.idx.msk $0xffff, v8  }
0xe3: {  	v8 =	vmov s28;
	v14 =	vadd.f32 v9, v14;
	v15 =	vld.idx.msk [tilespmem:v16+s2+$0x0], $0xffff  }
0xe4: {  	v9 =	vshll.u32 v8, $0x7;
	v16 =	vld.idx.msk [tilespmem:v17+s2+$0x0], $0xffff;
	v8 =	vsub.f32 $1.000000000e+00, v6  }
0xe5: {  	v9 =	vor.u32 v0, v9;
	[tilespmem:v18+s15+$0x0] =	vst.idx.msk $0xffff, v14  }
0xe6: {  	v12 =	vmul.f32 v12, v6;
	v14 =	vld.idx.msk [tilespmem:v19+s2+$0x0], $0xffff;
	v18 =	vmul.f32 v20, v8  }
0xe7: {  	v17 =	vadd.s32 $0x1, v10;
	v19 =	vld.idx.msk [tilespmem:v21+s2+$0x0], $0xffff  }
0xe8: {  	v20 =	vadd.s32 $0x1, v13;
	v12 =	vadd.f32 v18, v12;
	v18 =	vor.u32 $0x3, v4  }
0xe9: {  	v21 =	vadd.s32 $0x4, v7;
	v15 =	vmul.f32 v15, v2;
	v16 =	vmul.f32 v16, v3  }
0xea: {  	[tilespmem:v9+s15+$0x0] =	vst.idx.msk $0xffff, v12;
	v12 =	vadd.s32 $0x4, v11  }
0xeb: {  	v22 =	vor.u32 $0x6, v28;
	v15 =	vadd.f32 v16, v15  }
0xec: {  	v16 =	vadd.s32 $0x7, v30;
	v14 =	vmul.f32 v14, v1;
	v19 =	vmul.f32 v19, v5;
	v17 =	vld.idx.msk [tilespmem:v17+s2+$0x0], $0xffff  }
0xed: {  	v23 =	vadd.s32 $0x7, v29;
	v20 =	vld.idx.msk [tilespmem:v20+s2+$0x0], $0xffff;
	[tilespmem:v18+s15+$0x0] =	vst.idx.msk $0xffff, v15  }
0xee: {  	v14 =	vadd.f32 v19, v14;
	v15 =	vld.idx.msk [tilespmem:v21+s2+$0x0], $0xffff  }
0xef: {  	v12 =	vld.idx.msk [tilespmem:v12+s2+$0x0], $0xffff  }
0xf0: {  	[tilespmem:v22+s15+$0x0] =	vst.idx.msk $0xffff, v14  }
0xf1: {  	v18 =	vor.u32 $0x1, v9;
	v16 =	vld.idx.msk [tilespmem:v16+s2+$0x0], $0xffff  }
0xf2: {  	v19 =	vld.idx.msk [tilespmem:v23+s2+$0x0], $0xffff;
	v14 =	vmul.f32 v17, v6;
	v17 =	vmul.f32 v20, v8;
	v20 =	vadd.s32 $0x2, v10  }
0xf3: {  	s25 =	sadd.s32 $0x10, s25;
	v21 =	vadd.s32 $0x2, v13;
	v22 =	vor.u32 $0x4, v4;
	v23 =	vadd.s32 $0x5, v7  }
0xf4: {  	v17 =	vadd.f32 v17, v14;
	v14 =	vld [tilespmem:s25+$0x0];
	v15 =	vmul.f32 v15, v2;
	v12 =	vmul.f32 v12, v3  }
0xf5: {  	v24 =	vadd.s32 $0x5, v11  }
0xf6: {  	[tilespmem:v18+s15+$0x0] =	vst.idx.msk $0xffff, v17;
	v17 =	vor.u32 $0x7, v28;
	v12 =	vadd.f32 v12, v15  }
0xf7: {  	v16 =	vmul.f32 v16, v1;
	v18 =	vmul.f32 v19, v5;
	v19 =	vld.idx.msk [tilespmem:v20+s2+$0x0], $0xffff;
	v15 =	vadd.s32 $0x8, v30  }
0xf8: {  	v20 =	vadd.s32 $0x8, v29;
	v21 =	vld.idx.msk [tilespmem:v21+s2+$0x0], $0xffff;
	[tilespmem:v22+s15+$0x0] =	vst.idx.msk $0xffff, v12  }
0xf9: {  	v12 =	vadd.f32 v18, v16;
	v18 =	vadd.s32 $0x10, v14;
	v16 =	vld.idx.msk [tilespmem:v23+s2+$0x0], $0xffff  }
0xfa: {  	v22 =	vld.idx.msk [tilespmem:v24+s2+$0x0], $0xffff;
	vm13 =	vlt.s32 v18, $0x14D40  }
0xfb: {  	[tilespmem:v17+s15+$0x0] =	vst.idx.msk $0xffff, v12;
	v17 =	vnsel vm13, $0x14D40, v18  }
0xfc: {  	v18 =	vor.u32 $0x2, v9;
	v15 =	vld.idx.msk [tilespmem:v15+s2+$0x0], $0xffff  }
0xfd: {  	s26 =	sadd.s32 $0x10, s26;
	v23 =	vadd.s32 $0x3, v10;
	v19 =	vmul.f32 v19, v6;
	v21 =	vmul.f32 v21, v8;
	v20 =	vld.idx.msk [tilespmem:v20+s2+$0x0], $0xffff  }
0xfe: {  	v26 =	vadd.s32 $0x6, v7;
	v25 =	vor.u32 $0x5, v4;
	v24 =	vadd.s32 $0x3, v13;
	v12 =	vld [tilespmem:s26+$0x0]  }
0xff: {  	v19 =	vadd.f32 v21, v19;
	v16 =	vmul.f32 v16, v2;
	v21 =	vmul.f32 v22, v3;
	v22 =	vld.idx.msk [tilespmem:v14+s2+$0x0], $0xffff  }
0x100: {  	v27 =	vadd.s32 $0x6, v11;
	s28 =	simm.s32 $0x30;
	v31 =	vld.idx.msk [tilespmem:v17+s2+$0x0], $0xffff  }
0x101: {  	v33 =	vor.u32 $0x8, v28;
	v32 =	vmov s28;
	[tilespmem:v18+s15+$0x0] =	vst.idx.msk $0xffff, v19;
	v16 =	vadd.f32 v21, v16  }
0x102: {  	v18 =	vmul.f32 v15, v1;
	v19 =	vmul.f32 v20, v5;
	v20 =	vadd.s32 $0x9, v30;
	v21 =	vld.idx.msk [tilespmem:v23+s2+$0x0], $0xffff  }
0x103: {  	v47 =	vadd.s32 $0x9, v29;
	v23 =	vshll.u32 v32, $0x7;
	v24 =	vld.idx.msk [tilespmem:v24+s2+$0x0], $0xffff;
	v15 =	vsub.f32 $1.000000000e+00, v12;
	[tilespmem:v25+s15+$0x0] =	vst.idx.msk $0xffff, v16  }
0x104: {  	v16 =	vor.u32 v0, v23;
	v18 =	vadd.f32 v19, v18;
	v19 =	vld.idx.msk [tilespmem:v26+s2+$0x0], $0xffff  }
0x105: {  	v25 =	vadd.s32 $0x1, v14;
	v23 =	vld.idx.msk [tilespmem:v27+s2+$0x0], $0xffff;
	v22 =	vmul.f32 v22, v12;
	v26 =	vmul.f32 v31, v15  }
0x106: {  	[tilespmem:v33+s15+$0x0] =	vst.idx.msk $0xffff, v18;
	v18 =	vadd.s32 $0x1, v17  }
0x107: {  	v20 =	vld.idx.msk [tilespmem:v20+s2+$0x0], $0xffff;
	v22 =	vadd.f32 v26, v22;
	v26 =	vor.u32 $0x3, v9  }
0x108: {  	v31 =	vadd.s32 $0x4, v10;
	v27 =	vld.idx.msk [tilespmem:v47+s2+$0x0], $0xffff;
	v21 =	vmul.f32 v21, v6;
	v24 =	vmul.f32 v24, v8  }
0x109: {  	v49 =	vadd.s32 $0x7, v7;
	v48 =	vor.u32 $0x6, v4;
	[tilespmem:v16+s15+$0x0] =	vst.idx.msk $0xffff, v22;
	v22 =	vadd.s32 $0x4, v13  }
0x10a: {  	v21 =	vadd.f32 v24, v21;
	v19 =	vmul.f32 v19, v2;
	v23 =	vmul.f32 v23, v3;
	v25 =	vld.idx.msk [tilespmem:v25+s2+$0x0], $0xffff  }
0x10b: {  	v24 =	vadd.s32 $0x7, v11;
	v18 =	vld.idx.msk [tilespmem:v18+s2+$0x0], $0xffff  }
0x10c: {  	v34 =	vor.u32 $0x9, v28;
	v19 =	vadd.f32 v23, v19;
	[tilespmem:v26+s15+$0x0] =	vst.idx.msk $0xffff, v21  }
0x10d: {  	v20 =	vmul.f32 v20, v1;
	v21 =	vadd.s32 $0xA, v30;
	v26 =	vmul.f32 v27, v5;
	v23 =	vld.idx.msk [tilespmem:v31+s2+$0x0], $0xffff  }
0x10e: {  	v27 =	vadd.s32 $0xA, v29;
	[tilespmem:v48+s15+$0x0] =	vst.idx.msk $0xffff, v19;
	v22 =	vld.idx.msk [tilespmem:v22+s2+$0x0], $0xffff  }
0x10f: {  	v19 =	vor.u32 $0x1, v16;
	v31 =	vld.idx.msk [tilespmem:v49+s2+$0x0], $0xffff;
	v20 =	vadd.f32 v26, v20  }
0x110: {  	v24 =	vld.idx.msk [tilespmem:v24+s2+$0x0], $0xffff;
	v25 =	vmul.f32 v25, v12;
	v18 =	vmul.f32 v18, v15  }
0x111: {  	[tilespmem:v34+s15+$0x0] =	vst.idx.msk $0xffff, v20;
	v20 =	vadd.s32 $0x2, v14  }
0x112: {  	v26 =	vor.u32 $0x4, v9;
	v21 =	vld.idx.msk [tilespmem:v21+s2+$0x0], $0xffff;
	v18 =	vadd.f32 v18, v25;
	v25 =	vadd.s32 $0x2, v17  }
0x113: {  	v50 =	vadd.s32 $0x5, v10;
	v27 =	vld.idx.msk [tilespmem:v27+s2+$0x0], $0xffff;
	v23 =	vmul.f32 v23, v6;
	v22 =	vmul.f32 v22, v8  }
0x114: {  	v52 =	vadd.s32 $0x8, v7;
	v51 =	vor.u32 $0x7, v4;
	s25 =	sadd.s32 $0x10, s25;
	[tilespmem:v19+s15+$0x0] =	vst.idx.msk $0xffff, v18;
	v19 =	vadd.s32 $0x5, v13  }
0x115: {  	v18 =	vld [tilespmem:s25+$0x0];
	v24 =	vmul.f32 v24, v3;
	v22 =	vadd.f32 v22, v23;
	v23 =	vmul.f32 v31, v2  }
0x116: {  	v31 =	vld.idx.msk [tilespmem:v20+s2+$0x0], $0xffff;
	v20 =	vadd.s32 $0x8, v11  }
0x117: {  	v25 =	vld.idx.msk [tilespmem:v25+s2+$0x0], $0xffff;
	[tilespmem:v26+s15+$0x0] =	vst.idx.msk $0xffff, v22;
	v22 =	vadd.f32 v24, v23;
	v23 =	vor.u32 $0xA, v28  }
0x118: {  	v21 =	vmul.f32 v21, v1;
	v26 =	vmul.f32 v27, v5;
	v27 =	vadd.s32 $0xB, v30;
	v24 =	vld.idx.msk [tilespmem:v50+s2+$0x0], $0xffff  }
0x119: {  	v53 =	vld.idx.msk [tilespmem:v19+s2+$0x0], $0xffff;
	v19 =	vadd.s32 $0xB, v29;
	[tilespmem:v51+s15+$0x0] =	vst.idx.msk $0xffff, v22  }
0x11a: {  	v21 =	vadd.f32 v26, v21;
	v26 =	vadd.s32 $0x10, v18;
	v22 =	vld.idx.msk [tilespmem:v52+s2+$0x0], $0xffff  }
0x11b: {  	v33 =	vld.idx.msk [tilespmem:v20+s2+$0x0], $0xffff;
	vm14 =	vlt.s32 v26, $0x14D40  }
0x11c: {  	v40 =	vadd.s32 $0xC, v30;
	v20 =	vnsel vm14, $0x14D40, v26;
	[tilespmem:v23+s15+$0x0] =	vst.idx.msk $0xffff, v21;
	v21 =	vor.u32 $0x2, v16  }
0x11d: {  	v56 =	vadd.s32 $0x9, v11;
	v25 =	vmul.f32 v25, v15;
	v26 =	vld.idx.msk [tilespmem:v27+s2+$0x0], $0xffff;
	v27 =	vmul.f32 v31, v12  }
0x11e: {  	v36 =	vor.u32 $0x5, v9;
	s26 =	sadd.s32 $0x10, s26;
	v35 =	vadd.s32 $0x3, v17;
	v23 =	vadd.s32 $0x3, v14;
	v31 =	vld.idx.msk [tilespmem:v19+s2+$0x0], $0xffff  }
0x11f: {  	v19 =	vld [tilespmem:s26+$0x0];
	v24 =	vmul.f32 v24, v6;
	v25 =	vadd.f32 v25, v27;
	v27 =	vmul.f32 v53, v8  }
0x120: {  	v37 =	vadd.s32 $0x6, v10;
	v55 =	vld.idx.msk [tilespmem:v18+s2+$0x0], $0xffff;
	v22 =	vmul.f32 v22, v2;
	v33 =	vmul.f32 v33, v3  }
0x121: {  	v54 =	vor.u32 $0x8, v4;
	v38 =	vadd.s32 $0x6, v13;
	v39 =	vld.idx.msk [tilespmem:v20+s2+$0x0], $0xffff;
	[tilespmem:v21+s15+$0x0] =	vst.idx.msk $0xffff, v25;
	v21 =	vadd.f32 v27, v24  }
0x122: {  	s28 =	simm.s32 $0x40;
	v24 =	vadd.s32 $0x9, v7;
	v25 =	vor.u32 $0xB, v28;
	v27 =	vadd.f32 v33, v22  }
0x123: {  	v22 =	vmov s28;
	v23 =	vld.idx.msk [tilespmem:v23+s2+$0x0], $0xffff;
	v26 =	vmul.f32 v26, v1;
	v31 =	vmul.f32 v31, v5  }
0x124: {  	v57 =	vadd.s32 $0xC, v29;
	v35 =	vld.idx.msk [tilespmem:v35+s2+$0x0], $0xffff;
	v22 =	vshll.u32 v22, $0x7;
	[tilespmem:v36+s15+$0x0] =	vst.idx.msk $0xffff, v21;
	v21 =	vsub.f32 $1.000000000e+00, v19  }
0x125: {  	v58 =	vadd.s32 $0x1, v18;
	v22 =	vor.u32 v0, v22;
	v36 =	vld.idx.msk [tilespmem:v37+s2+$0x0], $0xffff;
	v26 =	vadd.f32 v31, v26  }
0x126: {  	[tilespmem:v54+s15+$0x0] =	vst.idx.msk $0xffff, v27;
	v27 =	vld.idx.msk [tilespmem:v38+s2+$0x0], $0xffff;
	v31 =	vmul.f32 v55, v19;
	v59 =	vmul.f32 v39, v21  }
0x127: {  	v33 =	vld.idx.msk [tilespmem:v56+s2+$0x0], $0xffff;
	[tilespmem:v25+s15+$0x0] =	vst.idx.msk $0xffff, v26;
	v25 =	vadd.s32 $0x1, v20  }
0x128: {  	v46 =	vor.u32 $0xC, v28;
	v60 =	vor.u32 $0x3, v16;
	v24 =	vld.idx.msk [tilespmem:v24+s2+$0x0], $0xffff;
	v31 =	vadd.f32 v59, v31  }
0x129: {  	v61 =	vadd.s32 $0x4, v14;
	v26 =	vld.idx.msk [tilespmem:v40+s2+$0x0], $0xffff;
	v23 =	vmul.f32 v23, v12;
	v35 =	vmul.f32 v35, v15  }
0x12a: {  	v63 =	vadd.s32 $0x7, v10;
	v62 =	vor.u32 $0x6, v9;
	v37 =	vld.idx.msk [tilespmem:v57+s2+$0x0], $0xffff;
	[tilespmem:v22+s15+$0x0] =	vst.idx.msk $0xffff, v31;
	v31 =	vadd.s32 $0x4, v17  }
0x12b: {  	v36 =	vmul.f32 v36, v6;
	v27 =	vmul.f32 v27, v8;
	v23 =	vadd.f32 v35, v23;
	v32 =	vld.idx.msk [tilespmem:v58+s2+$0x0], $0xffff  }
0x12c: {  	v41 =	vor.u32 $0x9, v4;
	v45 =	vadd.s32 $0x7, v13;
	v33 =	vmul.f32 v33, v3;
	v25 =	vld.idx.msk [tilespmem:v25+s2+$0x0], $0xffff  }
0x12d: {  	v27 =	vadd.f32 v27, v36;
	[tilespmem:v60+s15+$0x0] =	vst.idx.msk $0xffff, v23;
	v23 =	vadd.s32 $0xA, v7;
	v24 =	vmul.f32 v24, v2  }
0x12e: {  	v42 =	vadd.s32 $0xA, v11;
	v47 =	vadd.s32 $0xD, v30;
	v38 =	vld.idx.msk [tilespmem:v61+s2+$0x0], $0xffff;
	v26 =	vmul.f32 v26, v1  }
0x12f: {  	[tilespmem:v62+s15+$0x0] =	vst.idx.msk $0xffff, v27;
	v24 =	vadd.f32 v33, v24;
	v27 =	vld.idx.msk [tilespmem:v31+s2+$0x0], $0xffff;
	v31 =	vmul.f32 v37, v5  }
0x130: {  	v50 =	vadd.s32 $0xD, v29;
	v48 =	vor.u32 $0x1, v22;
	v49 =	vld.idx.msk [tilespmem:v63+s2+$0x0], $0xffff;
	v32 =	vmul.f32 v32, v19  }
0x131: {  	v35 =	vld.idx.msk [tilespmem:v45+s2+$0x0], $0xffff;
	[tilespmem:v41+s15+$0x0] =	vst.idx.msk $0xffff, v24;
	v26 =	vadd.f32 v31, v26;
	v25 =	vmul.f32 v25, v21  }
0x132: {  	v44 =	vadd.s32 $0xE, v29;
	v31 =	vadd.s32 $0x2, v18;
	v23 =	vld.idx.msk [tilespmem:v23+s2+$0x0], $0xffff  }
0x133: {  	v51 =	vld.idx.msk [tilespmem:v42+s2+$0x0], $0xffff;
	[tilespmem:v46+s15+$0x0] =	vst.idx.msk $0xffff, v26;
	v24 =	vadd.f32 v25, v32;
	v25 =	vadd.s32 $0x2, v20;
	v26 =	vor.u32 $0x4, v16  }
0x134: {  	v53 =	vadd.s32 $0x5, v14;
	v52 =	vmul.f32 v38, v12;
	v27 =	vmul.f32 v27, v15;
	v36 =	vld.idx.msk [tilespmem:v47+s2+$0x0], $0xffff  }
0x135: {  	s25 =	sadd.s32 $0x10, s25;
	v54 =	vadd.s32 $0x5, v17;
	v55 =	vor.u32 $0x7, v9;
	v56 =	vadd.s32 $0x8, v10;
	v39 =	vld.idx.msk [tilespmem:v50+s2+$0x0], $0xffff  }
0x136: {  	s28 =	simm.s32 $0x50;
	v59 =	vadd.s32 $0x8, v13;
	v57 =	vmul.f32 v49, v6;
	[tilespmem:v48+s15+$0x0] =	vst.idx.msk $0xffff, v24;
	v24 =	vld [tilespmem:s25+$0x0];
	v27 =	vadd.f32 v27, v52  }
0x137: {  	v58 =	vmov s28;
	v35 =	vmul.f32 v35, v8;
	v31 =	vld.idx.msk [tilespmem:v31+s2+$0x0], $0xffff;
	v23 =	vmul.f32 v23, v2  }
0x138: {  	v60 =	vadd.s32 $0xB, v7;
	v32 =	vmul.f32 v51, v3;
	v43 =	vld.idx.msk [tilespmem:v25+s2+$0x0], $0xffff;
	[tilespmem:v26+s15+$0x0] =	vst.idx.msk $0xffff, v27;
	v26 =	vor.u32 $0xA, v4  }
0x139: {  	v61 =	vadd.s32 $0xB, v11;
	v62 =	vor.u32 $0xD, v28;
	v25 =	vadd.f32 v35, v57;
	v27 =	vld.idx.msk [tilespmem:v53+s2+$0x0], $0xffff  }
0x13a: {  	s26 =	sadd.s32 $0x10, s26;
	v37 =	vshll.u32 v58, $0x7;
	v63 =	vadd.s32 $0xE, v30;
	v32 =	vadd.f32 v32, v23;
	v33 =	vld.idx.msk [tilespmem:v54+s2+$0x0], $0xffff  }
0x13b: {  	v45 =	vor.u32 $0x8, v9;
	v36 =	vmul.f32 v36, v1;
	v39 =	vmul.f32 v39, v5;
	[tilespmem:v55+s15+$0x0] =	vst.idx.msk $0xffff, v25;
	v25 =	vld [tilespmem:s26+$0x0]  }
0x13c: {  	v30 =	vadd.s32 $0xF, v30;
	v46 =	vadd.s32 $0x6, v17;
	v48 =	vadd.s32 $0x10, v24;
	v41 =	vld.idx.msk [tilespmem:v56+s2+$0x0], $0xffff  }
0x13d: {  	v50 =	vor.u32 $0x2, v22;
	v42 =	vld.idx.msk [tilespmem:v59+s2+$0x0], $0xffff;
	vm15 =	vlt.s32 v48, $0x14D40;
	v49 =	vadd.f32 v39, v36;
	[tilespmem:v26+s15+$0x0] =	vst.idx.msk $0xffff, v32  }
0x13e: {  	v51 =	vadd.s32 $0x3, v18;
	v23 =	vor.u32 v0, v37;
	v26 =	vnsel vm15, $0x14D40, v48;
	v34 =	vld.idx.msk [tilespmem:v60+s2+$0x0], $0xffff  }
0x13f: {  	v31 =	vmul.f32 v31, v19;
	v54 =	vmul.f32 v43, v21;
	[tilespmem:v62+s15+$0x0] =	vst.idx.msk $0xffff, v49;
	v35 =	vld.idx.msk [tilespmem:v61+s2+$0x0], $0xffff  }
0x140: {  	v57 =	vadd.s32 $0x6, v14;
	v55 =	vadd.s32 $0x3, v20;
	v56 =	vor.u32 $0x5, v16;
	v40 =	vld.idx.msk [tilespmem:v63+s2+$0x0], $0xffff  }
0x141: {  	v27 =	vmul.f32 v27, v12;
	v33 =	vmul.f32 v33, v15;
	v52 =	vld.idx.msk [tilespmem:v44+s2+$0x0], $0xffff;
	v31 =	vadd.f32 v54, v31  }
0x142: {  	v59 =	vadd.s32 $0x9, v13;
	v53 =	vld.idx.msk [tilespmem:v24+s2+$0x0], $0xffff;
	v41 =	vmul.f32 v41, v6;
	v42 =	vmul.f32 v42, v8  }
0x143: {  	v60 =	vadd.s32 $0xC, v7;
	v63 =	vor.u32 $0xE, v28;
	v27 =	vadd.f32 v33, v27;
	[tilespmem:v50+s15+$0x0] =	vst.idx.msk $0xffff, v31;
	v47 =	vld.idx.msk [tilespmem:v26+s2+$0x0], $0xffff  }
0x144: {  	v54 =	vor.u32 $0xB, v4;
	v31 =	vadd.s32 $0x9, v10;
	v37 =	vld.idx.msk [tilespmem:v51+s2+$0x0], $0xffff;
	v58 =	vadd.f32 v42, v41  }
0x145: {  	v48 =	vld.idx.msk [tilespmem:v55+s2+$0x0], $0xffff;
	[tilespmem:v56+s15+$0x0] =	vst.idx.msk $0xffff, v27;
	v61 =	vmul.f32 v34, v2;
	v62 =	vmul.f32 v35, v3  }
0x146: {  	v49 =	vadd.s32 $0xC, v11;
	v43 =	vld.idx.msk [tilespmem:v57+s2+$0x0], $0xffff;
	v55 =	vmul.f32 v40, v1;
	v39 =	vmul.f32 v52, v5  }
0x147: {  	v38 =	vor.u32 $0x9, v9;
	v27 =	vsub.f32 $1.000000000e+00, v25;
	v50 =	vld.idx.msk [tilespmem:v46+s2+$0x0], $0xffff;
	[tilespmem:v45+s15+$0x0] =	vst.idx.msk $0xffff, v58;
	v32 =	vadd.f32 v62, v61  }
0x148: {  	v56 =	vmul.f32 v53, v25;
	v51 =	vadd.s32 $0xF, v29;
	v36 =	vld.idx.msk [tilespmem:v59+s2+$0x0], $0xffff;
	v58 =	vadd.f32 v39, v55  }
0x149: {  	v41 =	vor.u32 $0x6, v16;
	v57 =	vadd.s32 $0x1, v24;
	v35 =	vld.idx.msk [tilespmem:v31+s2+$0x0], $0xffff;
	v29 =	vmul.f32 v47, v27;
	[tilespmem:v54+s15+$0x0] =	vst.idx.msk $0xffff, v32  }
0x14a: {  	v52 =	vor.u32 $0x3, v22;
	v45 =	vadd.s32 $0x4, v18;
	v59 =	vadd.s32 $0x1, v26;
	[tilespmem:v63+s15+$0x0] =	vst.idx.msk $0xffff, v58;
	v32 =	vld.idx.msk [tilespmem:v60+s2+$0x0], $0xffff  }
0x14b: {  	v61 =	vmul.f32 v48, v21;
	v34 =	vld.idx.msk [tilespmem:v49+s2+$0x0], $0xffff;
	v60 =	vmul.f32 v37, v19;
	v40 =	vadd.f32 v29, v56  }
0x14c: {  	v46 =	vadd.s32 $0x4, v20;
	v62 =	vmul.f32 v43, v12;
	v63 =	vmul.f32 v50, v15;
	v29 =	vld.idx.msk [tilespmem:v30+s2+$0x0], $0xffff  }
0x14d: {  	v28 =	vor.u32 $0xF, v28;
	v30 =	vld.idx.msk [tilespmem:v51+s2+$0x0], $0xffff;
	v33 =	vadd.f32 v61, v60;
	[tilespmem:v23+s15+$0x0] =	vst.idx.msk $0xffff, v40;
	v40 =	vadd.s32 $0x7, v14  }
0x14e: {  	v44 =	vor.u32 $0x1, v23;
	v42 =	vadd.s32 $0x7, v17;
	v39 =	vadd.s32 $0xA, v10;
	v47 =	vld.idx.msk [tilespmem:v57+s2+$0x0], $0xffff  }
0x14f: {  	s28 =	simm.s32 $0x60;
	v31 =	vor.u32 $0xC, v4;
	v43 =	vadd.f32 v63, v62;
	v48 =	vld.idx.msk [tilespmem:v59+s2+$0x0], $0xffff;
	[tilespmem:v52+s15+$0x0] =	vst.idx.msk $0xffff, v33;
	v33 =	vadd.s32 $0xD, v7  }
.LBB2_5:
0x150: {  	p1 =	sne.s32 s28, $0x70;
	v45 =	vld.idx.msk [tilespmem:v45+s2+$0x0], $0xffff;
	v35 =	vmul.f32 v35, v6;
	v36 =	vmul.f32 v36, v8;
	v49 =	vadd.s32 $0xA, v13;
	v37 =	vmovc v13  }
0x151: {  	v32 =	vmul.f32 v32, v2;
	v34 =	vmul.f32 v34, v3;
	v13 =	vld.idx.msk [tilespmem:v46+s2+$0x0], $0xffff;
	[tilespmem:v41+s15+$0x0] =	vst.idx.msk $0xffff, v43  }
0x152: {  	v29 =	vmul.f32 v29, v1;
	v5 =	vmul.f32 v30, v5;
	v40 =	vld.idx.msk [tilespmem:v40+s2+$0x0], $0xffff;
	v35 =	vadd.f32 v36, v35  }
0x153: {  	v1 =	vmovc v2;
	v30 =	vmul.f32 v47, v25;
	v32 =	vadd.f32 v34, v32;
	v34 =	vadd.s32 $0xD, v11;
	v36 =	vld.idx.msk [tilespmem:v42+s2+$0x0], $0xffff  }
0x154: {  	v2 =	vmovc v6;
	v41 =	vmov s28;
	v42 =	vmul.f32 v48, v27;
	v5 =	vadd.f32 v5, v29;
	[tilespmem:v38+s15+$0x0] =	vst.idx.msk $0xffff, v35  }
0x155: {  	v6 =	vmovc v12;
	v12 =	vmov v19;
	v29 =	vshll.u32 v41, $0x7;
	v35 =	vadd.s32 $0x2, v24;
	v38 =	vld.idx.msk [tilespmem:v39+s2+$0x0], $0xffff;
	[tilespmem:v31+s15+$0x0] =	vst.idx.msk $0xffff, v32  }
0x156: {  	v30 =	vadd.f32 v42, v30;
	v31 =	vadd.s32 $0x2, v26;
	v32 =	vor.u32 $0x4, v22;
	v39 =	vld.idx.msk [tilespmem:v49+s2+$0x0], $0xffff;
	[tilespmem:v28+s15+$0x0] =	vst.idx.msk $0xffff, v5  }
0x157: {  	v19 =	vmovc v25;
	v41 =	vadd.s32 $0x5, v18;
	v45 =	vmul.f32 v45, v12;
	v28 =	vmul.f32 v13, v21;
	v42 =	vld.idx.msk [tilespmem:v33+s2+$0x0], $0xffff  }
0x158: {  	s25 =	sadd.s32 $0x10, s25;
	v43 =	vadd.s32 $0x8, v14;
	v25 =	vadd.s32 $0x5, v20;
	v13 =	vmovc v17;
	[tilespmem:v44+s15+$0x0] =	vst.idx.msk $0xffff, v30;
	v30 =	vor.u32 $0x7, v16;
	v34 =	vld.idx.msk [tilespmem:v34+s2+$0x0], $0xffff  }
0x159: {  	v17 =	vmovc v20;
	v40 =	vmul.f32 v40, v6;
	v28 =	vadd.f32 v28, v45;
	v36 =	vmul.f32 v36, v15;
	v44 =	vld [tilespmem:s25+$0x0]  }
0x15a: {  	v20 =	vmovc v26;
	v33 =	vor.u32 v0, v29;
	v5 =	vmovc v3;
	v3 =	vmov v8;
	v29 =	vld.idx.msk [tilespmem:v35+s2+$0x0], $0xffff;
	v35 =	vadd.s32 $0x8, v13  }
0x15b: {  	v8 =	vmov v15;
	v26 =	vadd.f32 v36, v40;
	v31 =	vld.idx.msk [tilespmem:v31+s2+$0x0], $0xffff;
	[tilespmem:v32+s15+$0x0] =	vst.idx.msk $0xffff, v28;
	v28 =	vor.u32 $0xA, v9  }
0x15c: {  	v15 =	vmovc v21;
	v36 =	vmul.f32 v38, v2;
	v38 =	vmul.f32 v39, v3;
	v39 =	vadd.s32 $0xB, v10;
	v32 =	vld.idx.msk [tilespmem:v41+s2+$0x0], $0xffff  }
0x15d: {  	v45 =	vadd.s32 $0xE, v7;
	v21 =	vmovc v27;
	v41 =	vor.u32 $0xD, v4;
	v40 =	vld.idx.msk [tilespmem:v25+s2+$0x0], $0xffff;
	[tilespmem:v30+s15+$0x0] =	vst.idx.msk $0xffff, v26;
	v30 =	vadd.s32 $0xB, v37  }
0x15e: {  	v26 =	vadd.f32 v38, v36;
	v36 =	vmul.f32 v42, v1;
	v34 =	vmul.f32 v34, v5;
	v27 =	vld.idx.msk [tilespmem:v43+s2+$0x0], $0xffff  }
0x15f: {  	s26 =	sadd.s32 $0x10, s26;
	v42 =	vadd.s32 $0xE, v11;
	v38 =	vadd.s32 $0x10, v44;
	v43 =	vor.u32 $0xE, v4;
	v35 =	vld.idx.msk [tilespmem:v35+s2+$0x0], $0xffff  }
0x160: {  	v46 =	vor.u32 $0x8, v16;
	vm0 =	vlt.s32 v38, $0x14D40;
	v25 =	vld [tilespmem:s26+$0x0];
	[tilespmem:v28+s15+$0x0] =	vst.idx.msk $0xffff, v26;
	v28 =	vadd.f32 v34, v36  }
0x161: {  	v26 =	vnsel vm0, $0x14D40, v38;
	v34 =	vor.u32 $0x2, v23;
	v36 =	vadd.s32 $0x3, v24;
	v38 =	vld.idx.msk [tilespmem:v39+s2+$0x0], $0xffff  }
0x162: {  	v29 =	vmul.f32 v29, v19;
	v31 =	vmul.f32 v31, v21;
	v30 =	vld.idx.msk [tilespmem:v30+s2+$0x0], $0xffff;
	[tilespmem:v41+s15+$0x0] =	vst.idx.msk $0xffff, v28  }
0x163: {  	v39 =	vor.u32 $0x5, v22;
	v28 =	vadd.s32 $0x3, v20;
	v41 =	vadd.s32 $0x6, v18;
	v45 =	vld.idx.msk [tilespmem:v45+s2+$0x0], $0xffff  }
0x164: {  	v29 =	vadd.f32 v31, v29;
	v31 =	vmul.f32 v32, v12;
	v32 =	vmul.f32 v40, v15;
	v40 =	vld.idx.msk [tilespmem:v42+s2+$0x0], $0xffff  }
0x165: {  	v47 =	vadd.s32 $0x6, v17;
	v27 =	vmul.f32 v27, v6;
	v35 =	vmul.f32 v35, v8;
	v42 =	vld.idx.msk [tilespmem:v44+s2+$0x0], $0xffff  }
0x166: {  	v48 =	vld.idx.msk [tilespmem:v26+s2+$0x0], $0xffff;
	[tilespmem:v34+s15+$0x0] =	vst.idx.msk $0xffff, v29;
	v29 =	vadd.f32 v32, v31;
	v31 =	vadd.s32 $0x9, v14;
	v32 =	vor.u32 $0xB, v9  }
0x167: {  	v50 =	vadd.s32 $0xC, v10;
	v34 =	vadd.f32 v35, v27;
	v49 =	vld.idx.msk [tilespmem:v36+s2+$0x0], $0xffff;
	v36 =	vadd.s32 $0x9, v13  }
0x168: {  	v51 =	vld.idx.msk [tilespmem:v28+s2+$0x0], $0xffff;
	[tilespmem:v39+s15+$0x0] =	vst.idx.msk $0xffff, v29;
	v28 =	vmul.f32 v38, v2;
	v29 =	vmul.f32 v30, v3  }
0x169: {  	v27 =	vsub.f32 $1.000000000e+00, v25;
	v30 =	vadd.s32 $0xC, v37;
	v39 =	vadd.s32 $0xF, v7;
	v7 =	vmovc v10;
	v38 =	vld.idx.msk [tilespmem:v41+s2+$0x0], $0xffff;
	[tilespmem:v46+s15+$0x0] =	vst.idx.msk $0xffff, v34  }
0x16a: {  	v34 =	vmul.f32 v40, v5;
	v52 =	vld.idx.msk [tilespmem:v47+s2+$0x0], $0xffff;
	v28 =	vadd.f32 v29, v28;
	v29 =	vmul.f32 v45, v1  }
0x16b: {  	v11 =	vadd.s32 $0xF, v11;
	v10 =	vmovc v14;
	v14 =	vmovc v18;
	v40 =	vmul.f32 v42, v25;
	v42 =	vadd.s32 $0x1, v44;
	v35 =	vld.idx.msk [tilespmem:v31+s2+$0x0], $0xffff  }
0x16c: {  	v31 =	vmul.f32 v48, v27;
	v36 =	vld.idx.msk [tilespmem:v36+s2+$0x0], $0xffff;
	[tilespmem:v32+s15+$0x0] =	vst.idx.msk $0xffff, v28;
	v29 =	vadd.f32 v34, v29  }
0x16d: {  	v18 =	vmovc v24;
	v24 =	vmovc v44;
	v48 =	vadd.s32 $0x1, v26;
	v28 =	vor.u32 $0xF, v4;
	v4 =	vmov v9;
	v32 =	vld.idx.msk [tilespmem:v50+s2+$0x0], $0xffff  }
0x16e: {  	v40 =	vadd.f32 v31, v40;
	v50 =	vor.u32 $0x3, v23;
	v31 =	vor.u32 $0xC, v4;
	v34 =	vld.idx.msk [tilespmem:v30+s2+$0x0], $0xffff;
	[tilespmem:v43+s15+$0x0] =	vst.idx.msk $0xffff, v29  }
.Ltmp1:
0x16f: {  	v45 =	vadd.s32 $0x4, v18;
	v9 =	vmovc v16;
	v44 =	vmul.f32 v51, v21;
	v43 =	vmul.f32 v49, v19;
	v29 =	vld.idx.msk [tilespmem:v39+s2+$0x0], $0xffff;
	(pc) =	sbr.rel @p1 .LBB2_5-.Ltmp1, $4  }
0x170: {  	v46 =	vadd.s32 $0x4, v20;
	v41 =	vor.u32 $0x6, v22;
	v16 =	vmovc v22;
	[tilespmem:v33+s15+$0x0] =	vst.idx.msk $0xffff, v40;
	v40 =	vadd.s32 $0x7, v14;
	v30 =	vld.idx.msk [tilespmem:v11+s2+$0x0], $0xffff  }
0x171: {  	v39 =	vmul.f32 v38, v12;
	v49 =	vadd.f32 v44, v43;
	v43 =	vmul.f32 v52, v15;
	v47 =	vld.idx.msk [tilespmem:v42+s2+$0x0], $0xffff  }
0x172: {  	v22 =	vmovc v23;
	v23 =	vmovc v33;
	v38 =	vor.u32 $0x9, v9;
	v44 =	vor.u32 $0x1, v33;
	v42 =	vadd.s32 $0x7, v17;
	v48 =	vld.idx.msk [tilespmem:v48+s2+$0x0], $0xffff  }
0x173: {  	s28 =	sadd.s32 $0x10, s28;
	v33 =	vadd.s32 $0xD, v7;
	v11 =	vmovc v37;
	v43 =	vadd.f32 v43, v39;
	v39 =	vadd.s32 $0xA, v10;
	[tilespmem:v50+s15+$0x0] =	vst.idx.msk $0xffff, v49  }
0x174: {  	_ =	sdelay $0x2  }
0x175: {  	v53 =	vadd.s32 $0x2, v24;
	v37 =	vmul.f32 v47, v25;
	v52 =	vmul.f32 v48, v27  }
0x176: {  	v49 =	vadd.s32 $0x2, v26  }
0x177: {  	v37 =	vadd.f32 v52, v37;
	_ =	sdelay $0x1  }
0x178: {  	[tilespmem:v44+s15+$0x0] =	vst.idx.msk $0xffff, v37  }
0x179: {  	v37 =	vld.idx.msk [tilespmem:v53+s2+$0x0], $0xffff  }
0x17a: {  	v44 =	vld.idx.msk [tilespmem:v49+s2+$0x0], $0xffff;
	_ =	sdelay $0x3  }
0x17b: {  	v54 =	vor.u32 $0x2, v23  }
0x17c: {  	v55 =	vadd.s32 $0x3, v24;
	v37 =	vmul.f32 v37, v25;
	v44 =	vmul.f32 v44, v27  }
0x17d: {  	v56 =	vadd.s32 $0x3, v26  }
0x17e: {  	v37 =	vadd.f32 v44, v37;
	_ =	sdelay $0x1  }
0x17f: {  	[tilespmem:v54+s15+$0x0] =	vst.idx.msk $0xffff, v37  }
0x180: {  	v37 =	vld.idx.msk [tilespmem:v55+s2+$0x0], $0xffff  }
0x181: {  	v57 =	vld.idx.msk [tilespmem:v56+s2+$0x0], $0xffff;
	_ =	sdelay $0x3  }
0x182: {  	v58 =	vor.u32 $0x3, v23  }
0x183: {  	v59 =	vadd.s32 $0x4, v24;
	v37 =	vmul.f32 v37, v25;
	v44 =	vmul.f32 v57, v27  }
0x184: {  	v60 =	vadd.s32 $0x4, v26  }
0x185: {  	v45 =	vld.idx.msk [tilespmem:v45+s2+$0x0], $0xffff;
	v37 =	vadd.f32 v44, v37  }
0x186: {  	v61 =	vld.idx.msk [tilespmem:v46+s2+$0x0], $0xffff  }
0x187: {  	[tilespmem:v58+s15+$0x0] =	vst.idx.msk $0xffff, v37  }
0x188: {  	v37 =	vld.idx.msk [tilespmem:v59+s2+$0x0], $0xffff  }
0x189: {  	v62 =	vld.idx.msk [tilespmem:v60+s2+$0x0], $0xffff  }
0x18a: {  	v63 =	vor.u32 $0x4, v22  }
0x18b: {  	v45 =	vmul.f32 v45, v19;
	v52 =	vadd.s32 $0x5, v18;
	v44 =	vmul.f32 v61, v21  }
0x18c: {  	v53 =	vadd.s32 $0x5, v20  }
0x18d: {  	v54 =	vor.u32 $0x4, v23;
	v44 =	vadd.f32 v44, v45  }
0x18e: {  	v50 =	vadd.s32 $0x5, v24;
	v37 =	vmul.f32 v37, v25;
	v46 =	vmul.f32 v62, v27  }
0x18f: {  	v55 =	vadd.s32 $0x5, v26;
	[tilespmem:v63+s15+$0x0] =	vst.idx.msk $0xffff, v44  }
0x190: {  	v47 =	vld.idx.msk [tilespmem:v52+s2+$0x0], $0xffff;
	v37 =	vadd.f32 v46, v37  }
0x191: {  	v56 =	vld.idx.msk [tilespmem:v53+s2+$0x0], $0xffff  }
0x192: {  	[tilespmem:v54+s15+$0x0] =	vst.idx.msk $0xffff, v37  }
0x193: {  	v37 =	vld.idx.msk [tilespmem:v50+s2+$0x0], $0xffff  }
0x194: {  	v44 =	vld.idx.msk [tilespmem:v55+s2+$0x0], $0xffff  }
0x195: {  	v57 =	vor.u32 $0x5, v22  }
0x196: {  	v58 =	vadd.s32 $0x6, v18;
	v47 =	vmul.f32 v47, v19;
	v46 =	vmul.f32 v56, v21  }
0x197: {  	v59 =	vadd.s32 $0x6, v20  }
0x198: {  	v60 =	vor.u32 $0x5, v23;
	v46 =	vadd.f32 v46, v47  }
0x199: {  	v61 =	vadd.s32 $0x6, v24;
	v37 =	vmul.f32 v37, v25;
	v44 =	vmul.f32 v44, v27  }
0x19a: {  	v62 =	vadd.s32 $0x6, v26;
	[tilespmem:v57+s15+$0x0] =	vst.idx.msk $0xffff, v46  }
0x19b: {  	v63 =	vld.idx.msk [tilespmem:v58+s2+$0x0], $0xffff;
	v37 =	vadd.f32 v44, v37  }
0x19c: {  	v46 =	vld.idx.msk [tilespmem:v59+s2+$0x0], $0xffff  }
0x19d: {  	[tilespmem:v60+s15+$0x0] =	vst.idx.msk $0xffff, v37  }
0x19e: {  	v37 =	vld.idx.msk [tilespmem:v61+s2+$0x0], $0xffff  }
0x19f: {  	v45 =	vld.idx.msk [tilespmem:v62+s2+$0x0], $0xffff  }
0x1a0: {  	v52 =	vor.u32 $0x6, v22  }
0x1a1: {  	[tilespmem:v41+s15+$0x0] =	vst.idx.msk $0xffff, v43;
	v53 =	vadd.s32 $0x7, v18;
	v44 =	vmul.f32 v63, v19;
	v46 =	vmul.f32 v46, v21  }
0x1a2: {  	v40 =	vld.idx.msk [tilespmem:v40+s2+$0x0], $0xffff;
	v54 =	vadd.s32 $0x7, v20  }
0x1a3: {  	v42 =	vld.idx.msk [tilespmem:v42+s2+$0x0], $0xffff;
	v56 =	vor.u32 $0x6, v23;
	v55 =	vadd.f32 v46, v44  }
0x1a4: {  	v57 =	vadd.s32 $0x7, v24;
	v37 =	vmul.f32 v37, v25;
	v45 =	vmul.f32 v45, v27  }
0x1a5: {  	v58 =	vadd.s32 $0x7, v26;
	[tilespmem:v52+s15+$0x0] =	vst.idx.msk $0xffff, v55  }
0x1a6: {  	v47 =	vld.idx.msk [tilespmem:v53+s2+$0x0], $0xffff;
	v37 =	vadd.f32 v45, v37  }
0x1a7: {  	v59 =	vor.u32 $0x7, v16;
	v41 =	vld.idx.msk [tilespmem:v54+s2+$0x0], $0xffff  }
0x1a8: {  	v40 =	vmul.f32 v40, v12;
	v42 =	vmul.f32 v42, v15;
	v61 =	vadd.s32 $0x8, v17;
	[tilespmem:v56+s15+$0x0] =	vst.idx.msk $0xffff, v37  }
0x1a9: {  	v60 =	vadd.s32 $0x8, v14;
	v44 =	vld.idx.msk [tilespmem:v57+s2+$0x0], $0xffff  }
0x1aa: {  	v40 =	vadd.f32 v42, v40;
	v43 =	vld.idx.msk [tilespmem:v58+s2+$0x0], $0xffff  }
0x1ab: {  	v62 =	vor.u32 $0x7, v22  }
0x1ac: {  	v63 =	vadd.s32 $0x8, v18;
	[tilespmem:v59+s15+$0x0] =	vst.idx.msk $0xffff, v40;
	v47 =	vmul.f32 v47, v19;
	v41 =	vmul.f32 v41, v21  }
0x1ad: {  	v50 =	vadd.s32 $0x8, v20;
	v46 =	vld.idx.msk [tilespmem:v61+s2+$0x0], $0xffff  }
0x1ae: {  	v51 =	vor.u32 $0x7, v23;
	v37 =	vld.idx.msk [tilespmem:v60+s2+$0x0], $0xffff;
	v41 =	vadd.f32 v41, v47  }
0x1af: {  	v52 =	vadd.s32 $0x8, v24;
	v44 =	vmul.f32 v44, v25;
	v43 =	vmul.f32 v43, v27  }
0x1b0: {  	v53 =	vadd.s32 $0x8, v26;
	[tilespmem:v62+s15+$0x0] =	vst.idx.msk $0xffff, v41  }
0x1b1: {  	v42 =	vld.idx.msk [tilespmem:v63+s2+$0x0], $0xffff;
	v43 =	vadd.f32 v43, v44  }
0x1b2: {  	v54 =	vor.u32 $0x8, v16;
	v40 =	vld.idx.msk [tilespmem:v50+s2+$0x0], $0xffff  }
0x1b3: {  	v56 =	vadd.s32 $0x9, v14;
	v55 =	vmul.f32 v46, v15;
	v37 =	vmul.f32 v37, v12;
	[tilespmem:v51+s15+$0x0] =	vst.idx.msk $0xffff, v43  }
0x1b4: {  	v58 =	vadd.s32 $0x9, v17;
	v57 =	vld.idx.msk [tilespmem:v52+s2+$0x0], $0xffff  }
0x1b5: {  	v37 =	vadd.f32 v55, v37;
	v41 =	vld.idx.msk [tilespmem:v53+s2+$0x0], $0xffff  }
0x1b6: {  	v35 =	vmul.f32 v35, v6;
	v36 =	vmul.f32 v36, v8;
	v59 =	vor.u32 $0x8, v22  }
0x1b7: {  	v60 =	vadd.s32 $0x9, v18;
	v42 =	vmul.f32 v42, v19;
	v40 =	vmul.f32 v40, v21;
	[tilespmem:v54+s15+$0x0] =	vst.idx.msk $0xffff, v37  }
0x1b8: {  	v35 =	vadd.f32 v36, v35;
	v61 =	vadd.s32 $0x9, v20;
	v44 =	vld.idx.msk [tilespmem:v56+s2+$0x0], $0xffff  }
0x1b9: {  	v62 =	vor.u32 $0x8, v23;
	v40 =	vadd.f32 v40, v42;
	v63 =	vld.idx.msk [tilespmem:v58+s2+$0x0], $0xffff;
	v51 =	vadd.s32 $0xA, v13  }
0x1ba: {  	[tilespmem:v38+s15+$0x0] =	vst.idx.msk $0xffff, v35;
	v49 =	vadd.s32 $0x9, v24;
	v46 =	vmul.f32 v57, v25;
	v41 =	vmul.f32 v41, v27  }
0x1bb: {  	v39 =	vld.idx.msk [tilespmem:v39+s2+$0x0], $0xffff;
	v50 =	vadd.s32 $0x9, v26;
	[tilespmem:v59+s15+$0x0] =	vst.idx.msk $0xffff, v40  }
0x1bc: {  	v43 =	vld.idx.msk [tilespmem:v60+s2+$0x0], $0xffff;
	v41 =	vadd.f32 v41, v46  }
0x1bd: {  	v52 =	vor.u32 $0x9, v16;
	v53 =	vadd.s32 $0xA, v14;
	v37 =	vld.idx.msk [tilespmem:v61+s2+$0x0], $0xffff  }
0x1be: {  	v54 =	vmul.f32 v44, v12;
	v55 =	vmul.f32 v63, v15;
	v61 =	vld.idx.msk [tilespmem:v51+s2+$0x0], $0xffff;
	[tilespmem:v62+s15+$0x0] =	vst.idx.msk $0xffff, v41  }
0x1bf: {  	v57 =	vadd.s32 $0xA, v17;
	v56 =	vld.idx.msk [tilespmem:v49+s2+$0x0], $0xffff  }
0x1c0: {  	v59 =	vadd.f32 v55, v54;
	v58 =	vld.idx.msk [tilespmem:v50+s2+$0x0], $0xffff  }
0x1c1: {  	v48 =	vor.u32 $0x9, v23;
	v60 =	vor.u32 $0x9, v22  }
0x1c2: {  	v63 =	vadd.s32 $0xA, v20;
	v43 =	vmul.f32 v43, v19;
	v37 =	vmul.f32 v37, v21;
	[tilespmem:v52+s15+$0x0] =	vst.idx.msk $0xffff, v59  }
0x1c3: {  	v39 =	vmul.f32 v39, v6;
	v62 =	vadd.s32 $0xA, v18;
	v40 =	vld.idx.msk [tilespmem:v53+s2+$0x0], $0xffff;
	v50 =	vor.u32 $0xA, v9  }
0x1c4: {  	v37 =	vadd.f32 v37, v43;
	v52 =	vmul.f32 v61, v8;
	v53 =	vadd.s32 $0xB, v10;
	v35 =	vld.idx.msk [tilespmem:v57+s2+$0x0], $0xffff  }
0x1c5: {  	v49 =	vadd.s32 $0xA, v24;
	v45 =	vmul.f32 v56, v25;
	v38 =	vmul.f32 v58, v27  }
0x1c6: {  	v51 =	vadd.s32 $0xA, v26;
	[tilespmem:v60+s15+$0x0] =	vst.idx.msk $0xffff, v37;
	v39 =	vadd.f32 v52, v39  }
0x1c7: {  	v54 =	vadd.s32 $0xB, v13;
	v36 =	vld.idx.msk [tilespmem:v63+s2+$0x0], $0xffff;
	v38 =	vadd.f32 v38, v45  }
0x1c8: {  	v55 =	vor.u32 $0xA, v16;
	v57 =	vadd.s32 $0xB, v14;
	v46 =	vld.idx.msk [tilespmem:v62+s2+$0x0], $0xffff;
	[tilespmem:v50+s15+$0x0] =	vst.idx.msk $0xffff, v39  }
0x1c9: {  	v56 =	vmul.f32 v40, v12;
	v35 =	vmul.f32 v35, v15;
	v59 =	vld.idx.msk [tilespmem:v53+s2+$0x0], $0xffff;
	[tilespmem:v48+s15+$0x0] =	vst.idx.msk $0xffff, v38  }
0x1ca: {  	v32 =	vmul.f32 v32, v2;
	v34 =	vmul.f32 v34, v3;
	v58 =	vadd.s32 $0xB, v17;
	v41 =	vld.idx.msk [tilespmem:v49+s2+$0x0], $0xffff  }
0x1cb: {  	v35 =	vadd.f32 v35, v56;
	v37 =	vld.idx.msk [tilespmem:v51+s2+$0x0], $0xffff  }
0x1cc: {  	v32 =	vadd.f32 v34, v32;
	v60 =	vor.u32 $0xA, v22;
	v61 =	vld.idx.msk [tilespmem:v54+s2+$0x0], $0xffff  }
0x1cd: {  	v63 =	vadd.s32 $0xB, v18;
	v36 =	vmul.f32 v36, v21;
	v62 =	vmul.f32 v46, v19;
	[tilespmem:v55+s15+$0x0] =	vst.idx.msk $0xffff, v35  }
0x1ce: {  	[tilespmem:v31+s15+$0x0] =	vst.idx.msk $0xffff, v32;
	v53 =	vadd.s32 $0xB, v24;
	v48 =	vadd.s32 $0xB, v20;
	v31 =	vld.idx.msk [tilespmem:v57+s2+$0x0], $0xffff  }
0x1cf: {  	v49 =	vadd.s32 $0xD, v11;
	v51 =	vor.u32 $0xA, v23;
	v39 =	vld.idx.msk [tilespmem:v58+s2+$0x0], $0xffff;
	v50 =	vadd.f32 v36, v62  }
0x1d0: {  	v33 =	vld.idx.msk [tilespmem:v33+s2+$0x0], $0xffff;
	v54 =	vor.u32 $0xB, v9;
	v52 =	vmul.f32 v41, v25;
	v37 =	vmul.f32 v37, v27  }
0x1d1: {  	v56 =	vadd.s32 $0xB, v26;
	v34 =	vmul.f32 v59, v6;
	v57 =	vmul.f32 v61, v8;
	[tilespmem:v60+s15+$0x0] =	vst.idx.msk $0xffff, v50  }
0x1d2: {  	v59 =	vadd.s32 $0xC, v13;
	v58 =	vld.idx.msk [tilespmem:v63+s2+$0x0], $0xffff;
	v37 =	vadd.f32 v37, v52  }
0x1d3: {  	v55 =	vadd.s32 $0xC, v10;
	v34 =	vadd.f32 v57, v34;
	v60 =	vor.u32 $0xB, v16;
	v35 =	vld.idx.msk [tilespmem:v48+s2+$0x0], $0xffff  }
0x1d4: {  	v42 =	vld.idx.msk [tilespmem:v49+s2+$0x0], $0xffff;
	v31 =	vmul.f32 v31, v12;
	v62 =	vmul.f32 v39, v15;
	[tilespmem:v51+s15+$0x0] =	vst.idx.msk $0xffff, v37  }
0x1d5: {  	v61 =	vadd.s32 $0xC, v14;
	v63 =	vld.idx.msk [tilespmem:v53+s2+$0x0], $0xffff  }
0x1d6: {  	[tilespmem:v54+s15+$0x0] =	vst.idx.msk $0xffff, v34;
	v49 =	vadd.s32 $0xC, v17;
	v31 =	vadd.f32 v62, v31;
	v32 =	vld.idx.msk [tilespmem:v56+s2+$0x0], $0xffff  }
0x1d7: {  	v40 =	vld.idx.msk [tilespmem:v59+s2+$0x0], $0xffff;
	v52 =	vor.u32 $0xB, v22  }
0x1d8: {  	v43 =	vmul.f32 v58, v19;
	v35 =	vmul.f32 v35, v21;
	[tilespmem:v60+s15+$0x0] =	vst.idx.msk $0xffff, v31;
	v31 =	vadd.s32 $0xC, v20  }
0x1d9: {  	v33 =	vmul.f32 v33, v2;
	v48 =	vor.u32 $0xD, v4;
	v51 =	vld.idx.msk [tilespmem:v55+s2+$0x0], $0xffff;
	v53 =	vadd.s32 $0xC, v18  }
0x1da: {  	v55 =	vor.u32 $0xB, v23;
	v42 =	vmul.f32 v42, v3;
	v36 =	vld.idx.msk [tilespmem:v61+s2+$0x0], $0xffff;
	v35 =	vadd.f32 v35, v43  }
0x1db: {  	v34 =	vld.idx.msk [tilespmem:v49+s2+$0x0], $0xffff;
	v56 =	vadd.s32 $0xC, v24;
	v39 =	vmul.f32 v63, v25;
	v32 =	vmul.f32 v32, v27  }
0x1dc: {  	v58 =	vadd.s32 $0xC, v26;
	v33 =	vadd.f32 v42, v33;
	[tilespmem:v52+s15+$0x0] =	vst.idx.msk $0xffff, v35  }
0x1dd: {  	v50 =	vadd.s32 $0xE, v7;
	v31 =	vld.idx.msk [tilespmem:v31+s2+$0x0], $0xffff;
	v32 =	vadd.f32 v32, v39  }
0x1de: {  	v57 =	vor.u32 $0xC, v9;
	v54 =	vadd.s32 $0xE, v11;
	v61 =	vadd.s32 $0xD, v10;
	[tilespmem:v48+s15+$0x0] =	vst.idx.msk $0xffff, v33;
	v60 =	vld.idx.msk [tilespmem:v53+s2+$0x0], $0xffff  }
0x1df: {  	v40 =	vmul.f32 v40, v8;
	v59 =	vmul.f32 v51, v6;
	v48 =	vor.u32 $0xC, v16;
	[tilespmem:v55+s15+$0x0] =	vst.idx.msk $0xffff, v32  }
0x1e0: {  	v63 =	vadd.s32 $0xD, v13;
	v36 =	vmul.f32 v36, v12;
	v34 =	vmul.f32 v34, v15;
	v43 =	vld.idx.msk [tilespmem:v56+s2+$0x0], $0xffff  }
0x1e1: {  	v49 =	vadd.s32 $0xD, v14;
	v37 =	vadd.f32 v40, v59;
	v35 =	vld.idx.msk [tilespmem:v58+s2+$0x0], $0xffff  }
0x1e2: {  	v51 =	vor.u32 $0xC, v22;
	v62 =	vld.idx.msk [tilespmem:v50+s2+$0x0], $0xffff;
	v50 =	vadd.s32 $0xD, v17;
	v34 =	vadd.f32 v34, v36  }
0x1e3: {  	v38 =	vld.idx.msk [tilespmem:v54+s2+$0x0], $0xffff;
	[tilespmem:v57+s15+$0x0] =	vst.idx.msk $0xffff, v37;
	v31 =	vmul.f32 v31, v21;
	v53 =	vmul.f32 v60, v19  }
0x1e4: {  	v52 =	vadd.s32 $0xD, v18;
	v33 =	vld.idx.msk [tilespmem:v61+s2+$0x0], $0xffff  }
0x1e5: {  	v54 =	vadd.s32 $0xD, v20;
	[tilespmem:v48+s15+$0x0] =	vst.idx.msk $0xffff, v34;
	v40 =	vld.idx.msk [tilespmem:v63+s2+$0x0], $0xffff;
	v56 =	vor.u32 $0xC, v23;
	v31 =	vadd.f32 v31, v53  }
0x1e6: {  	v57 =	vadd.s32 $0xD, v24;
	v32 =	vld.idx.msk [tilespmem:v49+s2+$0x0], $0xffff;
	v43 =	vmul.f32 v43, v25;
	v35 =	vmul.f32 v35, v27  }
0x1e7: {  	v59 =	vor.u32 $0xD, v9;
	v44 =	vld.idx.msk [tilespmem:v50+s2+$0x0], $0xffff;
	[tilespmem:v51+s15+$0x0] =	vst.idx.msk $0xffff, v31;
	v31 =	vadd.s32 $0xD, v26  }
0x1e8: {  	v55 =	vor.u32 $0xE, v4;
	v61 =	vadd.s32 $0xE, v13;
	v35 =	vadd.f32 v35, v43  }
0x1e9: {  	v39 =	vmul.f32 v62, v2;
	v38 =	vmul.f32 v38, v3;
	v60 =	vadd.s32 $0xE, v10;
	v36 =	vld.idx.msk [tilespmem:v52+s2+$0x0], $0xffff  }
0x1ea: {  	v33 =	vmul.f32 v33, v6;
	v34 =	vld.idx.msk [tilespmem:v54+s2+$0x0], $0xffff;
	v40 =	vmul.f32 v40, v8;
	[tilespmem:v56+s15+$0x0] =	vst.idx.msk $0xffff, v35  }
0x1eb: {  	v62 =	vor.u32 $0xD, v16;
	v49 =	vadd.s32 $0xE, v14;
	v58 =	vadd.f32 v38, v39;
	v48 =	vld.idx.msk [tilespmem:v57+s2+$0x0], $0xffff  }
0x1ec: {  	v32 =	vmul.f32 v32, v12;
	v63 =	vmul.f32 v44, v15;
	v33 =	vadd.f32 v40, v33;
	v31 =	vld.idx.msk [tilespmem:v31+s2+$0x0], $0xffff  }
0x1ed: {  	v50 =	vadd.s32 $0xE, v17;
	[tilespmem:v55+s15+$0x0] =	vst.idx.msk $0xffff, v58  }
0x1ee: {  	v51 =	vor.u32 $0xD, v22;
	v32 =	vadd.f32 v63, v32;
	[tilespmem:v59+s15+$0x0] =	vst.idx.msk $0xffff, v33  }
0x1ef: {  	v52 =	vadd.s32 $0xE, v18;
	v36 =	vmul.f32 v36, v19;
	v34 =	vmul.f32 v34, v21;
	v38 =	vld.idx.msk [tilespmem:v60+s2+$0x0], $0xffff  }
0x1f0: {  	v53 =	vadd.s32 $0xE, v20;
	[tilespmem:v62+s15+$0x0] =	vst.idx.msk $0xffff, v32;
	v56 =	vor.u32 $0xD, v23;
	v54 =	vld.idx.msk [tilespmem:v61+s2+$0x0], $0xffff;
	v57 =	vadd.s32 $0xE, v24  }
0x1f1: {  	v35 =	vld.idx.msk [tilespmem:v49+s2+$0x0], $0xffff;
	v55 =	vadd.f32 v34, v36;
	v58 =	vmul.f32 v48, v25;
	v31 =	vmul.f32 v31, v27  }
0x1f2: {  	v59 =	vadd.s32 $0xE, v26;
	v40 =	vld.idx.msk [tilespmem:v50+s2+$0x0], $0xffff  }
0x1f3: {  	v7 =	vadd.s32 $0xF, v7;
	[tilespmem:v51+s15+$0x0] =	vst.idx.msk $0xffff, v55;
	v31 =	vadd.f32 v31, v58  }
0x1f4: {  	v11 =	vadd.s32 $0xF, v11;
	v33 =	vld.idx.msk [tilespmem:v52+s2+$0x0], $0xffff  }
0x1f5: {  	v10 =	vadd.s32 $0xF, v10;
	v60 =	vor.u32 $0xE, v9;
	v39 =	vld.idx.msk [tilespmem:v53+s2+$0x0], $0xffff;
	[tilespmem:v56+s15+$0x0] =	vst.idx.msk $0xffff, v31  }
0x1f6: {  	v63 =	vor.u32 $0xE, v16;
	v38 =	vmul.f32 v38, v6;
	v61 =	vmul.f32 v54, v8;
	v31 =	vld.idx.msk [tilespmem:v57+s2+$0x0], $0xffff  }
0x1f7: {  	v13 =	vadd.s32 $0xF, v13;
	v35 =	vmul.f32 v35, v12;
	v41 =	vmul.f32 v40, v15;
	v32 =	vld.idx.msk [tilespmem:v59+s2+$0x0], $0xffff  }
0x1f8: {  	v14 =	vadd.s32 $0xF, v14;
	v7 =	vld.idx.msk [tilespmem:v7+s2+$0x0], $0xffff;
	v62 =	vadd.f32 v61, v38  }
0x1f9: {  	v42 =	vor.u32 $0xE, v22;
	v17 =	vadd.s32 $0xF, v17;
	v11 =	vld.idx.msk [tilespmem:v11+s2+$0x0], $0xffff;
	v35 =	vadd.f32 v41, v35  }
0x1fa: {  	v18 =	vadd.s32 $0xF, v18;
	[tilespmem:v60+s15+$0x0] =	vst.idx.msk $0xffff, v62;
	v33 =	vmul.f32 v33, v19;
	v43 =	vmul.f32 v39, v21  }
0x1fb: {  	v20 =	vadd.s32 $0xF, v20;
	v44 =	vor.u32 $0xE, v23;
	v24 =	vadd.s32 $0xF, v24;
	[tilespmem:v63+s15+$0x0] =	vst.idx.msk $0xffff, v35;
	v10 =	vld.idx.msk [tilespmem:v10+s2+$0x0], $0xffff  }
0x1fc: {  	v13 =	vld.idx.msk [tilespmem:v13+s2+$0x0], $0xffff;
	v33 =	vadd.f32 v43, v33;
	v31 =	vmul.f32 v31, v25;
	v32 =	vmul.f32 v32, v27  }
0x1fd: {  	v26 =	vadd.s32 $0xF, v26;
	v14 =	vld.idx.msk [tilespmem:v14+s2+$0x0], $0xffff  }
0x1fe: {  	v17 =	vld.idx.msk [tilespmem:v17+s2+$0x0], $0xffff;
	[tilespmem:v42+s15+$0x0] =	vst.idx.msk $0xffff, v33;
	v31 =	vadd.f32 v32, v31  }
0x1ff: {  	v18 =	vld.idx.msk [tilespmem:v18+s2+$0x0], $0xffff  }
0x200: {  	v1 =	vmul.f32 v29, v1;
	v5 =	vmul.f32 v30, v5;
	v20 =	vld.idx.msk [tilespmem:v20+s2+$0x0], $0xffff;
	[tilespmem:v44+s15+$0x0] =	vst.idx.msk $0xffff, v31  }
0x201: {  	v4 =	vor.u32 $0xF, v4;
	v2 =	vmul.f32 v7, v2;
	v3 =	vmul.f32 v11, v3;
	v7 =	vld.idx.msk [tilespmem:v24+s2+$0x0], $0xffff  }
0x202: {  	v6 =	vmul.f32 v10, v6;
	v8 =	vmul.f32 v13, v8;
	v10 =	vld.idx.msk [tilespmem:v26+s2+$0x0], $0xffff  }
0x203: {  	v1 =	vadd.f32 v5, v1;
	v5 =	vor.u32 $0xF, v9  }
0x204: {  	v2 =	vadd.f32 v3, v2;
	v3 =	vadd.f32 v8, v6;
	v6 =	vor.u32 $0xF, v16  }
0x205: {  	[tilespmem:v28+s15+$0x0] =	vst.idx.msk $0xffff, v1;
	v9 =	vor.u32 $0xF, v22;
	v1 =	vmul.f32 v14, v12;
	v8 =	vmul.f32 v17, v15  }
0x206: {  	v11 =	vor.u32 $0xF, v23;
	[tilespmem:v4+s15+$0x0] =	vst.idx.msk $0xffff, v2;
	v2 =	vmul.f32 v18, v19;
	v4 =	vmul.f32 v20, v21  }
0x207: {  	v1 =	vadd.f32 v8, v1;
	v7 =	vmul.f32 v7, v25;
	v8 =	vmul.f32 v10, v27  }
0x208: {  	s25 =	sshll.u32 s24, $0xF;
	[tilespmem:v5+s15+$0x0] =	vst.idx.msk $0xffff, v3;
	v2 =	vadd.f32 v4, v2  }
0x209: {  	s25 =	sadd.s32 s8, s25;
	[tilespmem:v6+s15+$0x0] =	vst.idx.msk $0xffff, v1;
	v1 =	vadd.f32 v8, v7  }
0x20a: {  	s25 =	sshrl.u32 s25, $0x3;
	[tilespmem:v9+s15+$0x0] =	vst.idx.msk $0xffff, v2  }
0x20b: {  	s25 =	sadd.s32 s4, s25;
	[tilespmem:v11+s15+$0x0] =	vst.idx.msk $0xffff, v1  }
0x20c: {  	[hbm4b:s25+s2] =	stream.linear.scatter [tilespmem:s15], [sflag:$0x1], $0x4000, $0x38;
	[tilespmem:$0x1FD80] =	vst v63  }
0x20d: {  	s25 =	simm.s32 @!p0 $0x2  }
0x20e: {  	_ =	swait.ge @!p0 [sflag:s25], $0x4000  }
0x20f: {  	[sflag:s25] =	ssyncset.done @!p0 $0x0  }
0x210: {  	[sflag:s25] =	ssyncadd.s32 @!p0 $0xFFFFC000  }
0x211: {  	v30 =	vld [tilespmem:s23+$0x0];
	_ =	sdelay $0x4  }
0x212: {  	v1 =	vadd.s32 $0x10, v30  }
0x213: {  	vm0 =	vlt.s32 v1, $0x14D40  }
0x214: {  	v28 =	vnsel vm0, $0x14D40, v1;
	_ =	sdelay $0x2  }
0x215: {  	v1 =	vld [tilespmem:s22+$0x0]  }
0x216: {  	v2 =	vld.idx.msk [tilespmem:v30+s2+$0x0], $0xffff  }
0x217: {  	v3 =	vld.idx.msk [tilespmem:v28+s2+$0x0], $0xffff  }
0x218: {  	s30 =	simm.s32 $0x0  }
0x219: {  	v4 =	vmov s30  }
0x21a: {  	v4 =	vshll.u32 v4, $0x7;
	v5 =	vsub.f32 $1.000000000e+00, v1  }
0x21b: {  	v29 =	vor.u32 v0, v4  }
0x21c: {  	v4 =	vadd.s32 $0x1, v30;
	v2 =	vmul.f32 v2, v1;
	v3 =	vmul.f32 v3, v5  }
0x21d: {  	v6 =	vadd.s32 $0x1, v28  }
0x21e: {  	v2 =	vadd.f32 v3, v2;
	_ =	sdelay $0x1  }
0x21f: {  	[tilespmem:v29+s16+$0x0] =	vst.idx.msk $0xffff, v2  }
0x220: {  	v2 =	vld.idx.msk [tilespmem:v4+s2+$0x0], $0xffff  }
0x221: {  	v3 =	vld.idx.msk [tilespmem:v6+s2+$0x0], $0xffff;
	_ =	sdelay $0x3  }
0x222: {  	v4 =	vor.u32 $0x1, v29  }
0x223: {  	s31 =	sadd.s32 $0x10, s23;
	v6 =	vadd.s32 $0x2, v30;
	v2 =	vmul.f32 v2, v1;
	v3 =	vmul.f32 v3, v5  }
0x224: {  	v7 =	vld [tilespmem:s31+$0x0];
	v8 =	vadd.s32 $0x2, v28  }
0x225: {  	v2 =	vadd.f32 v3, v2;
	_ =	sdelay $0x1  }
0x226: {  	[tilespmem:v4+s16+$0x0] =	vst.idx.msk $0xffff, v2  }
0x227: {  	v2 =	vld.idx.msk [tilespmem:v6+s2+$0x0], $0xffff  }
0x228: {  	v4 =	vadd.s32 $0x10, v7;
	v3 =	vld.idx.msk [tilespmem:v8+s2+$0x0], $0xffff  }
0x229: {  	vm11 =	vlt.s32 v4, $0x14D40  }
0x22a: {  	v11 =	vnsel vm11, $0x14D40, v4;
	_ =	sdelay $0x1  }
0x22b: {  	v4 =	vor.u32 $0x2, v29  }
0x22c: {  	s26 =	sadd.s32 $0x10, s22;
	v6 =	vadd.s32 $0x3, v30;
	v8 =	vmul.f32 v2, v1;
	v3 =	vmul.f32 v3, v5  }
0x22d: {  	v9 =	vadd.s32 $0x3, v28;
	v2 =	vld [tilespmem:s26+$0x0]  }
0x22e: {  	v10 =	vld.idx.msk [tilespmem:v11+s2+$0x0], $0xffff;
	v3 =	vadd.f32 v3, v8  }
0x22f: {  	v8 =	vld.idx.msk [tilespmem:v7+s2+$0x0], $0xffff  }
0x230: {  	s28 =	simm.s32 $0x10;
	[tilespmem:v4+s16+$0x0] =	vst.idx.msk $0xffff, v3  }
0x231: {  	v3 =	vmov s28;
	v6 =	vld.idx.msk [tilespmem:v6+s2+$0x0], $0xffff  }
0x232: {  	v4 =	vshll.u32 v3, $0x7;
	v9 =	vld.idx.msk [tilespmem:v9+s2+$0x0], $0xffff;
	v3 =	vsub.f32 $1.000000000e+00, v2  }
0x233: {  	v4 =	vor.u32 v0, v4  }
0x234: {  	v12 =	vadd.s32 $0x1, v7;
	v8 =	vmul.f32 v8, v2;
	v10 =	vmul.f32 v10, v3  }
0x235: {  	v13 =	vadd.s32 $0x1, v11  }
0x236: {  	v8 =	vadd.f32 v10, v8;
	v10 =	vor.u32 $0x3, v29  }
0x237: {  	v14 =	vadd.s32 $0x4, v30;
	v6 =	vmul.f32 v6, v1;
	v9 =	vmul.f32 v9, v5  }
0x238: {  	[tilespmem:v4+s16+$0x0] =	vst.idx.msk $0xffff, v8;
	v8 =	vadd.s32 $0x4, v28  }
0x239: {  	v12 =	vld.idx.msk [tilespmem:v12+s2+$0x0], $0xffff;
	v6 =	vadd.f32 v9, v6  }
0x23a: {  	v9 =	vld.idx.msk [tilespmem:v13+s2+$0x0], $0xffff  }
0x23b: {  	[tilespmem:v10+s16+$0x0] =	vst.idx.msk $0xffff, v6  }
0x23c: {  	v6 =	vld.idx.msk [tilespmem:v14+s2+$0x0], $0xffff  }
0x23d: {  	v8 =	vld.idx.msk [tilespmem:v8+s2+$0x0], $0xffff  }
0x23e: {  	v13 =	vor.u32 $0x1, v4  }
0x23f: {  	v10 =	vmul.f32 v12, v2;
	v9 =	vmul.f32 v9, v3;
	v12 =	vadd.s32 $0x2, v7  }
0x240: {  	s25 =	sadd.s32 $0x10, s31;
	v14 =	vadd.s32 $0x2, v11  }
0x241: {  	v15 =	vor.u32 $0x4, v29;
	v9 =	vadd.f32 v9, v10;
	v10 =	vld [tilespmem:s25+$0x0]  }
0x242: {  	v16 =	vadd.s32 $0x5, v30;
	v6 =	vmul.f32 v6, v1;
	v8 =	vmul.f32 v8, v5  }
0x243: {  	[tilespmem:v13+s16+$0x0] =	vst.idx.msk $0xffff, v9;
	v9 =	vadd.s32 $0x5, v28  }
0x244: {  	v6 =	vadd.f32 v8, v6;
	v8 =	vld.idx.msk [tilespmem:v12+s2+$0x0], $0xffff  }
0x245: {  	v12 =	vld.idx.msk [tilespmem:v14+s2+$0x0], $0xffff  }
0x246: {  	[tilespmem:v15+s16+$0x0] =	vst.idx.msk $0xffff, v6;
	v6 =	vadd.s32 $0x10, v10  }
0x247: {  	v14 =	vld.idx.msk [tilespmem:v16+s2+$0x0], $0xffff;
	vm12 =	vlt.s32 v6, $0x14D40  }
0x248: {  	v9 =	vld.idx.msk [tilespmem:v9+s2+$0x0], $0xffff;
	v13 =	vnsel vm12, $0x14D40, v6  }
0x249: {  	v15 =	vor.u32 $0x2, v4  }
0x24a: {  	s26 =	sadd.s32 $0x10, s26;
	v16 =	vadd.s32 $0x3, v7;
	v8 =	vmul.f32 v8, v2;
	v12 =	vmul.f32 v12, v3  }
0x24b: {  	v17 =	vadd.s32 $0x3, v11;
	v6 =	vld [tilespmem:s26+$0x0]  }
0x24c: {  	v18 =	vor.u32 $0x5, v29;
	v8 =	vadd.f32 v12, v8;
	v12 =	vld.idx.msk [tilespmem:v10+s2+$0x0], $0xffff  }
0x24d: {  	v19 =	vadd.s32 $0x6, v30;
	v14 =	vmul.f32 v14, v1;
	v9 =	vmul.f32 v9, v5;
	v20 =	vld.idx.msk [tilespmem:v13+s2+$0x0], $0xffff  }
0x24e: {  	v21 =	vadd.s32 $0x6, v28;
	s28 =	simm.s32 $0x20;
	[tilespmem:v15+s16+$0x0] =	vst.idx.msk $0xffff, v8  }
0x24f: {  	v8 =	vmov s28;
	v14 =	vadd.f32 v9, v14;
	v15 =	vld.idx.msk [tilespmem:v16+s2+$0x0], $0xffff  }
0x250: {  	v9 =	vshll.u32 v8, $0x7;
	v16 =	vld.idx.msk [tilespmem:v17+s2+$0x0], $0xffff;
	v8 =	vsub.f32 $1.000000000e+00, v6  }
0x251: {  	v9 =	vor.u32 v0, v9;
	[tilespmem:v18+s16+$0x0] =	vst.idx.msk $0xffff, v14  }
0x252: {  	v12 =	vmul.f32 v12, v6;
	v14 =	vld.idx.msk [tilespmem:v19+s2+$0x0], $0xffff;
	v18 =	vmul.f32 v20, v8  }
0x253: {  	v17 =	vadd.s32 $0x1, v10;
	v19 =	vld.idx.msk [tilespmem:v21+s2+$0x0], $0xffff  }
0x254: {  	v20 =	vadd.s32 $0x1, v13;
	v12 =	vadd.f32 v18, v12;
	v18 =	vor.u32 $0x3, v4  }
0x255: {  	v21 =	vadd.s32 $0x4, v7;
	v15 =	vmul.f32 v15, v2;
	v16 =	vmul.f32 v16, v3  }
0x256: {  	[tilespmem:v9+s16+$0x0] =	vst.idx.msk $0xffff, v12;
	v12 =	vadd.s32 $0x4, v11  }
0x257: {  	v22 =	vor.u32 $0x6, v29;
	v15 =	vadd.f32 v16, v15  }
0x258: {  	v16 =	vadd.s32 $0x7, v30;
	v14 =	vmul.f32 v14, v1;
	v19 =	vmul.f32 v19, v5;
	v17 =	vld.idx.msk [tilespmem:v17+s2+$0x0], $0xffff  }
0x259: {  	v23 =	vadd.s32 $0x7, v28;
	v20 =	vld.idx.msk [tilespmem:v20+s2+$0x0], $0xffff;
	[tilespmem:v18+s16+$0x0] =	vst.idx.msk $0xffff, v15  }
0x25a: {  	v14 =	vadd.f32 v19, v14;
	v15 =	vld.idx.msk [tilespmem:v21+s2+$0x0], $0xffff  }
0x25b: {  	v12 =	vld.idx.msk [tilespmem:v12+s2+$0x0], $0xffff  }
0x25c: {  	[tilespmem:v22+s16+$0x0] =	vst.idx.msk $0xffff, v14  }
0x25d: {  	v18 =	vor.u32 $0x1, v9;
	v16 =	vld.idx.msk [tilespmem:v16+s2+$0x0], $0xffff  }
0x25e: {  	v19 =	vld.idx.msk [tilespmem:v23+s2+$0x0], $0xffff;
	v14 =	vmul.f32 v17, v6;
	v17 =	vmul.f32 v20, v8;
	v20 =	vadd.s32 $0x2, v10  }
0x25f: {  	s25 =	sadd.s32 $0x10, s25;
	v21 =	vadd.s32 $0x2, v13;
	v22 =	vor.u32 $0x4, v4;
	v23 =	vadd.s32 $0x5, v7  }
0x260: {  	v17 =	vadd.f32 v17, v14;
	v14 =	vld [tilespmem:s25+$0x0];
	v15 =	vmul.f32 v15, v2;
	v12 =	vmul.f32 v12, v3  }
0x261: {  	v24 =	vadd.s32 $0x5, v11  }
0x262: {  	[tilespmem:v18+s16+$0x0] =	vst.idx.msk $0xffff, v17;
	v17 =	vor.u32 $0x7, v29;
	v12 =	vadd.f32 v12, v15  }
0x263: {  	v16 =	vmul.f32 v16, v1;
	v18 =	vmul.f32 v19, v5;
	v19 =	vld.idx.msk [tilespmem:v20+s2+$0x0], $0xffff;
	v15 =	vadd.s32 $0x8, v30  }
0x264: {  	v20 =	vadd.s32 $0x8, v28;
	v21 =	vld.idx.msk [tilespmem:v21+s2+$0x0], $0xffff;
	[tilespmem:v22+s16+$0x0] =	vst.idx.msk $0xffff, v12  }
0x265: {  	v12 =	vadd.f32 v18, v16;
	v18 =	vadd.s32 $0x10, v14;
	v16 =	vld.idx.msk [tilespmem:v23+s2+$0x0], $0xffff  }
0x266: {  	v22 =	vld.idx.msk [tilespmem:v24+s2+$0x0], $0xffff;
	vm13 =	vlt.s32 v18, $0x14D40  }
0x267: {  	[tilespmem:v17+s16+$0x0] =	vst.idx.msk $0xffff, v12;
	v17 =	vnsel vm13, $0x14D40, v18  }
0x268: {  	v18 =	vor.u32 $0x2, v9;
	v15 =	vld.idx.msk [tilespmem:v15+s2+$0x0], $0xffff  }
0x269: {  	s26 =	sadd.s32 $0x10, s26;
	v23 =	vadd.s32 $0x3, v10;
	v19 =	vmul.f32 v19, v6;
	v21 =	vmul.f32 v21, v8;
	v20 =	vld.idx.msk [tilespmem:v20+s2+$0x0], $0xffff  }
0x26a: {  	v26 =	vadd.s32 $0x6, v7;
	v25 =	vor.u32 $0x5, v4;
	v24 =	vadd.s32 $0x3, v13;
	v12 =	vld [tilespmem:s26+$0x0]  }
0x26b: {  	v19 =	vadd.f32 v21, v19;
	v16 =	vmul.f32 v16, v2;
	v21 =	vmul.f32 v22, v3;
	v22 =	vld.idx.msk [tilespmem:v14+s2+$0x0], $0xffff  }
0x26c: {  	v27 =	vadd.s32 $0x6, v11;
	s28 =	simm.s32 $0x30;
	v31 =	vld.idx.msk [tilespmem:v17+s2+$0x0], $0xffff  }
0x26d: {  	v46 =	vor.u32 $0x8, v29;
	v45 =	vmov s28;
	[tilespmem:v18+s16+$0x0] =	vst.idx.msk $0xffff, v19;
	v16 =	vadd.f32 v21, v16  }
0x26e: {  	v18 =	vmul.f32 v15, v1;
	v19 =	vmul.f32 v20, v5;
	v20 =	vadd.s32 $0x9, v30;
	v21 =	vld.idx.msk [tilespmem:v23+s2+$0x0], $0xffff  }
0x26f: {  	v47 =	vadd.s32 $0x9, v28;
	v23 =	vshll.u32 v45, $0x7;
	v24 =	vld.idx.msk [tilespmem:v24+s2+$0x0], $0xffff;
	v15 =	vsub.f32 $1.000000000e+00, v12;
	[tilespmem:v25+s16+$0x0] =	vst.idx.msk $0xffff, v16  }
0x270: {  	v16 =	vor.u32 v0, v23;
	v18 =	vadd.f32 v19, v18;
	v19 =	vld.idx.msk [tilespmem:v26+s2+$0x0], $0xffff  }
0x271: {  	v25 =	vadd.s32 $0x1, v14;
	v23 =	vld.idx.msk [tilespmem:v27+s2+$0x0], $0xffff;
	v22 =	vmul.f32 v22, v12;
	v26 =	vmul.f32 v31, v15  }
0x272: {  	[tilespmem:v46+s16+$0x0] =	vst.idx.msk $0xffff, v18;
	v18 =	vadd.s32 $0x1, v17  }
0x273: {  	v20 =	vld.idx.msk [tilespmem:v20+s2+$0x0], $0xffff;
	v22 =	vadd.f32 v26, v22;
	v26 =	vor.u32 $0x3, v9  }
0x274: {  	v31 =	vadd.s32 $0x4, v10;
	v27 =	vld.idx.msk [tilespmem:v47+s2+$0x0], $0xffff;
	v21 =	vmul.f32 v21, v6;
	v24 =	vmul.f32 v24, v8  }
0x275: {  	v49 =	vadd.s32 $0x7, v7;
	v48 =	vor.u32 $0x6, v4;
	[tilespmem:v16+s16+$0x0] =	vst.idx.msk $0xffff, v22;
	v22 =	vadd.s32 $0x4, v13  }
0x276: {  	v21 =	vadd.f32 v24, v21;
	v19 =	vmul.f32 v19, v2;
	v23 =	vmul.f32 v23, v3;
	v25 =	vld.idx.msk [tilespmem:v25+s2+$0x0], $0xffff  }
0x277: {  	v24 =	vadd.s32 $0x7, v11;
	v18 =	vld.idx.msk [tilespmem:v18+s2+$0x0], $0xffff  }
0x278: {  	v50 =	vor.u32 $0x9, v29;
	v19 =	vadd.f32 v23, v19;
	[tilespmem:v26+s16+$0x0] =	vst.idx.msk $0xffff, v21  }
0x279: {  	v20 =	vmul.f32 v20, v1;
	v21 =	vadd.s32 $0xA, v30;
	v26 =	vmul.f32 v27, v5;
	v23 =	vld.idx.msk [tilespmem:v31+s2+$0x0], $0xffff  }
0x27a: {  	v27 =	vadd.s32 $0xA, v28;
	[tilespmem:v48+s16+$0x0] =	vst.idx.msk $0xffff, v19;
	v22 =	vld.idx.msk [tilespmem:v22+s2+$0x0], $0xffff  }
0x27b: {  	v19 =	vor.u32 $0x1, v16;
	v31 =	vld.idx.msk [tilespmem:v49+s2+$0x0], $0xffff;
	v20 =	vadd.f32 v26, v20  }
0x27c: {  	v24 =	vld.idx.msk [tilespmem:v24+s2+$0x0], $0xffff;
	v25 =	vmul.f32 v25, v12;
	v18 =	vmul.f32 v18, v15  }
0x27d: {  	[tilespmem:v50+s16+$0x0] =	vst.idx.msk $0xffff, v20;
	v20 =	vadd.s32 $0x2, v14  }
0x27e: {  	v26 =	vor.u32 $0x4, v9;
	v21 =	vld.idx.msk [tilespmem:v21+s2+$0x0], $0xffff;
	v18 =	vadd.f32 v18, v25;
	v25 =	vadd.s32 $0x2, v17  }
0x27f: {  	v51 =	vadd.s32 $0x5, v10;
	v27 =	vld.idx.msk [tilespmem:v27+s2+$0x0], $0xffff;
	v23 =	vmul.f32 v23, v6;
	v22 =	vmul.f32 v22, v8  }
0x280: {  	v53 =	vadd.s32 $0x8, v7;
	v52 =	vor.u32 $0x7, v4;
	s25 =	sadd.s32 $0x10, s25;
	[tilespmem:v19+s16+$0x0] =	vst.idx.msk $0xffff, v18;
	v19 =	vadd.s32 $0x5, v13  }
0x281: {  	v18 =	vld [tilespmem:s25+$0x0];
	v24 =	vmul.f32 v24, v3;
	v22 =	vadd.f32 v22, v23;
	v23 =	vmul.f32 v31, v2  }
0x282: {  	v31 =	vld.idx.msk [tilespmem:v20+s2+$0x0], $0xffff;
	v20 =	vadd.s32 $0x8, v11  }
0x283: {  	v25 =	vld.idx.msk [tilespmem:v25+s2+$0x0], $0xffff;
	[tilespmem:v26+s16+$0x0] =	vst.idx.msk $0xffff, v22;
	v22 =	vadd.f32 v24, v23;
	v23 =	vor.u32 $0xA, v29  }
0x284: {  	v21 =	vmul.f32 v21, v1;
	v26 =	vmul.f32 v27, v5;
	v27 =	vadd.s32 $0xB, v30;
	v24 =	vld.idx.msk [tilespmem:v51+s2+$0x0], $0xffff  }
0x285: {  	v54 =	vld.idx.msk [tilespmem:v19+s2+$0x0], $0xffff;
	v19 =	vadd.s32 $0xB, v28;
	[tilespmem:v52+s16+$0x0] =	vst.idx.msk $0xffff, v22  }
0x286: {  	v21 =	vadd.f32 v26, v21;
	v26 =	vadd.s32 $0x10, v18;
	v22 =	vld.idx.msk [tilespmem:v53+s2+$0x0], $0xffff  }
0x287: {  	v33 =	vld.idx.msk [tilespmem:v20+s2+$0x0], $0xffff;
	vm14 =	vlt.s32 v26, $0x14D40  }
0x288: {  	v63 =	vadd.s32 $0xC, v30;
	v20 =	vnsel vm14, $0x14D40, v26;
	[tilespmem:v23+s16+$0x0] =	vst.idx.msk $0xffff, v21;
	v21 =	vor.u32 $0x2, v16  }
0x289: {  	v62 =	vadd.s32 $0x9, v11;
	v25 =	vmul.f32 v25, v15;
	v26 =	vld.idx.msk [tilespmem:v27+s2+$0x0], $0xffff;
	v27 =	vmul.f32 v31, v12  }
0x28a: {  	s28 =	sadd.s32 $0x10, s26;
	v57 =	vor.u32 $0x5, v9;
	v56 =	vadd.s32 $0x3, v17;
	v23 =	vadd.s32 $0x3, v14;
	v31 =	vld.idx.msk [tilespmem:v19+s2+$0x0], $0xffff  }
0x28b: {  	v19 =	vld [tilespmem:s28+$0x0];
	v24 =	vmul.f32 v24, v6;
	v25 =	vadd.f32 v25, v27;
	v27 =	vmul.f32 v54, v8  }
0x28c: {  	v58 =	vadd.s32 $0x6, v10;
	v59 =	vld.idx.msk [tilespmem:v18+s2+$0x0], $0xffff;
	v22 =	vmul.f32 v22, v2;
	v33 =	vmul.f32 v33, v3  }
0x28d: {  	v55 =	vor.u32 $0x8, v4;
	v60 =	vadd.s32 $0x6, v13;
	v61 =	vld.idx.msk [tilespmem:v20+s2+$0x0], $0xffff;
	[tilespmem:v21+s16+$0x0] =	vst.idx.msk $0xffff, v25;
	v21 =	vadd.f32 v27, v24  }
0x28e: {  	s30 =	simm.s32 $0x40;
	v24 =	vadd.s32 $0x9, v7;
	v25 =	vor.u32 $0xB, v29;
	v27 =	vadd.f32 v33, v22  }
0x28f: {  	v22 =	vmov s30;
	v23 =	vld.idx.msk [tilespmem:v23+s2+$0x0], $0xffff;
	v26 =	vmul.f32 v26, v1;
	v31 =	vmul.f32 v31, v5  }
0x290: {  	v43 =	vadd.s32 $0xC, v28;
	v35 =	vld.idx.msk [tilespmem:v56+s2+$0x0], $0xffff;
	v22 =	vshll.u32 v22, $0x7;
	[tilespmem:v57+s16+$0x0] =	vst.idx.msk $0xffff, v21;
	v21 =	vsub.f32 $1.000000000e+00, v19  }
0x291: {  	v44 =	vadd.s32 $0x1, v18;
	v22 =	vor.u32 v0, v22;
	v36 =	vld.idx.msk [tilespmem:v58+s2+$0x0], $0xffff;
	v26 =	vadd.f32 v31, v26  }
0x292: {  	[tilespmem:v55+s16+$0x0] =	vst.idx.msk $0xffff, v27;
	v27 =	vld.idx.msk [tilespmem:v60+s2+$0x0], $0xffff;
	v31 =	vmul.f32 v59, v19;
	v45 =	vmul.f32 v61, v21  }
0x293: {  	v33 =	vld.idx.msk [tilespmem:v62+s2+$0x0], $0xffff;
	[tilespmem:v25+s16+$0x0] =	vst.idx.msk $0xffff, v26;
	v25 =	vadd.s32 $0x1, v20  }
0x294: {  	v46 =	vor.u32 $0x3, v16;
	v47 =	vadd.s32 $0x4, v14;
	v24 =	vld.idx.msk [tilespmem:v24+s2+$0x0], $0xffff;
	v31 =	vadd.f32 v45, v31  }
0x295: {  	v48 =	vor.u32 $0x6, v9;
	v26 =	vld.idx.msk [tilespmem:v63+s2+$0x0], $0xffff;
	v23 =	vmul.f32 v23, v12;
	v35 =	vmul.f32 v35, v15  }
0x296: {  	v49 =	vadd.s32 $0x7, v10;
	v50 =	vadd.s32 $0x7, v13;
	v37 =	vld.idx.msk [tilespmem:v43+s2+$0x0], $0xffff;
	[tilespmem:v22+s16+$0x0] =	vst.idx.msk $0xffff, v31;
	v31 =	vadd.s32 $0x4, v17  }
0x297: {  	v36 =	vmul.f32 v36, v6;
	v27 =	vmul.f32 v27, v8;
	v23 =	vadd.f32 v35, v23;
	v32 =	vld.idx.msk [tilespmem:v44+s2+$0x0], $0xffff  }
0x298: {  	v51 =	vor.u32 $0x9, v4;
	v52 =	vor.u32 $0xC, v29;
	v33 =	vmul.f32 v33, v3;
	v25 =	vld.idx.msk [tilespmem:v25+s2+$0x0], $0xffff  }
0x299: {  	v27 =	vadd.f32 v27, v36;
	[tilespmem:v46+s16+$0x0] =	vst.idx.msk $0xffff, v23;
	v23 =	vadd.s32 $0xA, v7;
	v24 =	vmul.f32 v24, v2  }
0x29a: {  	v53 =	vadd.s32 $0xD, v30;
	v54 =	vadd.s32 $0xA, v11;
	v38 =	vld.idx.msk [tilespmem:v47+s2+$0x0], $0xffff;
	v26 =	vmul.f32 v26, v1  }
0x29b: {  	[tilespmem:v48+s16+$0x0] =	vst.idx.msk $0xffff, v27;
	v24 =	vadd.f32 v33, v24;
	v27 =	vld.idx.msk [tilespmem:v31+s2+$0x0], $0xffff;
	v31 =	vmul.f32 v37, v5  }
0x29c: {  	v57 =	vadd.s32 $0xD, v28;
	v55 =	vor.u32 $0x1, v22;
	v56 =	vld.idx.msk [tilespmem:v49+s2+$0x0], $0xffff;
	v32 =	vmul.f32 v32, v19  }
0x29d: {  	v35 =	vld.idx.msk [tilespmem:v50+s2+$0x0], $0xffff;
	[tilespmem:v51+s16+$0x0] =	vst.idx.msk $0xffff, v24;
	v26 =	vadd.f32 v31, v26;
	v25 =	vmul.f32 v25, v21  }
0x29e: {  	v31 =	vadd.s32 $0x2, v18;
	v23 =	vld.idx.msk [tilespmem:v23+s2+$0x0], $0xffff  }
0x29f: {  	v58 =	vld.idx.msk [tilespmem:v54+s2+$0x0], $0xffff;
	[tilespmem:v52+s16+$0x0] =	vst.idx.msk $0xffff, v26;
	v24 =	vadd.f32 v25, v32;
	v25 =	vadd.s32 $0x2, v20;
	v26 =	vor.u32 $0x4, v16  }
0x2a0: {  	v60 =	vadd.s32 $0x5, v14;
	v59 =	vmul.f32 v38, v12;
	v27 =	vmul.f32 v27, v15;
	v36 =	vld.idx.msk [tilespmem:v53+s2+$0x0], $0xffff  }
0x2a1: {  	s31 =	simm.s32 $0x50;
	s26 =	sadd.s32 $0x10, s25;
	v62 =	vor.u32 $0x7, v9;
	v61 =	vadd.s32 $0x5, v17;
	v63 =	vadd.s32 $0x8, v10;
	v39 =	vld.idx.msk [tilespmem:v57+s2+$0x0], $0xffff  }
0x2a2: {  	v46 =	vmov s31;
	v47 =	vadd.s32 $0x8, v13;
	[tilespmem:v55+s16+$0x0] =	vst.idx.msk $0xffff, v24;
	v24 =	vld [tilespmem:s26+$0x0];
	v27 =	vadd.f32 v27, v59  }
0x2a3: {  	v37 =	vshll.u32 v46, $0x7;
	v45 =	vmul.f32 v56, v6;
	v35 =	vmul.f32 v35, v8;
	v31 =	vld.idx.msk [tilespmem:v31+s2+$0x0], $0xffff  }
0x2a4: {  	v49 =	vadd.s32 $0xB, v7;
	v50 =	vadd.s32 $0xB, v11;
	v23 =	vmul.f32 v23, v2;
	v48 =	vld.idx.msk [tilespmem:v25+s2+$0x0], $0xffff;
	[tilespmem:v26+s16+$0x0] =	vst.idx.msk $0xffff, v27  }
0x2a5: {  	v32 =	vmul.f32 v58, v3;
	v25 =	vadd.f32 v35, v45;
	v26 =	vor.u32 $0xA, v4;
	v27 =	vld.idx.msk [tilespmem:v60+s2+$0x0], $0xffff  }
0x2a6: {  	s28 =	sadd.s32 $0x10, s28;
	v46 =	vadd.s32 $0x4, v20;
	v51 =	vor.u32 $0xD, v29;
	v54 =	vadd.s32 $0xE, v28;
	v33 =	vld.idx.msk [tilespmem:v61+s2+$0x0], $0xffff  }
0x2a7: {  	v52 =	vadd.s32 $0xE, v30;
	v30 =	vadd.s32 $0xF, v30;
	v32 =	vadd.f32 v32, v23;
	[tilespmem:v62+s16+$0x0] =	vst.idx.msk $0xffff, v25;
	v25 =	vld [tilespmem:s28+$0x0]  }
0x2a8: {  	v36 =	vmul.f32 v36, v1;
	v39 =	vmul.f32 v39, v5;
	v53 =	vadd.s32 $0x10, v24;
	v41 =	vld.idx.msk [tilespmem:v63+s2+$0x0], $0xffff  }
0x2a9: {  	v56 =	vadd.s32 $0x6, v17;
	v55 =	vor.u32 $0x8, v9;
	v42 =	vld.idx.msk [tilespmem:v47+s2+$0x0], $0xffff;
	vm15 =	vlt.s32 v53, $0x14D40  }
0x2aa: {  	v58 =	vor.u32 $0x2, v22;
	v57 =	vadd.f32 v39, v36;
	[tilespmem:v26+s16+$0x0] =	vst.idx.msk $0xffff, v32;
	v26 =	vnsel vm15, $0x14D40, v53;
	v53 =	vld.idx.msk [tilespmem:v24+s2+$0x0], $0xffff  }
0x2ab: {  	v59 =	vadd.s32 $0x3, v18;
	v31 =	vmul.f32 v31, v19;
	v60 =	vmul.f32 v48, v21;
	v34 =	vld.idx.msk [tilespmem:v49+s2+$0x0], $0xffff  }
0x2ac: {  	v23 =	vor.u32 v0, v37;
	v45 =	vadd.s32 $0x4, v18;
	v61 =	vadd.s32 $0x3, v20;
	[tilespmem:v51+s16+$0x0] =	vst.idx.msk $0xffff, v57;
	v35 =	vld.idx.msk [tilespmem:v50+s2+$0x0], $0xffff  }
0x2ad: {  	v62 =	vor.u32 $0x5, v16;
	v63 =	vadd.s32 $0x6, v14;
	v40 =	vld.idx.msk [tilespmem:v52+s2+$0x0], $0xffff;
	v31 =	vadd.f32 v60, v31  }
0x2ae: {  	v51 =	vadd.s32 $0xF, v28;
	v27 =	vmul.f32 v27, v12;
	v33 =	vmul.f32 v33, v15;
	v52 =	vld.idx.msk [tilespmem:v54+s2+$0x0], $0xffff  }
0x2af: {  	v41 =	vmul.f32 v41, v6;
	v42 =	vmul.f32 v42, v8;
	[tilespmem:v58+s16+$0x0] =	vst.idx.msk $0xffff, v31;
	v47 =	vld.idx.msk [tilespmem:v26+s2+$0x0], $0xffff  }
0x2b0: {  	v54 =	vadd.s32 $0xC, v7;
	v27 =	vadd.f32 v33, v27;
	v31 =	vadd.s32 $0x9, v10;
	v37 =	vld.idx.msk [tilespmem:v59+s2+$0x0], $0xffff  }
0x2b1: {  	v33 =	vor.u32 $0xB, v4;
	v58 =	vadd.s32 $0x9, v13;
	v57 =	vadd.f32 v42, v41;
	v48 =	vld.idx.msk [tilespmem:v61+s2+$0x0], $0xffff  }
0x2b2: {  	[tilespmem:v62+s16+$0x0] =	vst.idx.msk $0xffff, v27;
	v61 =	vor.u32 $0xE, v29;
	v59 =	vmul.f32 v34, v2;
	v60 =	vmul.f32 v35, v3  }
0x2b3: {  	v27 =	vsub.f32 $1.000000000e+00, v25;
	v62 =	vadd.s32 $0xC, v11;
	v43 =	vld.idx.msk [tilespmem:v63+s2+$0x0], $0xffff;
	v39 =	vmul.f32 v52, v5  }
0x2b4: {  	v63 =	vld.idx.msk [tilespmem:v56+s2+$0x0], $0xffff;
	[tilespmem:v55+s16+$0x0] =	vst.idx.msk $0xffff, v57;
	v55 =	vmul.f32 v40, v1;
	v32 =	vadd.f32 v60, v59  }
0x2b5: {  	v28 =	vor.u32 $0xF, v29;
	v56 =	vmul.f32 v53, v25;
	v57 =	vadd.s32 $0x1, v24;
	v35 =	vld.idx.msk [tilespmem:v31+s2+$0x0], $0xffff  }
0x2b6: {  	v36 =	vld.idx.msk [tilespmem:v58+s2+$0x0], $0xffff;
	v58 =	vadd.f32 v39, v55;
	v31 =	vmul.f32 v47, v27;
	[tilespmem:v33+s16+$0x0] =	vst.idx.msk $0xffff, v32  }
0x2b7: {  	v52 =	vor.u32 $0x3, v22;
	v59 =	vadd.s32 $0x1, v26;
	v60 =	vmul.f32 v37, v19;
	v32 =	vld.idx.msk [tilespmem:v54+s2+$0x0], $0xffff  }
0x2b8: {  	v34 =	vld.idx.msk [tilespmem:v62+s2+$0x0], $0xffff;
	[tilespmem:v61+s16+$0x0] =	vst.idx.msk $0xffff, v58;
	v61 =	vmul.f32 v48, v21;
	v40 =	vadd.f32 v31, v56  }
0x2b9: {  	v41 =	vor.u32 $0x6, v16;
	v62 =	vmul.f32 v43, v12;
	v63 =	vmul.f32 v63, v15;
	v29 =	vld.idx.msk [tilespmem:v30+s2+$0x0], $0xffff  }
0x2ba: {  	v38 =	vor.u32 $0x9, v9;
	v30 =	vld.idx.msk [tilespmem:v51+s2+$0x0], $0xffff;
	v33 =	vadd.f32 v61, v60;
	[tilespmem:v23+s16+$0x0] =	vst.idx.msk $0xffff, v40;
	v40 =	vadd.s32 $0x7, v14  }
0x2bb: {  	v44 =	vor.u32 $0x1, v23;
	v42 =	vadd.s32 $0x7, v17;
	v39 =	vadd.s32 $0xA, v10;
	v47 =	vld.idx.msk [tilespmem:v57+s2+$0x0], $0xffff  }
0x2bc: {  	s29 =	simm.s32 $0x60;
	s25 =	sshllo.u32 s24, $0x1;
	v31 =	vor.u32 $0xC, v4;
	v43 =	vadd.f32 v63, v62;
	v48 =	vld.idx.msk [tilespmem:v59+s2+$0x0], $0xffff;
	[tilespmem:v52+s16+$0x0] =	vst.idx.msk $0xffff, v33;
	v33 =	vadd.s32 $0xD, v7  }
.LBB2_7:
0x2bd: {  	p0 =	sne.s32 s29, $0x70;
	v45 =	vld.idx.msk [tilespmem:v45+s2+$0x0], $0xffff;
	v35 =	vmul.f32 v35, v6;
	v36 =	vmul.f32 v36, v8;
	v49 =	vadd.s32 $0xA, v13;
	v37 =	vmovc v13  }
0x2be: {  	v32 =	vmul.f32 v32, v2;
	v34 =	vmul.f32 v34, v3;
	v13 =	vld.idx.msk [tilespmem:v46+s2+$0x0], $0xffff;
	[tilespmem:v41+s16+$0x0] =	vst.idx.msk $0xffff, v43  }
0x2bf: {  	v29 =	vmul.f32 v29, v1;
	v5 =	vmul.f32 v30, v5;
	v40 =	vld.idx.msk [tilespmem:v40+s2+$0x0], $0xffff;
	v35 =	vadd.f32 v36, v35  }
0x2c0: {  	v1 =	vmovc v2;
	v30 =	vmul.f32 v47, v25;
	v32 =	vadd.f32 v34, v32;
	v34 =	vadd.s32 $0xD, v11;
	v36 =	vld.idx.msk [tilespmem:v42+s2+$0x0], $0xffff  }
0x2c1: {  	v2 =	vmovc v6;
	v41 =	vmov s29;
	v42 =	vmul.f32 v48, v27;
	v5 =	vadd.f32 v5, v29;
	[tilespmem:v38+s16+$0x0] =	vst.idx.msk $0xffff, v35  }
0x2c2: {  	v6 =	vmovc v12;
	v12 =	vmov v19;
	v29 =	vshll.u32 v41, $0x7;
	v35 =	vadd.s32 $0x2, v24;
	v38 =	vld.idx.msk [tilespmem:v39+s2+$0x0], $0xffff;
	[tilespmem:v31+s16+$0x0] =	vst.idx.msk $0xffff, v32  }
0x2c3: {  	v30 =	vadd.f32 v42, v30;
	v31 =	vadd.s32 $0x2, v26;
	v32 =	vor.u32 $0x4, v22;
	v39 =	vld.idx.msk [tilespmem:v49+s2+$0x0], $0xffff;
	[tilespmem:v28+s16+$0x0] =	vst.idx.msk $0xffff, v5  }
0x2c4: {  	v19 =	vmovc v25;
	v41 =	vadd.s32 $0x5, v18;
	v45 =	vmul.f32 v45, v12;
	v28 =	vmul.f32 v13, v21;
	v42 =	vld.idx.msk [tilespmem:v33+s2+$0x0], $0xffff  }
0x2c5: {  	s26 =	sadd.s32 $0x10, s26;
	v43 =	vadd.s32 $0x8, v14;
	v25 =	vadd.s32 $0x5, v20;
	v13 =	vmovc v17;
	[tilespmem:v44+s16+$0x0] =	vst.idx.msk $0xffff, v30;
	v30 =	vor.u32 $0x7, v16;
	v34 =	vld.idx.msk [tilespmem:v34+s2+$0x0], $0xffff  }
0x2c6: {  	v17 =	vmovc v20;
	v40 =	vmul.f32 v40, v6;
	v28 =	vadd.f32 v28, v45;
	v36 =	vmul.f32 v36, v15;
	v44 =	vld [tilespmem:s26+$0x0]  }
0x2c7: {  	v20 =	vmovc v26;
	v33 =	vor.u32 v0, v29;
	v5 =	vmovc v3;
	v3 =	vmov v8;
	v29 =	vld.idx.msk [tilespmem:v35+s2+$0x0], $0xffff;
	v35 =	vadd.s32 $0x8, v13  }
0x2c8: {  	v8 =	vmov v15;
	v26 =	vadd.f32 v36, v40;
	v31 =	vld.idx.msk [tilespmem:v31+s2+$0x0], $0xffff;
	[tilespmem:v32+s16+$0x0] =	vst.idx.msk $0xffff, v28;
	v28 =	vor.u32 $0xA, v9  }
0x2c9: {  	v15 =	vmovc v21;
	v36 =	vmul.f32 v38, v2;
	v38 =	vmul.f32 v39, v3;
	v39 =	vadd.s32 $0xB, v10;
	v32 =	vld.idx.msk [tilespmem:v41+s2+$0x0], $0xffff  }
0x2ca: {  	v45 =	vadd.s32 $0xE, v7;
	v21 =	vmovc v27;
	v41 =	vor.u32 $0xD, v4;
	v40 =	vld.idx.msk [tilespmem:v25+s2+$0x0], $0xffff;
	[tilespmem:v30+s16+$0x0] =	vst.idx.msk $0xffff, v26;
	v30 =	vadd.s32 $0xB, v37  }
0x2cb: {  	v26 =	vadd.f32 v38, v36;
	v36 =	vmul.f32 v42, v1;
	v34 =	vmul.f32 v34, v5;
	v27 =	vld.idx.msk [tilespmem:v43+s2+$0x0], $0xffff  }
0x2cc: {  	s28 =	sadd.s32 $0x10, s28;
	v42 =	vadd.s32 $0xE, v11;
	v38 =	vadd.s32 $0x10, v44;
	v43 =	vor.u32 $0xE, v4;
	v35 =	vld.idx.msk [tilespmem:v35+s2+$0x0], $0xffff  }
0x2cd: {  	v46 =	vor.u32 $0x8, v16;
	vm0 =	vlt.s32 v38, $0x14D40;
	v25 =	vld [tilespmem:s28+$0x0];
	[tilespmem:v28+s16+$0x0] =	vst.idx.msk $0xffff, v26;
	v28 =	vadd.f32 v34, v36  }
0x2ce: {  	v26 =	vnsel vm0, $0x14D40, v38;
	v34 =	vor.u32 $0x2, v23;
	v36 =	vadd.s32 $0x3, v24;
	v38 =	vld.idx.msk [tilespmem:v39+s2+$0x0], $0xffff  }
0x2cf: {  	v29 =	vmul.f32 v29, v19;
	v31 =	vmul.f32 v31, v21;
	v30 =	vld.idx.msk [tilespmem:v30+s2+$0x0], $0xffff;
	[tilespmem:v41+s16+$0x0] =	vst.idx.msk $0xffff, v28  }
0x2d0: {  	v39 =	vor.u32 $0x5, v22;
	v28 =	vadd.s32 $0x3, v20;
	v41 =	vadd.s32 $0x6, v18;
	v45 =	vld.idx.msk [tilespmem:v45+s2+$0x0], $0xffff  }
0x2d1: {  	v29 =	vadd.f32 v31, v29;
	v31 =	vmul.f32 v32, v12;
	v32 =	vmul.f32 v40, v15;
	v40 =	vld.idx.msk [tilespmem:v42+s2+$0x0], $0xffff  }
0x2d2: {  	v47 =	vadd.s32 $0x6, v17;
	v27 =	vmul.f32 v27, v6;
	v35 =	vmul.f32 v35, v8;
	v42 =	vld.idx.msk [tilespmem:v44+s2+$0x0], $0xffff  }
0x2d3: {  	v48 =	vld.idx.msk [tilespmem:v26+s2+$0x0], $0xffff;
	[tilespmem:v34+s16+$0x0] =	vst.idx.msk $0xffff, v29;
	v29 =	vadd.f32 v32, v31;
	v31 =	vadd.s32 $0x9, v14;
	v32 =	vor.u32 $0xB, v9  }
0x2d4: {  	v50 =	vadd.s32 $0xC, v10;
	v34 =	vadd.f32 v35, v27;
	v49 =	vld.idx.msk [tilespmem:v36+s2+$0x0], $0xffff;
	v36 =	vadd.s32 $0x9, v13  }
0x2d5: {  	v51 =	vld.idx.msk [tilespmem:v28+s2+$0x0], $0xffff;
	[tilespmem:v39+s16+$0x0] =	vst.idx.msk $0xffff, v29;
	v28 =	vmul.f32 v38, v2;
	v29 =	vmul.f32 v30, v3  }
0x2d6: {  	v27 =	vsub.f32 $1.000000000e+00, v25;
	v30 =	vadd.s32 $0xC, v37;
	v39 =	vadd.s32 $0xF, v7;
	v7 =	vmovc v10;
	v38 =	vld.idx.msk [tilespmem:v41+s2+$0x0], $0xffff;
	[tilespmem:v46+s16+$0x0] =	vst.idx.msk $0xffff, v34  }
0x2d7: {  	v34 =	vmul.f32 v40, v5;
	v52 =	vld.idx.msk [tilespmem:v47+s2+$0x0], $0xffff;
	v28 =	vadd.f32 v29, v28;
	v29 =	vmul.f32 v45, v1  }
0x2d8: {  	v11 =	vadd.s32 $0xF, v11;
	v10 =	vmovc v14;
	v14 =	vmovc v18;
	v40 =	vmul.f32 v42, v25;
	v42 =	vadd.s32 $0x1, v44;
	v35 =	vld.idx.msk [tilespmem:v31+s2+$0x0], $0xffff  }
0x2d9: {  	v31 =	vmul.f32 v48, v27;
	v36 =	vld.idx.msk [tilespmem:v36+s2+$0x0], $0xffff;
	[tilespmem:v32+s16+$0x0] =	vst.idx.msk $0xffff, v28;
	v29 =	vadd.f32 v34, v29  }
0x2da: {  	v18 =	vmovc v24;
	v24 =	vmovc v44;
	v48 =	vadd.s32 $0x1, v26;
	v28 =	vor.u32 $0xF, v4;
	v4 =	vmov v9;
	v32 =	vld.idx.msk [tilespmem:v50+s2+$0x0], $0xffff  }
0x2db: {  	v40 =	vadd.f32 v31, v40;
	v50 =	vor.u32 $0x3, v23;
	v31 =	vor.u32 $0xC, v4;
	v34 =	vld.idx.msk [tilespmem:v30+s2+$0x0], $0xffff;
	[tilespmem:v43+s16+$0x0] =	vst.idx.msk $0xffff, v29  }
.Ltmp2:
0x2dc: {  	v45 =	vadd.s32 $0x4, v18;
	v9 =	vmovc v16;
	v44 =	vmul.f32 v51, v21;
	v43 =	vmul.f32 v49, v19;
	v29 =	vld.idx.msk [tilespmem:v39+s2+$0x0], $0xffff;
	(pc) =	sbr.rel @p0 .LBB2_7-.Ltmp2, $4  }
0x2dd: {  	v46 =	vadd.s32 $0x4, v20;
	v41 =	vor.u32 $0x6, v22;
	v16 =	vmovc v22;
	[tilespmem:v33+s16+$0x0] =	vst.idx.msk $0xffff, v40;
	v40 =	vadd.s32 $0x7, v14;
	v30 =	vld.idx.msk [tilespmem:v11+s2+$0x0], $0xffff  }
0x2de: {  	v39 =	vmul.f32 v38, v12;
	v49 =	vadd.f32 v44, v43;
	v43 =	vmul.f32 v52, v15;
	v47 =	vld.idx.msk [tilespmem:v42+s2+$0x0], $0xffff  }
0x2df: {  	v22 =	vmovc v23;
	v23 =	vmovc v33;
	v38 =	vor.u32 $0x9, v9;
	v44 =	vor.u32 $0x1, v33;
	v42 =	vadd.s32 $0x7, v17;
	v48 =	vld.idx.msk [tilespmem:v48+s2+$0x0], $0xffff  }
0x2e0: {  	s29 =	sadd.s32 $0x10, s29;
	v33 =	vadd.s32 $0xD, v7;
	v11 =	vmovc v37;
	v43 =	vadd.f32 v43, v39;
	v39 =	vadd.s32 $0xA, v10;
	[tilespmem:v50+s16+$0x0] =	vst.idx.msk $0xffff, v49  }
0x2e1: {  	_ =	sdelay $0x2  }
0x2e2: {  	v63 =	vadd.s32 $0x2, v24;
	v37 =	vmul.f32 v47, v25;
	v62 =	vmul.f32 v48, v27  }
0x2e3: {  	v49 =	vadd.s32 $0x2, v26  }
0x2e4: {  	v37 =	vadd.f32 v62, v37;
	_ =	sdelay $0x1  }
0x2e5: {  	[tilespmem:v44+s16+$0x0] =	vst.idx.msk $0xffff, v37  }
0x2e6: {  	v37 =	vld.idx.msk [tilespmem:v63+s2+$0x0], $0xffff  }
0x2e7: {  	v44 =	vld.idx.msk [tilespmem:v49+s2+$0x0], $0xffff;
	_ =	sdelay $0x3  }
0x2e8: {  	v52 =	vor.u32 $0x2, v23  }
0x2e9: {  	v53 =	vadd.s32 $0x3, v24;
	v37 =	vmul.f32 v37, v25;
	v44 =	vmul.f32 v44, v27  }
0x2ea: {  	v54 =	vadd.s32 $0x3, v26  }
0x2eb: {  	v37 =	vadd.f32 v44, v37;
	_ =	sdelay $0x1  }
0x2ec: {  	[tilespmem:v52+s16+$0x0] =	vst.idx.msk $0xffff, v37  }
0x2ed: {  	v37 =	vld.idx.msk [tilespmem:v53+s2+$0x0], $0xffff  }
0x2ee: {  	v55 =	vld.idx.msk [tilespmem:v54+s2+$0x0], $0xffff;
	_ =	sdelay $0x3  }
0x2ef: {  	v56 =	vor.u32 $0x3, v23  }
0x2f0: {  	v57 =	vadd.s32 $0x4, v24;
	v37 =	vmul.f32 v37, v25;
	v44 =	vmul.f32 v55, v27  }
0x2f1: {  	v58 =	vadd.s32 $0x4, v26  }
0x2f2: {  	v45 =	vld.idx.msk [tilespmem:v45+s2+$0x0], $0xffff;
	v37 =	vadd.f32 v44, v37  }
0x2f3: {  	v59 =	vld.idx.msk [tilespmem:v46+s2+$0x0], $0xffff  }
0x2f4: {  	[tilespmem:v56+s16+$0x0] =	vst.idx.msk $0xffff, v37  }
0x2f5: {  	v37 =	vld.idx.msk [tilespmem:v57+s2+$0x0], $0xffff  }
0x2f6: {  	v60 =	vld.idx.msk [tilespmem:v58+s2+$0x0], $0xffff  }
0x2f7: {  	v61 =	vor.u32 $0x4, v22  }
0x2f8: {  	v45 =	vmul.f32 v45, v19;
	v62 =	vadd.s32 $0x5, v18;
	v44 =	vmul.f32 v59, v21  }
0x2f9: {  	v63 =	vadd.s32 $0x5, v20  }
0x2fa: {  	v52 =	vor.u32 $0x4, v23;
	v44 =	vadd.f32 v44, v45  }
0x2fb: {  	v50 =	vadd.s32 $0x5, v24;
	v37 =	vmul.f32 v37, v25;
	v46 =	vmul.f32 v60, v27  }
0x2fc: {  	v53 =	vadd.s32 $0x5, v26;
	[tilespmem:v61+s16+$0x0] =	vst.idx.msk $0xffff, v44  }
0x2fd: {  	v47 =	vld.idx.msk [tilespmem:v62+s2+$0x0], $0xffff;
	v37 =	vadd.f32 v46, v37  }
0x2fe: {  	v54 =	vld.idx.msk [tilespmem:v63+s2+$0x0], $0xffff  }
0x2ff: {  	[tilespmem:v52+s16+$0x0] =	vst.idx.msk $0xffff, v37  }
0x300: {  	v37 =	vld.idx.msk [tilespmem:v50+s2+$0x0], $0xffff  }
0x301: {  	v44 =	vld.idx.msk [tilespmem:v53+s2+$0x0], $0xffff  }
0x302: {  	v55 =	vor.u32 $0x5, v22  }
0x303: {  	v56 =	vadd.s32 $0x6, v18;
	v47 =	vmul.f32 v47, v19;
	v46 =	vmul.f32 v54, v21  }
0x304: {  	v57 =	vadd.s32 $0x6, v20  }
0x305: {  	v58 =	vor.u32 $0x5, v23;
	v46 =	vadd.f32 v46, v47  }
0x306: {  	v59 =	vadd.s32 $0x6, v24;
	v37 =	vmul.f32 v37, v25;
	v44 =	vmul.f32 v44, v27  }
0x307: {  	v60 =	vadd.s32 $0x6, v26;
	[tilespmem:v55+s16+$0x0] =	vst.idx.msk $0xffff, v46  }
0x308: {  	v61 =	vld.idx.msk [tilespmem:v56+s2+$0x0], $0xffff;
	v37 =	vadd.f32 v44, v37  }
0x309: {  	v46 =	vld.idx.msk [tilespmem:v57+s2+$0x0], $0xffff  }
0x30a: {  	[tilespmem:v58+s16+$0x0] =	vst.idx.msk $0xffff, v37  }
0x30b: {  	v37 =	vld.idx.msk [tilespmem:v59+s2+$0x0], $0xffff  }
0x30c: {  	v45 =	vld.idx.msk [tilespmem:v60+s2+$0x0], $0xffff  }
0x30d: {  	v62 =	vor.u32 $0x6, v22  }
0x30e: {  	v63 =	vadd.s32 $0x7, v18;
	v44 =	vmul.f32 v61, v19;
	v46 =	vmul.f32 v46, v21  }
0x30f: {  	[tilespmem:v41+s16+$0x0] =	vst.idx.msk $0xffff, v43;
	v49 =	vadd.s32 $0x7, v20  }
0x310: {  	v51 =	vor.u32 $0x6, v23;
	v40 =	vld.idx.msk [tilespmem:v40+s2+$0x0], $0xffff;
	v50 =	vadd.f32 v46, v44  }
0x311: {  	v42 =	vld.idx.msk [tilespmem:v42+s2+$0x0], $0xffff;
	v52 =	vadd.s32 $0x7, v24;
	v37 =	vmul.f32 v37, v25;
	v45 =	vmul.f32 v45, v27  }
0x312: {  	v53 =	vadd.s32 $0x7, v26;
	[tilespmem:v62+s16+$0x0] =	vst.idx.msk $0xffff, v50  }
0x313: {  	v47 =	vld.idx.msk [tilespmem:v63+s2+$0x0], $0xffff;
	v37 =	vadd.f32 v45, v37  }
0x314: {  	v41 =	vld.idx.msk [tilespmem:v49+s2+$0x0], $0xffff  }
0x315: {  	[tilespmem:v51+s16+$0x0] =	vst.idx.msk $0xffff, v37  }
0x316: {  	v40 =	vmul.f32 v40, v12;
	v42 =	vmul.f32 v42, v15;
	v54 =	vor.u32 $0x7, v16;
	v44 =	vld.idx.msk [tilespmem:v52+s2+$0x0], $0xffff  }
0x317: {  	v56 =	vadd.s32 $0x8, v17;
	v43 =	vld.idx.msk [tilespmem:v53+s2+$0x0], $0xffff  }
0x318: {  	v40 =	vadd.f32 v42, v40;
	v55 =	vadd.s32 $0x8, v14;
	v57 =	vor.u32 $0x7, v22  }
0x319: {  	v58 =	vadd.s32 $0x8, v18;
	v47 =	vmul.f32 v47, v19;
	v41 =	vmul.f32 v41, v21  }
0x31a: {  	v59 =	vadd.s32 $0x8, v20  }
0x31b: {  	[tilespmem:v54+s16+$0x0] =	vst.idx.msk $0xffff, v40;
	v60 =	vor.u32 $0x7, v23;
	v41 =	vadd.f32 v41, v47  }
0x31c: {  	v61 =	vadd.s32 $0x8, v24;
	v46 =	vld.idx.msk [tilespmem:v56+s2+$0x0], $0xffff;
	v44 =	vmul.f32 v44, v25;
	v43 =	vmul.f32 v43, v27  }
0x31d: {  	v62 =	vadd.s32 $0x8, v26;
	v37 =	vld.idx.msk [tilespmem:v55+s2+$0x0], $0xffff;
	[tilespmem:v57+s16+$0x0] =	vst.idx.msk $0xffff, v41  }
0x31e: {  	v42 =	vld.idx.msk [tilespmem:v58+s2+$0x0], $0xffff;
	v43 =	vadd.f32 v43, v44  }
0x31f: {  	v40 =	vld.idx.msk [tilespmem:v59+s2+$0x0], $0xffff  }
0x320: {  	[tilespmem:v60+s16+$0x0] =	vst.idx.msk $0xffff, v43  }
0x321: {  	v63 =	vor.u32 $0x8, v16;
	v53 =	vld.idx.msk [tilespmem:v61+s2+$0x0], $0xffff  }
0x322: {  	v51 =	vmul.f32 v46, v15;
	v52 =	vadd.s32 $0x9, v14;
	v37 =	vmul.f32 v37, v12;
	v41 =	vld.idx.msk [tilespmem:v62+s2+$0x0], $0xffff  }
0x323: {  	v54 =	vadd.s32 $0x9, v17;
	v56 =	vadd.s32 $0x9, v18;
	v55 =	vor.u32 $0x8, v22  }
0x324: {  	v37 =	vadd.f32 v51, v37;
	v42 =	vmul.f32 v42, v19;
	v40 =	vmul.f32 v40, v21  }
0x325: {  	v57 =	vadd.s32 $0x9, v20  }
0x326: {  	v58 =	vor.u32 $0x8, v23;
	[tilespmem:v63+s16+$0x0] =	vst.idx.msk $0xffff, v37;
	v40 =	vadd.f32 v40, v42  }
0x327: {  	v44 =	vld.idx.msk [tilespmem:v52+s2+$0x0], $0xffff;
	v60 =	vadd.s32 $0x9, v24;
	v46 =	vmul.f32 v53, v25;
	v41 =	vmul.f32 v41, v27  }
0x328: {  	v59 =	vld.idx.msk [tilespmem:v54+s2+$0x0], $0xffff;
	v61 =	vadd.s32 $0x9, v26;
	[tilespmem:v55+s16+$0x0] =	vst.idx.msk $0xffff, v40  }
0x329: {  	v43 =	vld.idx.msk [tilespmem:v56+s2+$0x0], $0xffff;
	v41 =	vadd.f32 v41, v46  }
0x32a: {  	v35 =	vmul.f32 v35, v6;
	v36 =	vmul.f32 v36, v8;
	v37 =	vld.idx.msk [tilespmem:v57+s2+$0x0], $0xffff  }
0x32b: {  	v62 =	vadd.s32 $0xA, v13;
	[tilespmem:v58+s16+$0x0] =	vst.idx.msk $0xffff, v41  }
0x32c: {  	v35 =	vadd.f32 v36, v35;
	v63 =	vor.u32 $0x9, v16;
	v51 =	vld.idx.msk [tilespmem:v60+s2+$0x0], $0xffff  }
0x32d: {  	v48 =	vadd.s32 $0xA, v14;
	v49 =	vmul.f32 v44, v12;
	v50 =	vmul.f32 v59, v15;
	v53 =	vld.idx.msk [tilespmem:v61+s2+$0x0], $0xffff  }
0x32e: {  	[tilespmem:v38+s16+$0x0] =	vst.idx.msk $0xffff, v35;
	v52 =	vadd.s32 $0xA, v17;
	v55 =	vor.u32 $0x9, v22;
	v57 =	vadd.s32 $0xA, v18  }
0x32f: {  	v39 =	vld.idx.msk [tilespmem:v39+s2+$0x0], $0xffff;
	v54 =	vadd.f32 v50, v49;
	v43 =	vmul.f32 v43, v19;
	v37 =	vmul.f32 v37, v21  }
0x330: {  	v56 =	vld.idx.msk [tilespmem:v62+s2+$0x0], $0xffff;
	v58 =	vadd.s32 $0xA, v20  }
0x331: {  	v59 =	vor.u32 $0x9, v23;
	[tilespmem:v63+s16+$0x0] =	vst.idx.msk $0xffff, v54;
	v37 =	vadd.f32 v37, v43  }
0x332: {  	v40 =	vld.idx.msk [tilespmem:v48+s2+$0x0], $0xffff;
	v60 =	vadd.s32 $0xA, v24;
	v45 =	vmul.f32 v51, v25;
	v38 =	vmul.f32 v53, v27  }
0x333: {  	v32 =	vmul.f32 v32, v2;
	v62 =	vadd.s32 $0xA, v26;
	v35 =	vld.idx.msk [tilespmem:v52+s2+$0x0], $0xffff;
	[tilespmem:v55+s16+$0x0] =	vst.idx.msk $0xffff, v37  }
0x334: {  	v34 =	vmul.f32 v34, v3;
	v61 =	vor.u32 $0xA, v9;
	v46 =	vld.idx.msk [tilespmem:v57+s2+$0x0], $0xffff;
	v38 =	vadd.f32 v38, v45  }
0x335: {  	v39 =	vmul.f32 v39, v6;
	v48 =	vadd.s32 $0xB, v10;
	v63 =	vmul.f32 v56, v8;
	v36 =	vld.idx.msk [tilespmem:v58+s2+$0x0], $0xffff  }
0x336: {  	v49 =	vadd.s32 $0xB, v13;
	[tilespmem:v59+s16+$0x0] =	vst.idx.msk $0xffff, v38  }
0x337: {  	v32 =	vadd.f32 v34, v32;
	v50 =	vor.u32 $0xA, v16;
	v39 =	vadd.f32 v63, v39;
	v41 =	vld.idx.msk [tilespmem:v60+s2+$0x0], $0xffff  }
0x338: {  	v52 =	vadd.s32 $0xB, v14;
	v35 =	vmul.f32 v35, v15;
	v51 =	vmul.f32 v40, v12;
	v37 =	vld.idx.msk [tilespmem:v62+s2+$0x0], $0xffff  }
0x339: {  	v55 =	vor.u32 $0xA, v22;
	v58 =	vadd.s32 $0xB, v18;
	[tilespmem:v61+s16+$0x0] =	vst.idx.msk $0xffff, v39;
	v53 =	vadd.s32 $0xB, v17  }
0x33a: {  	v54 =	vld.idx.msk [tilespmem:v48+s2+$0x0], $0xffff;
	v35 =	vadd.f32 v35, v51;
	v57 =	vmul.f32 v46, v19;
	v36 =	vmul.f32 v36, v21  }
0x33b: {  	[tilespmem:v31+s16+$0x0] =	vst.idx.msk $0xffff, v32;
	v56 =	vld.idx.msk [tilespmem:v49+s2+$0x0], $0xffff;
	v59 =	vadd.s32 $0xB, v20  }
0x33c: {  	v33 =	vld.idx.msk [tilespmem:v33+s2+$0x0], $0xffff;
	v63 =	vor.u32 $0xA, v23;
	[tilespmem:v50+s16+$0x0] =	vst.idx.msk $0xffff, v35;
	v60 =	vadd.s32 $0xD, v11;
	v62 =	vadd.f32 v36, v57  }
0x33d: {  	v49 =	vadd.s32 $0xB, v24;
	v61 =	vld.idx.msk [tilespmem:v52+s2+$0x0], $0xffff;
	v48 =	vmul.f32 v41, v25;
	v37 =	vmul.f32 v37, v27  }
0x33e: {  	v39 =	vld.idx.msk [tilespmem:v53+s2+$0x0], $0xffff;
	v52 =	vadd.s32 $0xB, v26;
	[tilespmem:v55+s16+$0x0] =	vst.idx.msk $0xffff, v62  }
0x33f: {  	v50 =	vor.u32 $0xB, v9;
	v34 =	vmul.f32 v54, v6;
	v54 =	vld.idx.msk [tilespmem:v58+s2+$0x0], $0xffff;
	v37 =	vadd.f32 v37, v48  }
0x340: {  	v53 =	vmul.f32 v56, v8;
	v55 =	vadd.s32 $0xC, v13;
	v35 =	vld.idx.msk [tilespmem:v59+s2+$0x0], $0xffff  }
0x341: {  	v51 =	vadd.s32 $0xC, v10;
	v42 =	vld.idx.msk [tilespmem:v60+s2+$0x0], $0xffff;
	[tilespmem:v63+s16+$0x0] =	vst.idx.msk $0xffff, v37  }
0x342: {  	v33 =	vmul.f32 v33, v2;
	v56 =	vor.u32 $0xB, v16;
	v34 =	vadd.f32 v53, v34;
	v59 =	vld.idx.msk [tilespmem:v49+s2+$0x0], $0xffff  }
0x343: {  	v57 =	vadd.s32 $0xC, v14;
	v31 =	vmul.f32 v61, v12;
	v58 =	vmul.f32 v39, v15;
	v32 =	vld.idx.msk [tilespmem:v52+s2+$0x0], $0xffff  }
0x344: {  	[tilespmem:v50+s16+$0x0] =	vst.idx.msk $0xffff, v34;
	v61 =	vadd.s32 $0xC, v17;
	v50 =	vadd.s32 $0xC, v20;
	v48 =	vor.u32 $0xB, v22  }
0x345: {  	v31 =	vadd.f32 v58, v31;
	v40 =	vld.idx.msk [tilespmem:v55+s2+$0x0], $0xffff;
	v43 =	vmul.f32 v54, v19;
	v35 =	vmul.f32 v35, v21  }
0x346: {  	v62 =	vadd.s32 $0xE, v7;
	v60 =	vor.u32 $0xD, v4;
	v63 =	vld.idx.msk [tilespmem:v51+s2+$0x0], $0xffff;
	v49 =	vadd.s32 $0xC, v18  }
0x347: {  	[tilespmem:v56+s16+$0x0] =	vst.idx.msk $0xffff, v31;
	v42 =	vmul.f32 v42, v3;
	v52 =	vor.u32 $0xB, v23;
	v35 =	vadd.f32 v35, v43  }
0x348: {  	v53 =	vadd.s32 $0xC, v24;
	v36 =	vld.idx.msk [tilespmem:v57+s2+$0x0], $0xffff;
	v39 =	vmul.f32 v59, v25;
	v32 =	vmul.f32 v32, v27  }
0x349: {  	v55 =	vadd.s32 $0xC, v26;
	v34 =	vld.idx.msk [tilespmem:v61+s2+$0x0], $0xffff;
	v33 =	vadd.f32 v42, v33;
	[tilespmem:v48+s16+$0x0] =	vst.idx.msk $0xffff, v35  }
0x34a: {  	v31 =	vld.idx.msk [tilespmem:v50+s2+$0x0], $0xffff;
	v32 =	vadd.f32 v32, v39  }
0x34b: {  	v58 =	vadd.s32 $0xD, v10;
	v51 =	vadd.s32 $0xE, v11;
	v54 =	vor.u32 $0xC, v9;
	[tilespmem:v60+s16+$0x0] =	vst.idx.msk $0xffff, v33;
	v57 =	vld.idx.msk [tilespmem:v49+s2+$0x0], $0xffff  }
0x34c: {  	v40 =	vmul.f32 v40, v8;
	v56 =	vmul.f32 v63, v6;
	v59 =	vld.idx.msk [tilespmem:v62+s2+$0x0], $0xffff;
	[tilespmem:v52+s16+$0x0] =	vst.idx.msk $0xffff, v32  }
0x34d: {  	v61 =	vor.u32 $0xC, v16;
	v60 =	vadd.s32 $0xD, v13;
	v62 =	vadd.s32 $0xD, v14;
	v43 =	vld.idx.msk [tilespmem:v53+s2+$0x0], $0xffff  }
0x34e: {  	v36 =	vmul.f32 v36, v12;
	v34 =	vmul.f32 v34, v15;
	v37 =	vadd.f32 v40, v56;
	v35 =	vld.idx.msk [tilespmem:v55+s2+$0x0], $0xffff  }
0x34f: {  	v63 =	vadd.s32 $0xD, v17  }
0x350: {  	v48 =	vor.u32 $0xC, v22;
	v38 =	vld.idx.msk [tilespmem:v51+s2+$0x0], $0xffff;
	v34 =	vadd.f32 v34, v36;
	[tilespmem:v54+s16+$0x0] =	vst.idx.msk $0xffff, v37  }
0x351: {  	v49 =	vadd.s32 $0xD, v18;
	v33 =	vld.idx.msk [tilespmem:v58+s2+$0x0], $0xffff;
	v31 =	vmul.f32 v31, v21;
	v50 =	vmul.f32 v57, v19  }
0x352: {  	v51 =	vadd.s32 $0xD, v20;
	v54 =	vadd.s32 $0xD, v24;
	v40 =	vld.idx.msk [tilespmem:v60+s2+$0x0], $0xffff;
	[tilespmem:v61+s16+$0x0] =	vst.idx.msk $0xffff, v34;
	v53 =	vor.u32 $0xC, v23  }
0x353: {  	v32 =	vld.idx.msk [tilespmem:v62+s2+$0x0], $0xffff;
	v31 =	vadd.f32 v31, v50;
	v43 =	vmul.f32 v43, v25;
	v35 =	vmul.f32 v35, v27  }
0x354: {  	v47 =	vadd.s32 $0xE, v14;
	v56 =	vadd.s32 $0xF, v7;
	v44 =	vld.idx.msk [tilespmem:v63+s2+$0x0], $0xffff;
	v55 =	vadd.s32 $0xD, v26  }
0x355: {  	v52 =	vor.u32 $0xE, v4;
	v58 =	vor.u32 $0xD, v9;
	[tilespmem:v48+s16+$0x0] =	vst.idx.msk $0xffff, v31;
	v35 =	vadd.f32 v35, v43  }
0x356: {  	v39 =	vmul.f32 v59, v2;
	v38 =	vmul.f32 v38, v3;
	v59 =	vadd.s32 $0xE, v10;
	v36 =	vld.idx.msk [tilespmem:v49+s2+$0x0], $0xffff  }
0x357: {  	v33 =	vmul.f32 v33, v6;
	v40 =	vmul.f32 v40, v8;
	v34 =	vld.idx.msk [tilespmem:v51+s2+$0x0], $0xffff;
	[tilespmem:v53+s16+$0x0] =	vst.idx.msk $0xffff, v35  }
0x358: {  	v60 =	vadd.s32 $0xE, v13;
	v61 =	vor.u32 $0xD, v16;
	v57 =	vadd.f32 v38, v39;
	v63 =	vld.idx.msk [tilespmem:v54+s2+$0x0], $0xffff  }
0x359: {  	v32 =	vmul.f32 v32, v12;
	v62 =	vmul.f32 v44, v15;
	v33 =	vadd.f32 v40, v33;
	v31 =	vld.idx.msk [tilespmem:v55+s2+$0x0], $0xffff  }
0x35a: {  	[tilespmem:v52+s16+$0x0] =	vst.idx.msk $0xffff, v57;
	v48 =	vadd.s32 $0xE, v17  }
0x35b: {  	v7 =	vld.idx.msk [tilespmem:v56+s2+$0x0], $0xffff;
	v49 =	vor.u32 $0xD, v22;
	v32 =	vadd.f32 v62, v32;
	[tilespmem:v58+s16+$0x0] =	vst.idx.msk $0xffff, v33  }
0x35c: {  	v50 =	vadd.s32 $0xE, v18;
	v38 =	vld.idx.msk [tilespmem:v59+s2+$0x0], $0xffff;
	v36 =	vmul.f32 v36, v19;
	v34 =	vmul.f32 v34, v21  }
0x35d: {  	v51 =	vadd.s32 $0xE, v20;
	v52 =	vld.idx.msk [tilespmem:v60+s2+$0x0], $0xffff;
	[tilespmem:v61+s16+$0x0] =	vst.idx.msk $0xffff, v32;
	v54 =	vor.u32 $0xD, v23;
	v55 =	vadd.s32 $0xE, v24  }
0x35e: {  	v35 =	vld.idx.msk [tilespmem:v47+s2+$0x0], $0xffff;
	v53 =	vadd.f32 v34, v36;
	v56 =	vmul.f32 v63, v25;
	v31 =	vmul.f32 v31, v27  }
0x35f: {  	v57 =	vadd.s32 $0xE, v26;
	v40 =	vld.idx.msk [tilespmem:v48+s2+$0x0], $0xffff  }
0x360: {  	[tilespmem:v49+s16+$0x0] =	vst.idx.msk $0xffff, v53;
	v31 =	vadd.f32 v31, v56  }
0x361: {  	v33 =	vld.idx.msk [tilespmem:v50+s2+$0x0], $0xffff  }
0x362: {  	v41 =	vor.u32 $0xE, v16;
	v58 =	vadd.s32 $0xF, v11;
	v59 =	vor.u32 $0xE, v9;
	v39 =	vld.idx.msk [tilespmem:v51+s2+$0x0], $0xffff;
	[tilespmem:v54+s16+$0x0] =	vst.idx.msk $0xffff, v31  }
0x363: {  	v60 =	vadd.s32 $0xF, v10;
	v38 =	vmul.f32 v38, v6;
	v61 =	vmul.f32 v52, v8;
	v31 =	vld.idx.msk [tilespmem:v55+s2+$0x0], $0xffff  }
0x364: {  	v62 =	vadd.s32 $0xF, v13;
	v35 =	vmul.f32 v35, v12;
	v43 =	vmul.f32 v40, v15;
	v32 =	vld.idx.msk [tilespmem:v57+s2+$0x0], $0xffff  }
0x365: {  	v45 =	vor.u32 $0xE, v22;
	v42 =	vadd.s32 $0xF, v14;
	v63 =	vadd.f32 v61, v38  }
0x366: {  	v44 =	vadd.s32 $0xF, v17;
	v47 =	vadd.s32 $0xF, v18;
	v35 =	vadd.f32 v43, v35  }
0x367: {  	v11 =	vld.idx.msk [tilespmem:v58+s2+$0x0], $0xffff;
	[tilespmem:v59+s16+$0x0] =	vst.idx.msk $0xffff, v63;
	v33 =	vmul.f32 v33, v19;
	v46 =	vmul.f32 v39, v21  }
0x368: {  	v48 =	vadd.s32 $0xF, v20;
	v49 =	vor.u32 $0xE, v23;
	v50 =	vadd.s32 $0xF, v24;
	v10 =	vld.idx.msk [tilespmem:v60+s2+$0x0], $0xffff;
	[tilespmem:v41+s16+$0x0] =	vst.idx.msk $0xffff, v35  }
0x369: {  	v13 =	vld.idx.msk [tilespmem:v62+s2+$0x0], $0xffff;
	v33 =	vadd.f32 v46, v33;
	v31 =	vmul.f32 v31, v25;
	v32 =	vmul.f32 v32, v27  }
0x36a: {  	v51 =	vadd.s32 $0xF, v26;
	v14 =	vld.idx.msk [tilespmem:v42+s2+$0x0], $0xffff  }
0x36b: {  	v17 =	vld.idx.msk [tilespmem:v44+s2+$0x0], $0xffff;
	[tilespmem:v45+s16+$0x0] =	vst.idx.msk $0xffff, v33;
	v31 =	vadd.f32 v32, v31  }
0x36c: {  	v1 =	vmul.f32 v29, v1;
	v18 =	vld.idx.msk [tilespmem:v47+s2+$0x0], $0xffff  }
0x36d: {  	v5 =	vmul.f32 v30, v5;
	v52 =	vor.u32 $0xF, v4;
	v20 =	vld.idx.msk [tilespmem:v48+s2+$0x0], $0xffff;
	[tilespmem:v49+s16+$0x0] =	vst.idx.msk $0xffff, v31  }
0x36e: {  	v2 =	vmul.f32 v7, v2;
	v3 =	vmul.f32 v11, v3;
	v53 =	vld.idx.msk [tilespmem:v50+s2+$0x0], $0xffff  }
0x36f: {  	v1 =	vadd.f32 v5, v1;
	v56 =	vld.idx.msk [tilespmem:v51+s2+$0x0], $0xffff  }
0x370: {  	v58 =	vor.u32 $0xF, v16;
	v57 =	vor.u32 $0xF, v9;
	v2 =	vadd.f32 v3, v2  }
0x371: {  	[tilespmem:v28+s16+$0x0] =	vst.idx.msk $0xffff, v1;
	v60 =	vor.u32 $0xF, v22;
	v54 =	vmul.f32 v10, v6;
	v55 =	vmul.f32 v13, v8  }
0x372: {  	v62 =	vor.u32 $0xF, v23;
	[tilespmem:v52+s16+$0x0] =	vst.idx.msk $0xffff, v2;
	v1 =	vmul.f32 v14, v12;
	v59 =	vmul.f32 v17, v15  }
0x373: {  	s24 =	sadd.s32 $0x1, s24;
	v3 =	vadd.f32 v55, v54;
	v2 =	vmul.f32 v18, v19;
	v61 =	vmul.f32 v20, v21  }
0x374: {  	p0 =	sne.s32 s24, $0x10;
	v1 =	vadd.f32 v59, v1;
	v7 =	vmul.f32 v53, v25;
	v63 =	vmul.f32 v56, v27  }
.Ltmp3:
0x375: {  	s25 =	sshll.u32 s25, $0xE;
	[tilespmem:v57+s16+$0x0] =	vst.idx.msk $0xffff, v3;
	v2 =	vadd.f32 v61, v2;
	(pc) =	sbr.rel @p0 .LBB2_4-.Ltmp3, $4  }
0x376: {  	s25 =	sadd.s32 s8, s25;
	[tilespmem:v58+s16+$0x0] =	vst.idx.msk $0xffff, v1;
	v1 =	vadd.f32 v63, v7  }
0x377: {  	s20 =	sadd.s32 $0x100, s20;
	s21 =	sadd.s32 $0x100, s21;
	s25 =	sshrl.u32 s25, $0x3;
	[tilespmem:v60+s16+$0x0] =	vst.idx.msk $0xffff, v2  }
0x378: {  	s22 =	sadd.s32 $0x100, s22;
	s23 =	sadd.s32 $0x100, s23;
	s25 =	sadd.s32 s4, s25;
	[tilespmem:v62+s16+$0x0] =	vst.idx.msk $0xffff, v1  }
0x379: {  	[hbm4b:s25+s2] =	stream.linear.scatter [tilespmem:s16], [sflag:$0x2], $0x4000, $0x38;
	[tilespmem:$0x1FD80] =	vst v63  }
0x37a: {  	s18 =	sadd.s32 $0x1, s18  }
0x37b: {  	_ =	swait.ge [sflag:s14], $0x4000;
	p0 =	sne.s32 s18, s9  }
.Ltmp4:
0x37c: {  	[sflag:s14] =	ssyncset.done $0x0;
	(pc) =	sbr.rel @p0 .LBB2_1-.Ltmp4, $4  }
0x37d: {  	[sflag:s14] =	ssyncadd.s32 $0xFFFFC000  }
0x37e: {  	_ =	swait.ge [sflag:s17], $0x4000  }
0x37f: {  	[sflag:s17] =	ssyncset.done $0x0  }
0x380: {  	[sflag:s17] =	ssyncadd.s32 $0xFFFFC000  }
0x381: {  	_ =	sfence.sel $0x180000  }
0x382: {  	[bflag:$0x0] =	sbarrier.arrive $0xFFFF  }
0x383: {  	p0 =	sne.s32 s0, $0x0;
	_ =	strace $0x90000047  }
0x384: {  	s0 =	sadd.s32 @!p0 $0x100000, s1;
	[bflag:$0x2] =	sbarrier.arrive $0xFFFF  }
0x385: {  	[sflag:s0] =	ssyncadd.tile.s32 @!p0 $0x1;
	_ =	shalt  }
.Lfunc_end2:
_tile_overlayer_lowered:
.L_overlay_start_2:
0x386: {  	(tag) =	ssettag $0x2  }
0x387: {  	s0 =	rddreg [dreg:$0x0];
	s2 =	stileid.u32  }
0x388: {  	s1 =	rddreg [dreg:$0x1];
	p0 =	sne.s32 s2, $0x0  }
0x389: {  	s3 =	rddreg [dreg:$0x2];
	[bflag:$0x3] =	sbarrier.arrive $0xFFFF;
	s2 =	simm.s32 @!p0 $0x1C03  }
0x38a: {  	[timem:s3], [sflag:s2] =	dma.local @!p0 [hbm:s0], s1  }
0x38b: {  	s0 =	simm.s32 @!p0 $0x3  }
0x38c: {  	_ =	swait.ge @!p0 [sflag:s0], s1  }
0x38d: {  	s1 =	ssub.s32 @!p0 $0x0, s1;
	[sflag:s0] =	ssyncset.done @!p0 $0x0  }
0x38e: {  	[sflag:s0] =	ssyncadd.s32 @!p0 s1  }
0x38f: {  	[bflag:$0x3] =	sbarrier.arrive $0xFFFF  }
0x390: {  	_ =	shalt  }

</sc_bundles>
